<compile_context>
chip_gen: v7x
topology: tpu7x:2x2x1
jax: 0.10.2.dev20260603
libtpu: 0.0.44.dev20260713+nightly
codegen_flags: <defaults>
</compile_context>

<pallas_src>
import dataclasses
import functools

import jax
import jax.numpy as jnp
from jax import lax
from jax.experimental import pallas as pl
from jax.experimental.pallas import tpu as pltpu
from jax.experimental.pallas import tpu_sc as plsc

N_NODES = 10000
N_EDGES = 320000
D_FEAT = 128
HIDDEN = 64
D_GLOBAL = 16
NUM_GRAPHS = 64

NC = 2
NS = 16
NW = NC * NS
EPW = N_EDGES // NW
CHUNK = 96
NCHUNKS = -(-EPW // CHUNK)
EPW_PAD = NCHUNKS * CHUNK - EPW
Z_ROWS = N_NODES + NS
NBUF = 8
EDGE_DT = jnp.bfloat16
RPS = 624
RPS_LAST = N_NODES - RPS * (NS - 1)
DEG_CHUNK = 2000

BLK = 1024
GRID = (N_NODES + BLK - 1) // BLK



@functools.cache
def _sc_kernels():
    mesh = plsc.VectorSubcoreMesh(core_axis_name="c", subcore_axis_name="s")
    cp = pltpu.CompilerParams()
    if "needs_layout_passes" in pltpu.CompilerParams.__dataclass_fields__:
        cp = dataclasses.replace(cp, needs_layout_passes=False)
    cp_agg = pltpu.CompilerParams(use_tc_tiling_on_sc=False)

    @functools.partial(
        pl.kernel,
        out_type=jax.ShapeDtypeStruct((NW * N_NODES,), jnp.float32),
        mesh=mesh,
        compiler_params=cp,
        scratch_types=[
            pltpu.VMEM((N_NODES,), jnp.float32),
            pltpu.VMEM((DEG_CHUNK,), jnp.int32),
        ],
    )
    def sc_degree(dst_hbm, out_hbm, deg_v, idx_v):
        c = lax.axis_index("c")
        s = lax.axis_index("s")
        wid = s * NC + c

        @pl.loop(0, N_NODES, step=16)
        def _zero(i):
            deg_v[pl.ds(i, 16)] = jnp.zeros((16,), jnp.float32)

        ones = jnp.full((16,), 1.0, jnp.float32)
        base = wid * EPW

        @pl.loop(0, EPW, step=DEG_CHUNK)
        def _outer(e0):
            pltpu.sync_copy(dst_hbm.at[pl.ds(base + e0, DEG_CHUNK)], idx_v)

            @pl.loop(0, DEG_CHUNK, step=16)
            def _inner(j):
                plsc.addupdate_scatter(deg_v, [idx_v[pl.ds(j, 16)]], ones)

        pltpu.sync_copy(deg_v, out_hbm.at[pl.ds(wid * N_NODES, N_NODES)])

    @functools.partial(
        pl.kernel,
        out_type=jax.ShapeDtypeStruct((NC, N_NODES, HIDDEN), EDGE_DT),
        mesh=mesh,
        compiler_params=cp_agg,
        scratch_types=[
            pltpu.VMEM_SHARED((Z_ROWS, HIDDEN), EDGE_DT),
            pltpu.VMEM((NCHUNKS, CHUNK), jnp.int32),
            pltpu.VMEM((NCHUNKS, CHUNK), jnp.int32),
        ] + [pltpu.VMEM((CHUNK, HIDDEN), EDGE_DT)] * NBUF
          + [pltpu.SemaphoreType.DMA] * NBUF,
    )
    def sc_edge_agg(src_hbm, dst_hbm, y_hbm, zero_hbm, out_hbm,
                    z_sh, src_v, dst_v, *bufs_and_sems):
        rbufs = bufs_and_sems[:NBUF]
        sems = bufs_and_sems[NBUF:]
        c = lax.axis_index("c")
        s = lax.axis_index("s")
        wid = s * NC + c

        pltpu.sync_copy(src_hbm.at[wid], src_v)
        pltpu.sync_copy(dst_hbm.at[wid], dst_v)

        for b in range(NBUF):
            pltpu.async_copy(y_hbm.at[src_v.at[b]], rbufs[b], sems[b])

        off = pl.multiple_of(s * RPS, 8)

        @pl.when(s < NS - 1)
        def _zero_main():
            pltpu.sync_copy(zero_hbm.at[pl.ds(off, RPS)],
                            z_sh.at[pl.ds(off, RPS)])

        @pl.when(s == NS - 1)
        def _zero_last():
            pltpu.sync_copy(zero_hbm.at[pl.ds(RPS * (NS - 1), RPS_LAST)],
                            z_sh.at[pl.ds(RPS * (NS - 1), RPS_LAST)])

        plsc.subcore_barrier()

        @pl.loop(0, (NCHUNKS // NBUF) * NBUF, step=NBUF)
        def _pipe(c0):
            for b in range(NBUF):
                pltpu.make_async_copy(
                    y_hbm.at[src_v.at[c0 + b]], rbufs[b], sems[b]).wait()
                pltpu.sync_copy(rbufs[b], z_sh.at[dst_v.at[c0 + b]], add=True)

                @pl.when(c0 + b + NBUF < NCHUNKS)
                def _refill():
                    pltpu.async_copy(
                        y_hbm.at[src_v.at[c0 + b + NBUF]], rbufs[b], sems[b])

        for cr in range((NCHUNKS // NBUF) * NBUF, NCHUNKS):
            b = cr % NBUF
            pltpu.make_async_copy(
                y_hbm.at[src_v.at[cr]], rbufs[b], sems[b]).wait()
            pltpu.sync_copy(rbufs[b], z_sh.at[dst_v.at[cr]], add=True)

        plsc.subcore_barrier()

        @pl.when(s < NS - 1)
        def _out_main():
            pltpu.sync_copy(z_sh.at[pl.ds(off, RPS)],
                            out_hbm.at[c, pl.ds(off, RPS)])

        @pl.when(s == NS - 1)
        def _out_last():
            pltpu.sync_copy(z_sh.at[pl.ds(RPS * (NS - 1), RPS_LAST)],
                            out_hbm.at[c, pl.ds(RPS * (NS - 1), RPS_LAST)])

    return sc_degree, sc_edge_agg



def _dis_from_parts(deg_ref):
    deg = jnp.sum(deg_ref[...], axis=0) + 1.0
    return lax.rsqrt(deg)


def _t1_body(x_ref, w1_ref, deg_ref, y_ref):
    xw = jnp.dot(x_ref[...], w1_ref[...], preferred_element_type=jnp.float32)
    dis = _dis_from_parts(deg_ref)
    y_ref[...] = (xw * dis[:, None]).astype(EDGE_DT)


def _t2_body(z_ref, y1_ref, deg_ref, w2_ref, b1_ref, y2_ref):
    dis = _dis_from_parts(deg_ref)
    z = (z_ref[0] + z_ref[1] + y1_ref[...]).astype(jnp.float32)
    agg = z * dis[:, None] + b1_ref[...]
    h1 = jnp.maximum(agg, 0.0)
    xw2 = jnp.dot(h1, w2_ref[...], preferred_element_type=jnp.float32)
    y2_ref[...] = (xw2 * dis[:, None]).astype(EDGE_DT)


def _t3_body(z_ref, y2_ref, deg_ref, batch_ref, gf_ref, b2_ref,
             wg1_ref, bg1_ref, wg2_ref, bg2_ref,
             wc1_ref, bc1_ref, wc2_ref, bc2_ref,
             out_ref, pooled_acc, cnt_acc):
    i = pl.program_id(0)

    @pl.when(i == 0)
    def _init():
        pooled_acc[...] = jnp.zeros((NUM_GRAPHS, HIDDEN), jnp.float32)
        cnt_acc[...] = jnp.zeros((NUM_GRAPHS, 1), jnp.float32)

    dis = _dis_from_parts(deg_ref)
    z = (z_ref[0] + z_ref[1] + y2_ref[...]).astype(jnp.float32)
    h2 = z * dis[:, None] + b2_ref[...]

    rowid = lax.broadcasted_iota(jnp.int32, (BLK, 1), 0) + i * BLK
    h2 = jnp.where(rowid < N_NODES, h2, 0.0)

    colid = lax.broadcasted_iota(jnp.int32, (1, BLK), 1) + i * BLK
    gids = lax.broadcasted_iota(jnp.int32, (NUM_GRAPHS, 1), 0)
    seg = jnp.where((batch_ref[...] == gids) & (colid < N_NODES), 1.0, 0.0)

    pooled_acc[...] += jnp.dot(seg, h2, preferred_element_type=jnp.float32)
    cnt_acc[...] += jnp.sum(seg, axis=1, keepdims=True)

    @pl.when(i == GRID - 1)
    def _finish():
        pooled = pooled_acc[...] / jnp.maximum(cnt_acc[...], 1.0)
        gh = jnp.maximum(
            jnp.dot(gf_ref[...], wg1_ref[...],
                    preferred_element_type=jnp.float32) + bg1_ref[...], 0.0)
        g = jnp.dot(gh, wg2_ref[...],
                    preferred_element_type=jnp.float32) + bg2_ref[...]
        combined = jnp.concatenate([pooled, g], axis=1)
        hc = jnp.maximum(
            jnp.dot(combined, wc1_ref[...],
                    preferred_element_type=jnp.float32) + bc1_ref[...], 0.0)
        out_ref[...] = jnp.dot(hc, wc2_ref[...],
                               preferred_element_type=jnp.float32) + bc2_ref[...]


def _full(shape):
    return pl.BlockSpec(shape, lambda i: tuple(0 for _ in shape))


def _tc_layer1(x, W1, deg_parts):
    return pl.pallas_call(
        _t1_body,
        grid=(GRID,),
        in_specs=[
            pl.BlockSpec((BLK, D_FEAT), lambda i: (i, 0)),
            _full((D_FEAT, HIDDEN)),
            pl.BlockSpec((NW, BLK), lambda i: (0, i)),
        ],
        out_specs=pl.BlockSpec((BLK, HIDDEN), lambda i: (i, 0)),
        out_shape=jax.ShapeDtypeStruct((N_NODES, HIDDEN), EDGE_DT),
    )(x, W1, deg_parts)


def _tc_layer2(z1, y1, deg_parts, W2, b1):
    return pl.pallas_call(
        _t2_body,
        grid=(GRID,),
        in_specs=[
            pl.BlockSpec((NC, BLK, HIDDEN), lambda i: (0, i, 0)),
            pl.BlockSpec((BLK, HIDDEN), lambda i: (i, 0)),
            pl.BlockSpec((NW, BLK), lambda i: (0, i)),
            _full((HIDDEN, HIDDEN)),
            _full((1, HIDDEN)),
        ],
        out_specs=pl.BlockSpec((BLK, HIDDEN), lambda i: (i, 0)),
        out_shape=jax.ShapeDtypeStruct((N_NODES, HIDDEN), EDGE_DT),
    )(z1, y1, deg_parts, W2, b1)


def _tc_final(z2, y2, deg_parts, batch2d, gf, b2,
              Wg1, bg1, Wg2, bg2, Wc1, bc1, Wc2, bc2):
    return pl.pallas_call(
        _t3_body,
        grid=(GRID,),
        in_specs=[
            pl.BlockSpec((NC, BLK, HIDDEN), lambda i: (0, i, 0)),
            pl.BlockSpec((BLK, HIDDEN), lambda i: (i, 0)),
            pl.BlockSpec((NW, BLK), lambda i: (0, i)),
            pl.BlockSpec((1, BLK), lambda i: (0, i)),
            _full((NUM_GRAPHS, D_GLOBAL)),
            _full((1, HIDDEN)),
            _full((D_GLOBAL, HIDDEN)),
            _full((1, HIDDEN)),
            _full((HIDDEN, HIDDEN)),
            _full((1, HIDDEN)),
            _full((2 * HIDDEN, HIDDEN)),
            _full((1, HIDDEN)),
            _full((HIDDEN, 1)),
            _full((1, 1)),
        ],
        out_specs=_full((NUM_GRAPHS, 1)),
        out_shape=jax.ShapeDtypeStruct((NUM_GRAPHS, 1), jnp.float32),
        scratch_shapes=[
            pltpu.VMEM((NUM_GRAPHS, HIDDEN), jnp.float32),
            pltpu.VMEM((NUM_GRAPHS, 1), jnp.float32),
        ],
    )(z2, y2, deg_parts, batch2d, gf, b2,
      Wg1, bg1, Wg2, bg2, Wc1, bc1, Wc2, bc2)



def kernel(x, edge_index, global_features, batch,
           W1, b1, W2, b2, Wg1, bg1, Wg2, bg2, Wc1, bc1, Wc2, bc2):
    ei = edge_index.astype(jnp.int32)
    src = ei[0]
    dst = ei[1]
    src3 = jnp.concatenate(
        [src.reshape(NW, EPW), jnp.zeros((NW, EPW_PAD), jnp.int32)],
        axis=1).reshape(NW, NCHUNKS, CHUNK)
    pad_rows = (N_NODES + jnp.arange(NW, dtype=jnp.int32) // NC)[:, None]
    dst3 = jnp.concatenate(
        [dst.reshape(NW, EPW),
         jnp.broadcast_to(pad_rows, (NW, EPW_PAD))],
        axis=1).reshape(NW, NCHUNKS, CHUNK)
    batch2d = batch.astype(jnp.int32).reshape(1, N_NODES)
    zeros = jnp.zeros((N_NODES, HIDDEN), EDGE_DT)
    b1r = b1.reshape(1, HIDDEN)
    b2r = b2.reshape(1, HIDDEN)
    bg1r = bg1.reshape(1, HIDDEN)
    bg2r = bg2.reshape(1, HIDDEN)
    bc1r = bc1.reshape(1, HIDDEN)
    bc2r = bc2.reshape(1, 1)

    sc_degree, sc_edge_agg = _sc_kernels()
    deg_parts = sc_degree(dst).reshape(NW, N_NODES)
    y1 = _tc_layer1(x, W1, deg_parts)
    z1 = sc_edge_agg(src3, dst3, y1, zeros)
    y2 = _tc_layer2(z1, y1, deg_parts, W2, b1r)
    z2 = sc_edge_agg(src3, dst3, y2, zeros)
    return _tc_final(z2, y2, deg_parts, batch2d, global_features, b2r,
                     Wg1, bg1r, Wg2, bg2r, Wc1, bc1r, Wc2, bc2r)

# --- scband reference (transcript-rebuilt; emitter-appended) ---
"""Pipeline reference for scband-gnn-7456063225891 (READ-ONLY COPY).

The authoritative reference and input builder live on the scoring server;
editing this copy changes nothing except your own understanding.
"""

import jax, jax.numpy as jnp
import numpy as np

N_NODES = 10000
N_EDGES = 320000
D_FEAT = 128
HIDDEN = 64
D_GLOBAL = 16
NUM_GRAPHS = 64


def setup_inputs(seed: int = 0) -> dict:
    key = jax.random.key(seed)
    ks = jax.random.split(key, 16)
    x = jax.random.normal(ks[0], (N_NODES, D_FEAT), dtype=jnp.float32)
    edge_index = jax.random.randint(ks[1], (2, N_EDGES), 0, N_NODES, dtype=jnp.int64)
    global_features = jax.random.normal(ks[2], (NUM_GRAPHS, D_GLOBAL), dtype=jnp.float32)
    batch = jnp.sort(jax.random.randint(ks[3], (N_NODES,), 0, NUM_GRAPHS, dtype=jnp.int64))
    s1 = 1.0 / np.sqrt(D_FEAT)
    s2 = 1.0 / np.sqrt(HIDDEN)
    sg = 1.0 / np.sqrt(D_GLOBAL)
    sc = 1.0 / np.sqrt(2 * HIDDEN)
    W1 = jax.random.normal(ks[4], (D_FEAT, HIDDEN), dtype=jnp.float32) * s1
    b1 = jnp.zeros((HIDDEN,), dtype=jnp.float32)
    W2 = jax.random.normal(ks[5], (HIDDEN, HIDDEN), dtype=jnp.float32) * s2
    b2 = jnp.zeros((HIDDEN,), dtype=jnp.float32)
    Wg1 = jax.random.normal(ks[6], (D_GLOBAL, HIDDEN), dtype=jnp.float32) * sg
    bg1 = jnp.zeros((HIDDEN,), dtype=jnp.float32)
    Wg2 = jax.random.normal(ks[7], (HIDDEN, HIDDEN), dtype=jnp.float32) * s2
    bg2 = jnp.zeros((HIDDEN,), dtype=jnp.float32)
    Wc1 = jax.random.normal(ks[8], (2 * HIDDEN, HIDDEN), dtype=jnp.float32) * sc
    bc1 = jnp.zeros((HIDDEN,), dtype=jnp.float32)
    Wc2 = jax.random.normal(ks[9], (HIDDEN, 1), dtype=jnp.float32) * s2
    bc2 = jnp.zeros((1,), dtype=jnp.float32)
    return {"x": x, "edge_index": edge_index, "global_features": global_features, "batch": batch,
            "W1": W1, "b1": b1, "W2": W2, "b2": b2,
            "Wg1": Wg1, "bg1": bg1, "Wg2": Wg2, "bg2": bg2,
            "Wc1": Wc1, "bc1": bc1, "Wc2": Wc2, "bc2": bc2}


def _gcn_conv(x, edge_index, W, b, n_nodes):
    # PyG-style GCNConv: add self-loops, symmetric normalization, linear-then-aggregate
    src = edge_index[0]
    dst = edge_index[1]
    loop = jnp.arange(n_nodes, dtype=src.dtype)
    src = jnp.concatenate([src, loop])
    dst = jnp.concatenate([dst, loop])
    xw = x @ W
    deg = jnp.zeros((n_nodes,), dtype=x.dtype).at[dst].add(1.0)
    dis = jax.lax.rsqrt(jnp.maximum(deg, 1.0))
    norm = dis[src] * dis[dst]
    msgs = jnp.take(xw, src, axis=0) * norm[:, None]
    out = jnp.zeros((n_nodes, W.shape[1]), dtype=x.dtype).at[dst].add(msgs)
    return out + b


def _global_mean_pool(x, batch, num_graphs):
    s = jax.ops.segment_sum(x, batch, num_segments=num_graphs)
    cnt = jax.ops.segment_sum(jnp.ones((x.shape[0],), dtype=x.dtype), batch, num_segments=num_graphs)
    return s / jnp.maximum(cnt, 1.0)[:, None]


def reference(x, edge_index, global_features, batch, W1, b1, W2, b2, Wg1, bg1, Wg2, bg2, Wc1, bc1, Wc2, bc2):
    n = x.shape[0]
    h = _gcn_conv(x, edge_index, W1, b1, n)
    h = jax.nn.relu(h)
    # dropout p=0.2 skipped (eval mode / training=False)
    h = _gcn_conv(h, edge_index, W2, b2, n)
    pooled = _global_mean_pool(h, batch, NUM_GRAPHS)
    g = jax.nn.relu(global_features @ Wg1 + bg1) @ Wg2 + bg2
    combined = jnp.concatenate([pooled, g], axis=1)
    out = jax.nn.relu(combined @ Wc1 + bc1) @ Wc2 + bc2
    return out

if __name__ == "__main__":
    import jax
    _d = setup_inputs()
    print(jax.jit(kernel)(*tuple(_d.values())))

</pallas_src>

<mosaic_0001>
#map = affine_map<(d0, d1) -> (0, 0, 0)>
#map1 = affine_map<(d0, d1) -> (0, 0)>
module attributes {stable_mosaic.version = 14 : i64} {
  func.func @sc_edge_agg(%arg0: i32, %arg1: i32, %arg2: memref<32x105x96xi32, #tpu.memory_space<hbm>>, %arg3: memref<32x105x96xi32, #tpu.memory_space<hbm>>, %arg4: memref<10000x64xbf16, #tpu.memory_space<hbm>>, %arg5: memref<10000x64xbf16, #tpu.memory_space<hbm>>, %arg6: memref<2x10000x64xbf16, #tpu.memory_space<hbm>>, %arg7: memref<10016x64xbf16, #tpu.memory_space<vmem_shared>>, %arg8: memref<105x96xi32, #tpu.memory_space<vmem>>, %arg9: memref<105x96xi32, #tpu.memory_space<vmem>>, %arg10: memref<96x64xbf16, #tpu.memory_space<vmem>>, %arg11: memref<96x64xbf16, #tpu.memory_space<vmem>>, %arg12: memref<96x64xbf16, #tpu.memory_space<vmem>>, %arg13: memref<96x64xbf16, #tpu.memory_space<vmem>>, %arg14: memref<96x64xbf16, #tpu.memory_space<vmem>>, %arg15: memref<96x64xbf16, #tpu.memory_space<vmem>>, %arg16: memref<96x64xbf16, #tpu.memory_space<vmem>>, %arg17: memref<96x64xbf16, #tpu.memory_space<vmem>>, %arg18: memref<!tpu.dma_semaphore, #tpu.memory_space<semaphore_mem>>, %arg19: memref<!tpu.dma_semaphore, #tpu.memory_space<semaphore_mem>>, %arg20: memref<!tpu.dma_semaphore, #tpu.memory_space<semaphore_mem>>, %arg21: memref<!tpu.dma_semaphore, #tpu.memory_space<semaphore_mem>>, %arg22: memref<!tpu.dma_semaphore, #tpu.memory_space<semaphore_mem>>, %arg23: memref<!tpu.dma_semaphore, #tpu.memory_space<semaphore_mem>>, %arg24: memref<!tpu.dma_semaphore, #tpu.memory_space<semaphore_mem>>, %arg25: memref<!tpu.dma_semaphore, #tpu.memory_space<semaphore_mem>>) attributes {dimension_semantics = [#tpu.dimension_semantics<core_parallel>, #tpu.dimension_semantics<subcore_parallel>], iteration_bounds = array<i64: 2, 16>, scalar_prefetch = 0 : i64, scratch_operands = 19 : i64, tpu.core_type = #tpu.core_type<sc_vector_subcore>, window_params = [{transform_indices = #map}, {transform_indices = #map}, {transform_indices = #map1}, {transform_indices = #map1}, {transform_indices = #map}]} {
    %mul3A = arith.constant 2 : i32
    %mul3A_0 = arith.muli %arg1, %mul3A : i32
    %add3A = arith.addi %mul3A_0, %arg0 : i32
    "tpu.region"() ({
      %run_scoped3A_85 = tpu.sem_alloc : memref<!tpu.dma_semaphore, #tpu.memory_space<semaphore_mem>>
      %dma_start3A_86 = arith.constant 0 : i32
      %dma_start3A_87 = arith.constant 0 : i32
      %dma_start3A_88 = tpu.memref_slice %arg2[%add3A, %dma_start3A_86, %dma_start3A_87] : memref<32x105x96xi32, #tpu.memory_space<hbm>> -> memref<1x105x96xi32, #tpu.memory_space<hbm>>
      %dma_start3A_89 = tpu.memref_squeeze %dma_start3A_88 : memref<1x105x96xi32, #tpu.memory_space<hbm>> -> memref<105x96xi32, #tpu.memory_space<hbm>>
      %dma_start3A_90 = arith.constant 0 : i32
      %dma_start3A_91 = arith.constant 0 : i32
      %dma_start3A_92 = tpu.memref_slice %arg2[%add3A, %dma_start3A_90, %dma_start3A_91] : memref<32x105x96xi32, #tpu.memory_space<hbm>> -> memref<1x105x96xi32, #tpu.memory_space<hbm>>
      %dma_start3A_93 = tpu.memref_squeeze %dma_start3A_92 : memref<1x105x96xi32, #tpu.memory_space<hbm>> -> memref<105x96xi32, #tpu.memory_space<hbm>>
      tpu.enqueue_dma source(%dma_start3A_93 : memref<105x96xi32, #tpu.memory_space<hbm>>) target(%arg8 : memref<105x96xi32, #tpu.memory_space<vmem>>) target_semaphore(%run_scoped3A_85 : memref<!tpu.dma_semaphore, #tpu.memory_space<semaphore_mem>>)
      %dma_wait3A_94 = arith.constant 0 : i32
      %dma_wait3A_95 = arith.constant 0 : i32
      %dma_wait3A_96 = tpu.memref_slice %arg2[%add3A, %dma_wait3A_94, %dma_wait3A_95] : memref<32x105x96xi32, #tpu.memory_space<hbm>> -> memref<1x105x96xi32, #tpu.memory_space<hbm>>
      %dma_wait3A_97 = tpu.memref_squeeze %dma_wait3A_96 : memref<1x105x96xi32, #tpu.memory_space<hbm>> -> memref<105x96xi32, #tpu.memory_space<hbm>>
      %dma_wait3A_98 = arith.constant 0 : i32
      %dma_wait3A_99 = arith.constant 0 : i32
      %dma_wait3A_100 = tpu.memref_slice %arg2[%add3A, %dma_wait3A_98, %dma_wait3A_99] : memref<32x105x96xi32, #tpu.memory_space<hbm>> -> memref<1x105x96xi32, #tpu.memory_space<hbm>>
      %dma_wait3A_101 = tpu.memref_squeeze %dma_wait3A_100 : memref<1x105x96xi32, #tpu.memory_space<hbm>> -> memref<105x96xi32, #tpu.memory_space<hbm>>
      tpu.wait_dma2 semaphore(%run_scoped3A_85 : memref<!tpu.dma_semaphore, #tpu.memory_space<semaphore_mem>>) src(%dma_wait3A_101 : memref<105x96xi32, #tpu.memory_space<hbm>>) dst(%arg8 : memref<105x96xi32, #tpu.memory_space<vmem>>)
      tpu.yield
    }) : () -> ()
    "tpu.region"() ({
      %run_scoped3A_85 = tpu.sem_alloc : memref<!tpu.dma_semaphore, #tpu.memory_space<semaphore_mem>>
      %dma_start3A_86 = arith.constant 0 : i32
      %dma_start3A_87 = arith.constant 0 : i32
      %dma_start3A_88 = tpu.memref_slice %arg3[%add3A, %dma_start3A_86, %dma_start3A_87] : memref<32x105x96xi32, #tpu.memory_space<hbm>> -> memref<1x105x96xi32, #tpu.memory_space<hbm>>
      %dma_start3A_89 = tpu.memref_squeeze %dma_start3A_88 : memref<1x105x96xi32, #tpu.memory_space<hbm>> -> memref<105x96xi32, #tpu.memory_space<hbm>>
      %dma_start3A_90 = arith.constant 0 : i32
      %dma_start3A_91 = arith.constant 0 : i32
      %dma_start3A_92 = tpu.memref_slice %arg3[%add3A, %dma_start3A_90, %dma_start3A_91] : memref<32x105x96xi32, #tpu.memory_space<hbm>> -> memref<1x105x96xi32, #tpu.memory_space<hbm>>
      %dma_start3A_93 = tpu.memref_squeeze %dma_start3A_92 : memref<1x105x96xi32, #tpu.memory_space<hbm>> -> memref<105x96xi32, #tpu.memory_space<hbm>>
      tpu.enqueue_dma source(%dma_start3A_93 : memref<105x96xi32, #tpu.memory_space<hbm>>) target(%arg9 : memref<105x96xi32, #tpu.memory_space<vmem>>) target_semaphore(%run_scoped3A_85 : memref<!tpu.dma_semaphore, #tpu.memory_space<semaphore_mem>>)
      %dma_wait3A_94 = arith.constant 0 : i32
      %dma_wait3A_95 = arith.constant 0 : i32
      %dma_wait3A_96 = tpu.memref_slice %arg3[%add3A, %dma_wait3A_94, %dma_wait3A_95] : memref<32x105x96xi32, #tpu.memory_space<hbm>> -> memref<1x105x96xi32, #tpu.memory_space<hbm>>
      %dma_wait3A_97 = tpu.memref_squeeze %dma_wait3A_96 : memref<1x105x96xi32, #tpu.memory_space<hbm>> -> memref<105x96xi32, #tpu.memory_space<hbm>>
      %dma_wait3A_98 = arith.constant 0 : i32
      %dma_wait3A_99 = arith.constant 0 : i32
      %dma_wait3A_100 = tpu.memref_slice %arg3[%add3A, %dma_wait3A_98, %dma_wait3A_99] : memref<32x105x96xi32, #tpu.memory_space<hbm>> -> memref<1x105x96xi32, #tpu.memory_space<hbm>>
      %dma_wait3A_101 = tpu.memref_squeeze %dma_wait3A_100 : memref<1x105x96xi32, #tpu.memory_space<hbm>> -> memref<105x96xi32, #tpu.memory_space<hbm>>
      tpu.wait_dma2 semaphore(%run_scoped3A_85 : memref<!tpu.dma_semaphore, #tpu.memory_space<semaphore_mem>>) src(%dma_wait3A_101 : memref<105x96xi32, #tpu.memory_space<hbm>>) dst(%arg9 : memref<105x96xi32, #tpu.memory_space<vmem>>)
      tpu.yield
    }) : () -> ()
    %dma_start3A = arith.constant 0 : i32
    %dma_start3A_1 = arith.constant 0 : i32
    %dma_start3A_2 = tpu.memref_slice %arg8[%dma_start3A, %dma_start3A_1] : memref<105x96xi32, #tpu.memory_space<vmem>> -> memref<1x96xi32, #tpu.memory_space<vmem>>
    %dma_start3A_3 = tpu.memref_squeeze %dma_start3A_2 : memref<1x96xi32, #tpu.memory_space<vmem>> -> memref<96xi32, #tpu.memory_space<vmem>>
    %dma_start3A_4 = arith.constant 0 : i32
    %dma_start3A_5 = arith.constant 0 : i32
    %dma_start3A_6 = tpu.memref_slice %arg4[%dma_start3A_4, %dma_start3A_5] : memref<10000x64xbf16, #tpu.memory_space<hbm>> -> memref<10000x64xbf16, #tpu.memory_space<hbm>>
    tpu.enqueue_indirect_dma source(%dma_start3A_6 : memref<10000x64xbf16, #tpu.memory_space<hbm>>) target(%arg10 : memref<96x64xbf16, #tpu.memory_space<vmem>>) offsets(%dma_start3A_3 : memref<96xi32, #tpu.memory_space<vmem>>) semaphore(%arg18 : memref<!tpu.dma_semaphore, #tpu.memory_space<semaphore_mem>>)
    %dma_start3A_7 = arith.constant 1 : i32
    %dma_start3A_8 = arith.constant 0 : i32
    %dma_start3A_9 = tpu.memref_slice %arg8[%dma_start3A_7, %dma_start3A_8] : memref<105x96xi32, #tpu.memory_space<vmem>> -> memref<1x96xi32, #tpu.memory_space<vmem>>
    %dma_start3A_10 = tpu.memref_squeeze %dma_start3A_9 : memref<1x96xi32, #tpu.memory_space<vmem>> -> memref<96xi32, #tpu.memory_space<vmem>>
    %dma_start3A_11 = arith.constant 0 : i32
    %dma_start3A_12 = arith.constant 0 : i32
    %dma_start3A_13 = tpu.memref_slice %arg4[%dma_start3A_11, %dma_start3A_12] : memref<10000x64xbf16, #tpu.memory_space<hbm>> -> memref<10000x64xbf16, #tpu.memory_space<hbm>>
    tpu.enqueue_indirect_dma source(%dma_start3A_13 : memref<10000x64xbf16, #tpu.memory_space<hbm>>) target(%arg11 : memref<96x64xbf16, #tpu.memory_space<vmem>>) offsets(%dma_start3A_10 : memref<96xi32, #tpu.memory_space<vmem>>) semaphore(%arg19 : memref<!tpu.dma_semaphore, #tpu.memory_space<semaphore_mem>>)
    %dma_start3A_14 = arith.constant 2 : i32
    %dma_start3A_15 = arith.constant 0 : i32
    %dma_start3A_16 = tpu.memref_slice %arg8[%dma_start3A_14, %dma_start3A_15] : memref<105x96xi32, #tpu.memory_space<vmem>> -> memref<1x96xi32, #tpu.memory_space<vmem>>
    %dma_start3A_17 = tpu.memref_squeeze %dma_start3A_16 : memref<1x96xi32, #tpu.memory_space<vmem>> -> memref<96xi32, #tpu.memory_space<vmem>>
    %dma_start3A_18 = arith.constant 0 : i32
    %dma_start3A_19 = arith.constant 0 : i32
    %dma_start3A_20 = tpu.memref_slice %arg4[%dma_start3A_18, %dma_start3A_19] : memref<10000x64xbf16, #tpu.memory_space<hbm>> -> memref<10000x64xbf16, #tpu.memory_space<hbm>>
    tpu.enqueue_indirect_dma source(%dma_start3A_20 : memref<10000x64xbf16, #tpu.memory_space<hbm>>) target(%arg12 : memref<96x64xbf16, #tpu.memory_space<vmem>>) offsets(%dma_start3A_17 : memref<96xi32, #tpu.memory_space<vmem>>) semaphore(%arg20 : memref<!tpu.dma_semaphore, #tpu.memory_space<semaphore_mem>>)
    %dma_start3A_21 = arith.constant 3 : i32
    %dma_start3A_22 = arith.constant 0 : i32
    %dma_start3A_23 = tpu.memref_slice %arg8[%dma_start3A_21, %dma_start3A_22] : memref<105x96xi32, #tpu.memory_space<vmem>> -> memref<1x96xi32, #tpu.memory_space<vmem>>
    %dma_start3A_24 = tpu.memref_squeeze %dma_start3A_23 : memref<1x96xi32, #tpu.memory_space<vmem>> -> memref<96xi32, #tpu.memory_space<vmem>>
    %dma_start3A_25 = arith.constant 0 : i32
    %dma_start3A_26 = arith.constant 0 : i32
    %dma_start3A_27 = tpu.memref_slice %arg4[%dma_start3A_25, %dma_start3A_26] : memref<10000x64xbf16, #tpu.memory_space<hbm>> -> memref<10000x64xbf16, #tpu.memory_space<hbm>>
    tpu.enqueue_indirect_dma source(%dma_start3A_27 : memref<10000x64xbf16, #tpu.memory_space<hbm>>) target(%arg13 : memref<96x64xbf16, #tpu.memory_space<vmem>>) offsets(%dma_start3A_24 : memref<96xi32, #tpu.memory_space<vmem>>) semaphore(%arg21 : memref<!tpu.dma_semaphore, #tpu.memory_space<semaphore_mem>>)
    %dma_start3A_28 = arith.constant 4 : i32
    %dma_start3A_29 = arith.constant 0 : i32
    %dma_start3A_30 = tpu.memref_slice %arg8[%dma_start3A_28, %dma_start3A_29] : memref<105x96xi32, #tpu.memory_space<vmem>> -> memref<1x96xi32, #tpu.memory_space<vmem>>
    %dma_start3A_31 = tpu.memref_squeeze %dma_start3A_30 : memref<1x96xi32, #tpu.memory_space<vmem>> -> memref<96xi32, #tpu.memory_space<vmem>>
    %dma_start3A_32 = arith.constant 0 : i32
    %dma_start3A_33 = arith.constant 0 : i32
    %dma_start3A_34 = tpu.memref_slice %arg4[%dma_start3A_32, %dma_start3A_33] : memref<10000x64xbf16, #tpu.memory_space<hbm>> -> memref<10000x64xbf16, #tpu.memory_space<hbm>>
    tpu.enqueue_indirect_dma source(%dma_start3A_34 : memref<10000x64xbf16, #tpu.memory_space<hbm>>) target(%arg14 : memref<96x64xbf16, #tpu.memory_space<vmem>>) offsets(%dma_start3A_31 : memref<96xi32, #tpu.memory_space<vmem>>) semaphore(%arg22 : memref<!tpu.dma_semaphore, #tpu.memory_space<semaphore_mem>>)
    %dma_start3A_35 = arith.constant 5 : i32
    %dma_start3A_36 = arith.constant 0 : i32
    %dma_start3A_37 = tpu.memref_slice %arg8[%dma_start3A_35, %dma_start3A_36] : memref<105x96xi32, #tpu.memory_space<vmem>> -> memref<1x96xi32, #tpu.memory_space<vmem>>
    %dma_start3A_38 = tpu.memref_squeeze %dma_start3A_37 : memref<1x96xi32, #tpu.memory_space<vmem>> -> memref<96xi32, #tpu.memory_space<vmem>>
    %dma_start3A_39 = arith.constant 0 : i32
    %dma_start3A_40 = arith.constant 0 : i32
    %dma_start3A_41 = tpu.memref_slice %arg4[%dma_start3A_39, %dma_start3A_40] : memref<10000x64xbf16, #tpu.memory_space<hbm>> -> memref<10000x64xbf16, #tpu.memory_space<hbm>>
    tpu.enqueue_indirect_dma source(%dma_start3A_41 : memref<10000x64xbf16, #tpu.memory_space<hbm>>) target(%arg15 : memref<96x64xbf16, #tpu.memory_space<vmem>>) offsets(%dma_start3A_38 : memref<96xi32, #tpu.memory_space<vmem>>) semaphore(%arg23 : memref<!tpu.dma_semaphore, #tpu.memory_space<semaphore_mem>>)
    %dma_start3A_42 = arith.constant 6 : i32
    %dma_start3A_43 = arith.constant 0 : i32
    %dma_start3A_44 = tpu.memref_slice %arg8[%dma_start3A_42, %dma_start3A_43] : memref<105x96xi32, #tpu.memory_space<vmem>> -> memref<1x96xi32, #tpu.memory_space<vmem>>
    %dma_start3A_45 = tpu.memref_squeeze %dma_start3A_44 : memref<1x96xi32, #tpu.memory_space<vmem>> -> memref<96xi32, #tpu.memory_space<vmem>>
    %dma_start3A_46 = arith.constant 0 : i32
    %dma_start3A_47 = arith.constant 0 : i32
    %dma_start3A_48 = tpu.memref_slice %arg4[%dma_start3A_46, %dma_start3A_47] : memref<10000x64xbf16, #tpu.memory_space<hbm>> -> memref<10000x64xbf16, #tpu.memory_space<hbm>>
    tpu.enqueue_indirect_dma source(%dma_start3A_48 : memref<10000x64xbf16, #tpu.memory_space<hbm>>) target(%arg16 : memref<96x64xbf16, #tpu.memory_space<vmem>>) offsets(%dma_start3A_45 : memref<96xi32, #tpu.memory_space<vmem>>) semaphore(%arg24 : memref<!tpu.dma_semaphore, #tpu.memory_space<semaphore_mem>>)
    %dma_start3A_49 = arith.constant 7 : i32
    %dma_start3A_50 = arith.constant 0 : i32
    %dma_start3A_51 = tpu.memref_slice %arg8[%dma_start3A_49, %dma_start3A_50] : memref<105x96xi32, #tpu.memory_space<vmem>> -> memref<1x96xi32, #tpu.memory_space<vmem>>
    %dma_start3A_52 = tpu.memref_squeeze %dma_start3A_51 : memref<1x96xi32, #tpu.memory_space<vmem>> -> memref<96xi32, #tpu.memory_space<vmem>>
    %dma_start3A_53 = arith.constant 0 : i32
    %dma_start3A_54 = arith.constant 0 : i32
    %dma_start3A_55 = tpu.memref_slice %arg4[%dma_start3A_53, %dma_start3A_54] : memref<10000x64xbf16, #tpu.memory_space<hbm>> -> memref<10000x64xbf16, #tpu.memory_space<hbm>>
    tpu.enqueue_indirect_dma source(%dma_start3A_55 : memref<10000x64xbf16, #tpu.memory_space<hbm>>) target(%arg17 : memref<96x64xbf16, #tpu.memory_space<vmem>>) offsets(%dma_start3A_52 : memref<96xi32, #tpu.memory_space<vmem>>) semaphore(%arg25 : memref<!tpu.dma_semaphore, #tpu.memory_space<semaphore_mem>>)
    %mul3A_56 = arith.constant 624 : i32
    %mul3A_57 = arith.muli %arg1, %mul3A_56 : i32
    %multiple_of3A = tpu.assume_multiple %mul3A_57, 8 : i32
    %lt3A = arith.constant 15 : i32
    %lt3A_58 = arith.cmpi slt, %arg1, %lt3A : i32
    %convert_element_type3A = arith.extui %lt3A_58 : i1 to i32
    %cond3A = arith.constant 0 : i32
    %cond3A_59 = arith.cmpi ne, %convert_element_type3A, %cond3A : i32
    scf.if %cond3A_59 {
      "tpu.region"() ({
        %run_scoped3A_85 = tpu.sem_alloc : memref<!tpu.dma_semaphore, #tpu.memory_space<semaphore_mem>>
        %dma_start3A_86 = arith.constant 0 : i32
        %dma_start3A_87 = tpu.memref_slice %arg7[%multiple_of3A, %dma_start3A_86] : memref<10016x64xbf16, #tpu.memory_space<vmem_shared>> -> memref<624x64xbf16, #tpu.memory_space<vmem_shared>>
        %dma_start3A_88 = arith.constant 0 : i32
        %dma_start3A_89 = tpu.memref_slice %arg5[%multiple_of3A, %dma_start3A_88] : memref<10000x64xbf16, #tpu.memory_space<hbm>> -> memref<624x64xbf16, #tpu.memory_space<hbm>>
        tpu.enqueue_dma source(%dma_start3A_89 : memref<624x64xbf16, #tpu.memory_space<hbm>>) target(%dma_start3A_87 : memref<624x64xbf16, #tpu.memory_space<vmem_shared>>) target_semaphore(%run_scoped3A_85 : memref<!tpu.dma_semaphore, #tpu.memory_space<semaphore_mem>>)
        %dma_wait3A_90 = arith.constant 0 : i32
        %dma_wait3A_91 = tpu.memref_slice %arg7[%multiple_of3A, %dma_wait3A_90] : memref<10016x64xbf16, #tpu.memory_space<vmem_shared>> -> memref<624x64xbf16, #tpu.memory_space<vmem_shared>>
        %dma_wait3A_92 = arith.constant 0 : i32
        %dma_wait3A_93 = tpu.memref_slice %arg5[%multiple_of3A, %dma_wait3A_92] : memref<10000x64xbf16, #tpu.memory_space<hbm>> -> memref<624x64xbf16, #tpu.memory_space<hbm>>
        tpu.wait_dma2 semaphore(%run_scoped3A_85 : memref<!tpu.dma_semaphore, #tpu.memory_space<semaphore_mem>>) src(%dma_wait3A_93 : memref<624x64xbf16, #tpu.memory_space<hbm>>) dst(%dma_wait3A_91 : memref<624x64xbf16, #tpu.memory_space<vmem_shared>>)
        tpu.yield
      }) : () -> ()
    } else {
    }
    %eq3A = arith.constant 15 : i32
    %eq3A_60 = arith.cmpi eq, %arg1, %eq3A : i32
    %convert_element_type3A_61 = arith.extui %eq3A_60 : i1 to i32
    %cond3A_62 = arith.constant 0 : i32
    %cond3A_63 = arith.cmpi ne, %convert_element_type3A_61, %cond3A_62 : i32
    scf.if %cond3A_63 {
      "tpu.region"() ({
        %run_scoped3A_85 = tpu.sem_alloc : memref<!tpu.dma_semaphore, #tpu.memory_space<semaphore_mem>>
        %dma_start3A_86 = arith.constant 9360 : i32
        %dma_start3A_87 = arith.constant 0 : i32
        %dma_start3A_88 = tpu.memref_slice %arg7[%dma_start3A_86, %dma_start3A_87] : memref<10016x64xbf16, #tpu.memory_space<vmem_shared>> -> memref<640x64xbf16, #tpu.memory_space<vmem_shared>>
        %dma_start3A_89 = arith.constant 9360 : i32
        %dma_start3A_90 = arith.constant 0 : i32
        %dma_start3A_91 = tpu.memref_slice %arg5[%dma_start3A_89, %dma_start3A_90] : memref<10000x64xbf16, #tpu.memory_space<hbm>> -> memref<640x64xbf16, #tpu.memory_space<hbm>>
        tpu.enqueue_dma source(%dma_start3A_91 : memref<640x64xbf16, #tpu.memory_space<hbm>>) target(%dma_start3A_88 : memref<640x64xbf16, #tpu.memory_space<vmem_shared>>) target_semaphore(%run_scoped3A_85 : memref<!tpu.dma_semaphore, #tpu.memory_space<semaphore_mem>>)
        %dma_wait3A_92 = arith.constant 9360 : i32
        %dma_wait3A_93 = arith.constant 0 : i32
        %dma_wait3A_94 = tpu.memref_slice %arg7[%dma_wait3A_92, %dma_wait3A_93] : memref<10016x64xbf16, #tpu.memory_space<vmem_shared>> -> memref<640x64xbf16, #tpu.memory_space<vmem_shared>>
        %dma_wait3A_95 = arith.constant 9360 : i32
        %dma_wait3A_96 = arith.constant 0 : i32
        %dma_wait3A_97 = tpu.memref_slice %arg5[%dma_wait3A_95, %dma_wait3A_96] : memref<10000x64xbf16, #tpu.memory_space<hbm>> -> memref<640x64xbf16, #tpu.memory_space<hbm>>
        tpu.wait_dma2 semaphore(%run_scoped3A_85 : memref<!tpu.dma_semaphore, #tpu.memory_space<semaphore_mem>>) src(%dma_wait3A_97 : memref<640x64xbf16, #tpu.memory_space<hbm>>) dst(%dma_wait3A_94 : memref<640x64xbf16, #tpu.memory_space<vmem_shared>>)
        tpu.yield
      }) : () -> ()
    } else {
    }
    %barrier3A = arith.constant 0 : index
    tpu.barrier barrier_id(%barrier3A)
    %scan3A = arith.constant 0 : i32
    %scan3A_64 = arith.constant 13 : i32
    %scan3A_65 = arith.addi %scan3A, %scan3A_64 : i32
    %scan3A_66 = arith.constant 1 : i32
    scf.for %scan3A_85 = %scan3A to %scan3A_65 step %scan3A_66  : i32 {
      %mul3A_86 = arith.constant 8 : i32
      %mul3A_87 = arith.muli %scan3A_85, %mul3A_86 : i32
      %add3A_88 = arith.constant 0 : i32
      %add3A_89 = arith.addi %add3A_88, %mul3A_87 : i32
      %add3A_90 = arith.constant 0 : i32
      %add3A_91 = arith.addi %add3A_89, %add3A_90 : i32
      %dma_wait3A_92 = arith.constant 0 : i32
      %dma_wait3A_93 = tpu.memref_slice %arg8[%add3A_91, %dma_wait3A_92] : memref<105x96xi32, #tpu.memory_space<vmem>> -> memref<1x96xi32, #tpu.memory_space<vmem>>
      %dma_wait3A_94 = tpu.memref_squeeze %dma_wait3A_93 : memref<1x96xi32, #tpu.memory_space<vmem>> -> memref<96xi32, #tpu.memory_space<vmem>>
      %dma_wait3A_95 = arith.constant 0 : i32
      %dma_wait3A_96 = arith.constant 0 : i32
      %dma_wait3A_97 = tpu.memref_slice %arg4[%dma_wait3A_95, %dma_wait3A_96] : memref<10000x64xbf16, #tpu.memory_space<hbm>> -> memref<10000x64xbf16, #tpu.memory_space<hbm>>
      tpu.wait_indirect_dma semaphore(%arg18 : memref<!tpu.dma_semaphore, #tpu.memory_space<semaphore_mem>>) src(%dma_wait3A_97 : memref<10000x64xbf16, #tpu.memory_space<hbm>>) dst(%arg10 : memref<96x64xbf16, #tpu.memory_space<vmem>>)
      %add3A_98 = arith.constant 0 : i32
      %add3A_99 = arith.addi %add3A_89, %add3A_98 : i32
      "tpu.region"() ({
        %run_scoped3A_242 = tpu.sem_alloc : memref<!tpu.dma_semaphore, #tpu.memory_space<semaphore_mem>>
        %dma_start3A_243 = arith.constant 0 : i32
        %dma_start3A_244 = tpu.memref_slice %arg9[%add3A_99, %dma_start3A_243] : memref<105x96xi32, #tpu.memory_space<vmem>> -> memref<1x96xi32, #tpu.memory_space<vmem>>
        %dma_start3A_245 = tpu.memref_squeeze %dma_start3A_244 : memref<1x96xi32, #tpu.memory_space<vmem>> -> memref<96xi32, #tpu.memory_space<vmem>>
        %dma_start3A_246 = arith.constant 0 : i32
        %dma_start3A_247 = arith.constant 0 : i32
        %dma_start3A_248 = tpu.memref_slice %arg7[%dma_start3A_246, %dma_start3A_247] : memref<10016x64xbf16, #tpu.memory_space<vmem_shared>> -> memref<10016x64xbf16, #tpu.memory_space<vmem_shared>>
        tpu.enqueue_indirect_dma source(%arg10 : memref<96x64xbf16, #tpu.memory_space<vmem>>) target(%dma_start3A_248 : memref<10016x64xbf16, #tpu.memory_space<vmem_shared>>) offsets(%dma_start3A_245 : memref<96xi32, #tpu.memory_space<vmem>>) semaphore(%run_scoped3A_242 : memref<!tpu.dma_semaphore, #tpu.memory_space<semaphore_mem>>) {add = true}
        %dma_wait3A_249 = arith.constant 0 : i32
        %dma_wait3A_250 = tpu.memref_slice %arg9[%add3A_99, %dma_wait3A_249] : memref<105x96xi32, #tpu.memory_space<vmem>> -> memref<1x96xi32, #tpu.memory_space<vmem>>
        %dma_wait3A_251 = tpu.memref_squeeze %dma_wait3A_250 : memref<1x96xi32, #tpu.memory_space<vmem>> -> memref<96xi32, #tpu.memory_space<vmem>>
        %dma_wait3A_252 = arith.constant 0 : i32
        %dma_wait3A_253 = arith.constant 0 : i32
        %dma_wait3A_254 = tpu.memref_slice %arg7[%dma_wait3A_252, %dma_wait3A_253] : memref<10016x64xbf16, #tpu.memory_space<vmem_shared>> -> memref<10016x64xbf16, #tpu.memory_space<vmem_shared>>
        tpu.wait_indirect_dma semaphore(%run_scoped3A_242 : memref<!tpu.dma_semaphore, #tpu.memory_space<semaphore_mem>>) src(%arg10 : memref<96x64xbf16, #tpu.memory_space<vmem>>) dst(%dma_wait3A_254 : memref<10016x64xbf16, #tpu.memory_space<vmem_shared>>)
        tpu.yield
      }) : () -> ()
      %add3A_100 = arith.constant 0 : i32
      %add3A_101 = arith.addi %add3A_89, %add3A_100 : i32
      %add3A_102 = arith.constant 8 : i32
      %add3A_103 = arith.addi %add3A_101, %add3A_102 : i32
      %lt3A_104 = arith.constant 105 : i32
      %lt3A_105 = arith.cmpi slt, %add3A_103, %lt3A_104 : i32
      %convert_element_type3A_106 = arith.extui %lt3A_105 : i1 to i32
      %cond3A_107 = arith.constant 0 : i32
      %cond3A_108 = arith.cmpi ne, %convert_element_type3A_106, %cond3A_107 : i32
      scf.if %cond3A_108 {
        %add3A_242 = arith.constant 0 : i32
        %add3A_243 = arith.addi %add3A_89, %add3A_242 : i32
        %add3A_244 = arith.constant 8 : i32
        %add3A_245 = arith.addi %add3A_243, %add3A_244 : i32
        %dma_start3A_246 = arith.constant 0 : i32
        %dma_start3A_247 = tpu.memref_slice %arg8[%add3A_245, %dma_start3A_246] : memref<105x96xi32, #tpu.memory_space<vmem>> -> memref<1x96xi32, #tpu.memory_space<vmem>>
        %dma_start3A_248 = tpu.memref_squeeze %dma_start3A_247 : memref<1x96xi32, #tpu.memory_space<vmem>> -> memref<96xi32, #tpu.memory_space<vmem>>
        %dma_start3A_249 = arith.constant 0 : i32
        %dma_start3A_250 = arith.constant 0 : i32
        %dma_start3A_251 = tpu.memref_slice %arg4[%dma_start3A_249, %dma_start3A_250] : memref<10000x64xbf16, #tpu.memory_space<hbm>> -> memref<10000x64xbf16, #tpu.memory_space<hbm>>
        tpu.enqueue_indirect_dma source(%dma_start3A_251 : memref<10000x64xbf16, #tpu.memory_space<hbm>>) target(%arg10 : memref<96x64xbf16, #tpu.memory_space<vmem>>) offsets(%dma_start3A_248 : memref<96xi32, #tpu.memory_space<vmem>>) semaphore(%arg18 : memref<!tpu.dma_semaphore, #tpu.memory_space<semaphore_mem>>)
      } else {
      }
      %add3A_109 = arith.constant 1 : i32
      %add3A_110 = arith.addi %add3A_89, %add3A_109 : i32
      %dma_wait3A_111 = arith.constant 0 : i32
      %dma_wait3A_112 = tpu.memref_slice %arg8[%add3A_110, %dma_wait3A_111] : memref<105x96xi32, #tpu.memory_space<vmem>> -> memref<1x96xi32, #tpu.memory_space<vmem>>
      %dma_wait3A_113 = tpu.memref_squeeze %dma_wait3A_112 : memref<1x96xi32, #tpu.memory_space<vmem>> -> memref<96xi32, #tpu.memory_space<vmem>>
      %dma_wait3A_114 = arith.constant 0 : i32
      %dma_wait3A_115 = arith.constant 0 : i32
      %dma_wait3A_116 = tpu.memref_slice %arg4[%dma_wait3A_114, %dma_wait3A_115] : memref<10000x64xbf16, #tpu.memory_space<hbm>> -> memref<10000x64xbf16, #tpu.memory_space<hbm>>
      tpu.wait_indirect_dma semaphore(%arg19 : memref<!tpu.dma_semaphore, #tpu.memory_space<semaphore_mem>>) src(%dma_wait3A_116 : memref<10000x64xbf16, #tpu.memory_space<hbm>>) dst(%arg11 : memref<96x64xbf16, #tpu.memory_space<vmem>>)
      %add3A_117 = arith.constant 1 : i32
      %add3A_118 = arith.addi %add3A_89, %add3A_117 : i32
      "tpu.region"() ({
        %run_scoped3A_242 = tpu.sem_alloc : memref<!tpu.dma_semaphore, #tpu.memory_space<semaphore_mem>>
        %dma_start3A_243 = arith.constant 0 : i32
        %dma_start3A_244 = tpu.memref_slice %arg9[%add3A_118, %dma_start3A_243] : memref<105x96xi32, #tpu.memory_space<vmem>> -> memref<1x96xi32, #tpu.memory_space<vmem>>
        %dma_start3A_245 = tpu.memref_squeeze %dma_start3A_244 : memref<1x96xi32, #tpu.memory_space<vmem>> -> memref<96xi32, #tpu.memory_space<vmem>>
        %dma_start3A_246 = arith.constant 0 : i32
        %dma_start3A_247 = arith.constant 0 : i32
        %dma_start3A_248 = tpu.memref_slice %arg7[%dma_start3A_246, %dma_start3A_247] : memref<10016x64xbf16, #tpu.memory_space<vmem_shared>> -> memref<10016x64xbf16, #tpu.memory_space<vmem_shared>>
        tpu.enqueue_indirect_dma source(%arg11 : memref<96x64xbf16, #tpu.memory_space<vmem>>) target(%dma_start3A_248 : memref<10016x64xbf16, #tpu.memory_space<vmem_shared>>) offsets(%dma_start3A_245 : memref<96xi32, #tpu.memory_space<vmem>>) semaphore(%run_scoped3A_242 : memref<!tpu.dma_semaphore, #tpu.memory_space<semaphore_mem>>) {add = true}
        %dma_wait3A_249 = arith.constant 0 : i32
        %dma_wait3A_250 = tpu.memref_slice %arg9[%add3A_118, %dma_wait3A_249] : memref<105x96xi32, #tpu.memory_space<vmem>> -> memref<1x96xi32, #tpu.memory_space<vmem>>
        %dma_wait3A_251 = tpu.memref_squeeze %dma_wait3A_250 : memref<1x96xi32, #tpu.memory_space<vmem>> -> memref<96xi32, #tpu.memory_space<vmem>>
        %dma_wait3A_252 = arith.constant 0 : i32
        %dma_wait3A_253 = arith.constant 0 : i32
        %dma_wait3A_254 = tpu.memref_slice %arg7[%dma_wait3A_252, %dma_wait3A_253] : memref<10016x64xbf16, #tpu.memory_space<vmem_shared>> -> memref<10016x64xbf16, #tpu.memory_space<vmem_shared>>
        tpu.wait_indirect_dma semaphore(%run_scoped3A_242 : memref<!tpu.dma_semaphore, #tpu.memory_space<semaphore_mem>>) src(%arg11 : memref<96x64xbf16, #tpu.memory_space<vmem>>) dst(%dma_wait3A_254 : memref<10016x64xbf16, #tpu.memory_space<vmem_shared>>)
        tpu.yield
      }) : () -> ()
      %add3A_119 = arith.constant 1 : i32
      %add3A_120 = arith.addi %add3A_89, %add3A_119 : i32
      %add3A_121 = arith.constant 8 : i32
      %add3A_122 = arith.addi %add3A_120, %add3A_121 : i32
      %lt3A_123 = arith.constant 105 : i32
      %lt3A_124 = arith.cmpi slt, %add3A_122, %lt3A_123 : i32
      %convert_element_type3A_125 = arith.extui %lt3A_124 : i1 to i32
      %cond3A_126 = arith.constant 0 : i32
      %cond3A_127 = arith.cmpi ne, %convert_element_type3A_125, %cond3A_126 : i32
      scf.if %cond3A_127 {
        %add3A_242 = arith.constant 1 : i32
        %add3A_243 = arith.addi %add3A_89, %add3A_242 : i32
        %add3A_244 = arith.constant 8 : i32
        %add3A_245 = arith.addi %add3A_243, %add3A_244 : i32
        %dma_start3A_246 = arith.constant 0 : i32
        %dma_start3A_247 = tpu.memref_slice %arg8[%add3A_245, %dma_start3A_246] : memref<105x96xi32, #tpu.memory_space<vmem>> -> memref<1x96xi32, #tpu.memory_space<vmem>>
        %dma_start3A_248 = tpu.memref_squeeze %dma_start3A_247 : memref<1x96xi32, #tpu.memory_space<vmem>> -> memref<96xi32, #tpu.memory_space<vmem>>
        %dma_start3A_249 = arith.constant 0 : i32
        %dma_start3A_250 = arith.constant 0 : i32
        %dma_start3A_251 = tpu.memref_slice %arg4[%dma_start3A_249, %dma_start3A_250] : memref<10000x64xbf16, #tpu.memory_space<hbm>> -> memref<10000x64xbf16, #tpu.memory_space<hbm>>
        tpu.enqueue_indirect_dma source(%dma_start3A_251 : memref<10000x64xbf16, #tpu.memory_space<hbm>>) target(%arg11 : memref<96x64xbf16, #tpu.memory_space<vmem>>) offsets(%dma_start3A_248 : memref<96xi32, #tpu.memory_space<vmem>>) semaphore(%arg19 : memref<!tpu.dma_semaphore, #tpu.memory_space<semaphore_mem>>)
      } else {
      }
      %add3A_128 = arith.constant 2 : i32
      %add3A_129 = arith.addi %add3A_89, %add3A_128 : i32
      %dma_wait3A_130 = arith.constant 0 : i32
      %dma_wait3A_131 = tpu.memref_slice %arg8[%add3A_129, %dma_wait3A_130] : memref<105x96xi32, #tpu.memory_space<vmem>> -> memref<1x96xi32, #tpu.memory_space<vmem>>
      %dma_wait3A_132 = tpu.memref_squeeze %dma_wait3A_131 : memref<1x96xi32, #tpu.memory_space<vmem>> -> memref<96xi32, #tpu.memory_space<vmem>>
      %dma_wait3A_133 = arith.constant 0 : i32
      %dma_wait3A_134 = arith.constant 0 : i32
      %dma_wait3A_135 = tpu.memref_slice %arg4[%dma_wait3A_133, %dma_wait3A_134] : memref<10000x64xbf16, #tpu.memory_space<hbm>> -> memref<10000x64xbf16, #tpu.memory_space<hbm>>
      tpu.wait_indirect_dma semaphore(%arg20 : memref<!tpu.dma_semaphore, #tpu.memory_space<semaphore_mem>>) src(%dma_wait3A_135 : memref<10000x64xbf16, #tpu.memory_space<hbm>>) dst(%arg12 : memref<96x64xbf16, #tpu.memory_space<vmem>>)
      %add3A_136 = arith.constant 2 : i32
      %add3A_137 = arith.addi %add3A_89, %add3A_136 : i32
      "tpu.region"() ({
        %run_scoped3A_242 = tpu.sem_alloc : memref<!tpu.dma_semaphore, #tpu.memory_space<semaphore_mem>>
        %dma_start3A_243 = arith.constant 0 : i32
        %dma_start3A_244 = tpu.memref_slice %arg9[%add3A_137, %dma_start3A_243] : memref<105x96xi32, #tpu.memory_space<vmem>> -> memref<1x96xi32, #tpu.memory_space<vmem>>
        %dma_start3A_245 = tpu.memref_squeeze %dma_start3A_244 : memref<1x96xi32, #tpu.memory_space<vmem>> -> memref<96xi32, #tpu.memory_space<vmem>>
        %dma_start3A_246 = arith.constant 0 : i32
        %dma_start3A_247 = arith.constant 0 : i32
        %dma_start3A_248 = tpu.memref_slice %arg7[%dma_start3A_246, %dma_start3A_247] : memref<10016x64xbf16, #tpu.memory_space<vmem_shared>> -> memref<10016x64xbf16, #tpu.memory_space<vmem_shared>>
        tpu.enqueue_indirect_dma source(%arg12 : memref<96x64xbf16, #tpu.memory_space<vmem>>) target(%dma_start3A_248 : memref<10016x64xbf16, #tpu.memory_space<vmem_shared>>) offsets(%dma_start3A_245 : memref<96xi32, #tpu.memory_space<vmem>>) semaphore(%run_scoped3A_242 : memref<!tpu.dma_semaphore, #tpu.memory_space<semaphore_mem>>) {add = true}
        %dma_wait3A_249 = arith.constant 0 : i32
        %dma_wait3A_250 = tpu.memref_slice %arg9[%add3A_137, %dma_wait3A_249] : memref<105x96xi32, #tpu.memory_space<vmem>> -> memref<1x96xi32, #tpu.memory_space<vmem>>
        %dma_wait3A_251 = tpu.memref_squeeze %dma_wait3A_250 : memref<1x96xi32, #tpu.memory_space<vmem>> -> memref<96xi32, #tpu.memory_space<vmem>>
        %dma_wait3A_252 = arith.constant 0 : i32
        %dma_wait3A_253 = arith.constant 0 : i32
        %dma_wait3A_254 = tpu.memref_slice %arg7[%dma_wait3A_252, %dma_wait3A_253] : memref<10016x64xbf16, #tpu.memory_space<vmem_shared>> -> memref<10016x64xbf16, #tpu.memory_space<vmem_shared>>
        tpu.wait_indirect_dma semaphore(%run_scoped3A_242 : memref<!tpu.dma_semaphore, #tpu.memory_space<semaphore_mem>>) src(%arg12 : memref<96x64xbf16, #tpu.memory_space<vmem>>) dst(%dma_wait3A_254 : memref<10016x64xbf16, #tpu.memory_space<vmem_shared>>)
        tpu.yield
      }) : () -> ()
      %add3A_138 = arith.constant 2 : i32
      %add3A_139 = arith.addi %add3A_89, %add3A_138 : i32
      %add3A_140 = arith.constant 8 : i32
      %add3A_141 = arith.addi %add3A_139, %add3A_140 : i32
      %lt3A_142 = arith.constant 105 : i32
      %lt3A_143 = arith.cmpi slt, %add3A_141, %lt3A_142 : i32
      %convert_element_type3A_144 = arith.extui %lt3A_143 : i1 to i32
      %cond3A_145 = arith.constant 0 : i32
      %cond3A_146 = arith.cmpi ne, %convert_element_type3A_144, %cond3A_145 : i32
      scf.if %cond3A_146 {
        %add3A_242 = arith.constant 2 : i32
        %add3A_243 = arith.addi %add3A_89, %add3A_242 : i32
        %add3A_244 = arith.constant 8 : i32
        %add3A_245 = arith.addi %add3A_243, %add3A_244 : i32
        %dma_start3A_246 = arith.constant 0 : i32
        %dma_start3A_247 = tpu.memref_slice %arg8[%add3A_245, %dma_start3A_246] : memref<105x96xi32, #tpu.memory_space<vmem>> -> memref<1x96xi32, #tpu.memory_space<vmem>>
        %dma_start3A_248 = tpu.memref_squeeze %dma_start3A_247 : memref<1x96xi32, #tpu.memory_space<vmem>> -> memref<96xi32, #tpu.memory_space<vmem>>
        %dma_start3A_249 = arith.constant 0 : i32
        %dma_start3A_250 = arith.constant 0 : i32
        %dma_start3A_251 = tpu.memref_slice %arg4[%dma_start3A_249, %dma_start3A_250] : memref<10000x64xbf16, #tpu.memory_space<hbm>> -> memref<10000x64xbf16, #tpu.memory_space<hbm>>
        tpu.enqueue_indirect_dma source(%dma_start3A_251 : memref<10000x64xbf16, #tpu.memory_space<hbm>>) target(%arg12 : memref<96x64xbf16, #tpu.memory_space<vmem>>) offsets(%dma_start3A_248 : memref<96xi32, #tpu.memory_space<vmem>>) semaphore(%arg20 : memref<!tpu.dma_semaphore, #tpu.memory_space<semaphore_mem>>)
      } else {
      }
      %add3A_147 = arith.constant 3 : i32
      %add3A_148 = arith.addi %add3A_89, %add3A_147 : i32
      %dma_wait3A_149 = arith.constant 0 : i32
      %dma_wait3A_150 = tpu.memref_slice %arg8[%add3A_148, %dma_wait3A_149] : memref<105x96xi32, #tpu.memory_space<vmem>> -> memref<1x96xi32, #tpu.memory_space<vmem>>
      %dma_wait3A_151 = tpu.memref_squeeze %dma_wait3A_150 : memref<1x96xi32, #tpu.memory_space<vmem>> -> memref<96xi32, #tpu.memory_space<vmem>>
      %dma_wait3A_152 = arith.constant 0 : i32
      %dma_wait3A_153 = arith.constant 0 : i32
      %dma_wait3A_154 = tpu.memref_slice %arg4[%dma_wait3A_152, %dma_wait3A_153] : memref<10000x64xbf16, #tpu.memory_space<hbm>> -> memref<10000x64xbf16, #tpu.memory_space<hbm>>
      tpu.wait_indirect_dma semaphore(%arg21 : memref<!tpu.dma_semaphore, #tpu.memory_space<semaphore_mem>>) src(%dma_wait3A_154 : memref<10000x64xbf16, #tpu.memory_space<hbm>>) dst(%arg13 : memref<96x64xbf16, #tpu.memory_space<vmem>>)
      %add3A_155 = arith.constant 3 : i32
      %add3A_156 = arith.addi %add3A_89, %add3A_155 : i32
      "tpu.region"() ({
        %run_scoped3A_242 = tpu.sem_alloc : memref<!tpu.dma_semaphore, #tpu.memory_space<semaphore_mem>>
        %dma_start3A_243 = arith.constant 0 : i32
        %dma_start3A_244 = tpu.memref_slice %arg9[%add3A_156, %dma_start3A_243] : memref<105x96xi32, #tpu.memory_space<vmem>> -> memref<1x96xi32, #tpu.memory_space<vmem>>
        %dma_start3A_245 = tpu.memref_squeeze %dma_start3A_244 : memref<1x96xi32, #tpu.memory_space<vmem>> -> memref<96xi32, #tpu.memory_space<vmem>>
        %dma_start3A_246 = arith.constant 0 : i32
        %dma_start3A_247 = arith.constant 0 : i32
        %dma_start3A_248 = tpu.memref_slice %arg7[%dma_start3A_246, %dma_start3A_247] : memref<10016x64xbf16, #tpu.memory_space<vmem_shared>> -> memref<10016x64xbf16, #tpu.memory_space<vmem_shared>>
        tpu.enqueue_indirect_dma source(%arg13 : memref<96x64xbf16, #tpu.memory_space<vmem>>) target(%dma_start3A_248 : memref<10016x64xbf16, #tpu.memory_space<vmem_shared>>) offsets(%dma_start3A_245 : memref<96xi32, #tpu.memory_space<vmem>>) semaphore(%run_scoped3A_242 : memref<!tpu.dma_semaphore, #tpu.memory_space<semaphore_mem>>) {add = true}
        %dma_wait3A_249 = arith.constant 0 : i32
        %dma_wait3A_250 = tpu.memref_slice %arg9[%add3A_156, %dma_wait3A_249] : memref<105x96xi32, #tpu.memory_space<vmem>> -> memref<1x96xi32, #tpu.memory_space<vmem>>
        %dma_wait3A_251 = tpu.memref_squeeze %dma_wait3A_250 : memref<1x96xi32, #tpu.memory_space<vmem>> -> memref<96xi32, #tpu.memory_space<vmem>>
        %dma_wait3A_252 = arith.constant 0 : i32
        %dma_wait3A_253 = arith.constant 0 : i32
        %dma_wait3A_254 = tpu.memref_slice %arg7[%dma_wait3A_252, %dma_wait3A_253] : memref<10016x64xbf16, #tpu.memory_space<vmem_shared>> -> memref<10016x64xbf16, #tpu.memory_space<vmem_shared>>
        tpu.wait_indirect_dma semaphore(%run_scoped3A_242 : memref<!tpu.dma_semaphore, #tpu.memory_space<semaphore_mem>>) src(%arg13 : memref<96x64xbf16, #tpu.memory_space<vmem>>) dst(%dma_wait3A_254 : memref<10016x64xbf16, #tpu.memory_space<vmem_shared>>)
        tpu.yield
      }) : () -> ()
      %add3A_157 = arith.constant 3 : i32
      %add3A_158 = arith.addi %add3A_89, %add3A_157 : i32
      %add3A_159 = arith.constant 8 : i32
      %add3A_160 = arith.addi %add3A_158, %add3A_159 : i32
      %lt3A_161 = arith.constant 105 : i32
      %lt3A_162 = arith.cmpi slt, %add3A_160, %lt3A_161 : i32
      %convert_element_type3A_163 = arith.extui %lt3A_162 : i1 to i32
      %cond3A_164 = arith.constant 0 : i32
      %cond3A_165 = arith.cmpi ne, %convert_element_type3A_163, %cond3A_164 : i32
      scf.if %cond3A_165 {
        %add3A_242 = arith.constant 3 : i32
        %add3A_243 = arith.addi %add3A_89, %add3A_242 : i32
        %add3A_244 = arith.constant 8 : i32
        %add3A_245 = arith.addi %add3A_243, %add3A_244 : i32
        %dma_start3A_246 = arith.constant 0 : i32
        %dma_start3A_247 = tpu.memref_slice %arg8[%add3A_245, %dma_start3A_246] : memref<105x96xi32, #tpu.memory_space<vmem>> -> memref<1x96xi32, #tpu.memory_space<vmem>>
        %dma_start3A_248 = tpu.memref_squeeze %dma_start3A_247 : memref<1x96xi32, #tpu.memory_space<vmem>> -> memref<96xi32, #tpu.memory_space<vmem>>
        %dma_start3A_249 = arith.constant 0 : i32
        %dma_start3A_250 = arith.constant 0 : i32
        %dma_start3A_251 = tpu.memref_slice %arg4[%dma_start3A_249, %dma_start3A_250] : memref<10000x64xbf16, #tpu.memory_space<hbm>> -> memref<10000x64xbf16, #tpu.memory_space<hbm>>
        tpu.enqueue_indirect_dma source(%dma_start3A_251 : memref<10000x64xbf16, #tpu.memory_space<hbm>>) target(%arg13 : memref<96x64xbf16, #tpu.memory_space<vmem>>) offsets(%dma_start3A_248 : memref<96xi32, #tpu.memory_space<vmem>>) semaphore(%arg21 : memref<!tpu.dma_semaphore, #tpu.memory_space<semaphore_mem>>)
      } else {
      }
      %add3A_166 = arith.constant 4 : i32
      %add3A_167 = arith.addi %add3A_89, %add3A_166 : i32
      %dma_wait3A_168 = arith.constant 0 : i32
      %dma_wait3A_169 = tpu.memref_slice %arg8[%add3A_167, %dma_wait3A_168] : memref<105x96xi32, #tpu.memory_space<vmem>> -> memref<1x96xi32, #tpu.memory_space<vmem>>
      %dma_wait3A_170 = tpu.memref_squeeze %dma_wait3A_169 : memref<1x96xi32, #tpu.memory_space<vmem>> -> memref<96xi32, #tpu.memory_space<vmem>>
      %dma_wait3A_171 = arith.constant 0 : i32
      %dma_wait3A_172 = arith.constant 0 : i32
      %dma_wait3A_173 = tpu.memref_slice %arg4[%dma_wait3A_171, %dma_wait3A_172] : memref<10000x64xbf16, #tpu.memory_space<hbm>> -> memref<10000x64xbf16, #tpu.memory_space<hbm>>
      tpu.wait_indirect_dma semaphore(%arg22 : memref<!tpu.dma_semaphore, #tpu.memory_space<semaphore_mem>>) src(%dma_wait3A_173 : memref<10000x64xbf16, #tpu.memory_space<hbm>>) dst(%arg14 : memref<96x64xbf16, #tpu.memory_space<vmem>>)
      %add3A_174 = arith.constant 4 : i32
      %add3A_175 = arith.addi %add3A_89, %add3A_174 : i32
      "tpu.region"() ({
        %run_scoped3A_242 = tpu.sem_alloc : memref<!tpu.dma_semaphore, #tpu.memory_space<semaphore_mem>>
        %dma_start3A_243 = arith.constant 0 : i32
        %dma_start3A_244 = tpu.memref_slice %arg9[%add3A_175, %dma_start3A_243] : memref<105x96xi32, #tpu.memory_space<vmem>> -> memref<1x96xi32, #tpu.memory_space<vmem>>
        %dma_start3A_245 = tpu.memref_squeeze %dma_start3A_244 : memref<1x96xi32, #tpu.memory_space<vmem>> -> memref<96xi32, #tpu.memory_space<vmem>>
        %dma_start3A_246 = arith.constant 0 : i32
        %dma_start3A_247 = arith.constant 0 : i32
        %dma_start3A_248 = tpu.memref_slice %arg7[%dma_start3A_246, %dma_start3A_247] : memref<10016x64xbf16, #tpu.memory_space<vmem_shared>> -> memref<10016x64xbf16, #tpu.memory_space<vmem_shared>>
        tpu.enqueue_indirect_dma source(%arg14 : memref<96x64xbf16, #tpu.memory_space<vmem>>) target(%dma_start3A_248 : memref<10016x64xbf16, #tpu.memory_space<vmem_shared>>) offsets(%dma_start3A_245 : memref<96xi32, #tpu.memory_space<vmem>>) semaphore(%run_scoped3A_242 : memref<!tpu.dma_semaphore, #tpu.memory_space<semaphore_mem>>) {add = true}
        %dma_wait3A_249 = arith.constant 0 : i32
        %dma_wait3A_250 = tpu.memref_slice %arg9[%add3A_175, %dma_wait3A_249] : memref<105x96xi32, #tpu.memory_space<vmem>> -> memref<1x96xi32, #tpu.memory_space<vmem>>
        %dma_wait3A_251 = tpu.memref_squeeze %dma_wait3A_250 : memref<1x96xi32, #tpu.memory_space<vmem>> -> memref<96xi32, #tpu.memory_space<vmem>>
        %dma_wait3A_252 = arith.constant 0 : i32
        %dma_wait3A_253 = arith.constant 0 : i32
        %dma_wait3A_254 = tpu.memref_slice %arg7[%dma_wait3A_252, %dma_wait3A_253] : memref<10016x64xbf16, #tpu.memory_space<vmem_shared>> -> memref<10016x64xbf16, #tpu.memory_space<vmem_shared>>
        tpu.wait_indirect_dma semaphore(%run_scoped3A_242 : memref<!tpu.dma_semaphore, #tpu.memory_space<semaphore_mem>>) src(%arg14 : memref<96x64xbf16, #tpu.memory_space<vmem>>) dst(%dma_wait3A_254 : memref<10016x64xbf16, #tpu.memory_space<vmem_shared>>)
        tpu.yield
      }) : () -> ()
      %add3A_176 = arith.constant 4 : i32
      %add3A_177 = arith.addi %add3A_89, %add3A_176 : i32
      %add3A_178 = arith.constant 8 : i32
      %add3A_179 = arith.addi %add3A_177, %add3A_178 : i32
      %lt3A_180 = arith.constant 105 : i32
      %lt3A_181 = arith.cmpi slt, %add3A_179, %lt3A_180 : i32
      %convert_element_type3A_182 = arith.extui %lt3A_181 : i1 to i32
      %cond3A_183 = arith.constant 0 : i32
      %cond3A_184 = arith.cmpi ne, %convert_element_type3A_182, %cond3A_183 : i32
      scf.if %cond3A_184 {
        %add3A_242 = arith.constant 4 : i32
        %add3A_243 = arith.addi %add3A_89, %add3A_242 : i32
        %add3A_244 = arith.constant 8 : i32
        %add3A_245 = arith.addi %add3A_243, %add3A_244 : i32
        %dma_start3A_246 = arith.constant 0 : i32
        %dma_start3A_247 = tpu.memref_slice %arg8[%add3A_245, %dma_start3A_246] : memref<105x96xi32, #tpu.memory_space<vmem>> -> memref<1x96xi32, #tpu.memory_space<vmem>>
        %dma_start3A_248 = tpu.memref_squeeze %dma_start3A_247 : memref<1x96xi32, #tpu.memory_space<vmem>> -> memref<96xi32, #tpu.memory_space<vmem>>
        %dma_start3A_249 = arith.constant 0 : i32
        %dma_start3A_250 = arith.constant 0 : i32
        %dma_start3A_251 = tpu.memref_slice %arg4[%dma_start3A_249, %dma_start3A_250] : memref<10000x64xbf16, #tpu.memory_space<hbm>> -> memref<10000x64xbf16, #tpu.memory_space<hbm>>
        tpu.enqueue_indirect_dma source(%dma_start3A_251 : memref<10000x64xbf16, #tpu.memory_space<hbm>>) target(%arg14 : memref<96x64xbf16, #tpu.memory_space<vmem>>) offsets(%dma_start3A_248 : memref<96xi32, #tpu.memory_space<vmem>>) semaphore(%arg22 : memref<!tpu.dma_semaphore, #tpu.memory_space<semaphore_mem>>)
      } else {
      }
      %add3A_185 = arith.constant 5 : i32
      %add3A_186 = arith.addi %add3A_89, %add3A_185 : i32
      %dma_wait3A_187 = arith.constant 0 : i32
      %dma_wait3A_188 = tpu.memref_slice %arg8[%add3A_186, %dma_wait3A_187] : memref<105x96xi32, #tpu.memory_space<vmem>> -> memref<1x96xi32, #tpu.memory_space<vmem>>
      %dma_wait3A_189 = tpu.memref_squeeze %dma_wait3A_188 : memref<1x96xi32, #tpu.memory_space<vmem>> -> memref<96xi32, #tpu.memory_space<vmem>>
      %dma_wait3A_190 = arith.constant 0 : i32
      %dma_wait3A_191 = arith.constant 0 : i32
      %dma_wait3A_192 = tpu.memref_slice %arg4[%dma_wait3A_190, %dma_wait3A_191] : memref<10000x64xbf16, #tpu.memory_space<hbm>> -> memref<10000x64xbf16, #tpu.memory_space<hbm>>
      tpu.wait_indirect_dma semaphore(%arg23 : memref<!tpu.dma_semaphore, #tpu.memory_space<semaphore_mem>>) src(%dma_wait3A_192 : memref<10000x64xbf16, #tpu.memory_space<hbm>>) dst(%arg15 : memref<96x64xbf16, #tpu.memory_space<vmem>>)
      %add3A_193 = arith.constant 5 : i32
      %add3A_194 = arith.addi %add3A_89, %add3A_193 : i32
      "tpu.region"() ({
        %run_scoped3A_242 = tpu.sem_alloc : memref<!tpu.dma_semaphore, #tpu.memory_space<semaphore_mem>>
        %dma_start3A_243 = arith.constant 0 : i32
        %dma_start3A_244 = tpu.memref_slice %arg9[%add3A_194, %dma_start3A_243] : memref<105x96xi32, #tpu.memory_space<vmem>> -> memref<1x96xi32, #tpu.memory_space<vmem>>
        %dma_start3A_245 = tpu.memref_squeeze %dma_start3A_244 : memref<1x96xi32, #tpu.memory_space<vmem>> -> memref<96xi32, #tpu.memory_space<vmem>>
        %dma_start3A_246 = arith.constant 0 : i32
        %dma_start3A_247 = arith.constant 0 : i32
        %dma_start3A_248 = tpu.memref_slice %arg7[%dma_start3A_246, %dma_start3A_247] : memref<10016x64xbf16, #tpu.memory_space<vmem_shared>> -> memref<10016x64xbf16, #tpu.memory_space<vmem_shared>>
        tpu.enqueue_indirect_dma source(%arg15 : memref<96x64xbf16, #tpu.memory_space<vmem>>) target(%dma_start3A_248 : memref<10016x64xbf16, #tpu.memory_space<vmem_shared>>) offsets(%dma_start3A_245 : memref<96xi32, #tpu.memory_space<vmem>>) semaphore(%run_scoped3A_242 : memref<!tpu.dma_semaphore, #tpu.memory_space<semaphore_mem>>) {add = true}
        %dma_wait3A_249 = arith.constant 0 : i32
        %dma_wait3A_250 = tpu.memref_slice %arg9[%add3A_194, %dma_wait3A_249] : memref<105x96xi32, #tpu.memory_space<vmem>> -> memref<1x96xi32, #tpu.memory_space<vmem>>
        %dma_wait3A_251 = tpu.memref_squeeze %dma_wait3A_250 : memref<1x96xi32, #tpu.memory_space<vmem>> -> memref<96xi32, #tpu.memory_space<vmem>>
        %dma_wait3A_252 = arith.constant 0 : i32
        %dma_wait3A_253 = arith.constant 0 : i32
        %dma_wait3A_254 = tpu.memref_slice %arg7[%dma_wait3A_252, %dma_wait3A_253] : memref<10016x64xbf16, #tpu.memory_space<vmem_shared>> -> memref<10016x64xbf16, #tpu.memory_space<vmem_shared>>
        tpu.wait_indirect_dma semaphore(%run_scoped3A_242 : memref<!tpu.dma_semaphore, #tpu.memory_space<semaphore_mem>>) src(%arg15 : memref<96x64xbf16, #tpu.memory_space<vmem>>) dst(%dma_wait3A_254 : memref<10016x64xbf16, #tpu.memory_space<vmem_shared>>)
        tpu.yield
      }) : () -> ()
      %add3A_195 = arith.constant 5 : i32
      %add3A_196 = arith.addi %add3A_89, %add3A_195 : i32
      %add3A_197 = arith.constant 8 : i32
      %add3A_198 = arith.addi %add3A_196, %add3A_197 : i32
      %lt3A_199 = arith.constant 105 : i32
      %lt3A_200 = arith.cmpi slt, %add3A_198, %lt3A_199 : i32
      %convert_element_type3A_201 = arith.extui %lt3A_200 : i1 to i32
      %cond3A_202 = arith.constant 0 : i32
      %cond3A_203 = arith.cmpi ne, %convert_element_type3A_201, %cond3A_202 : i32
      scf.if %cond3A_203 {
        %add3A_242 = arith.constant 5 : i32
        %add3A_243 = arith.addi %add3A_89, %add3A_242 : i32
        %add3A_244 = arith.constant 8 : i32
        %add3A_245 = arith.addi %add3A_243, %add3A_244 : i32
        %dma_start3A_246 = arith.constant 0 : i32
        %dma_start3A_247 = tpu.memref_slice %arg8[%add3A_245, %dma_start3A_246] : memref<105x96xi32, #tpu.memory_space<vmem>> -> memref<1x96xi32, #tpu.memory_space<vmem>>
        %dma_start3A_248 = tpu.memref_squeeze %dma_start3A_247 : memref<1x96xi32, #tpu.memory_space<vmem>> -> memref<96xi32, #tpu.memory_space<vmem>>
        %dma_start3A_249 = arith.constant 0 : i32
        %dma_start3A_250 = arith.constant 0 : i32
        %dma_start3A_251 = tpu.memref_slice %arg4[%dma_start3A_249, %dma_start3A_250] : memref<10000x64xbf16, #tpu.memory_space<hbm>> -> memref<10000x64xbf16, #tpu.memory_space<hbm>>
        tpu.enqueue_indirect_dma source(%dma_start3A_251 : memref<10000x64xbf16, #tpu.memory_space<hbm>>) target(%arg15 : memref<96x64xbf16, #tpu.memory_space<vmem>>) offsets(%dma_start3A_248 : memref<96xi32, #tpu.memory_space<vmem>>) semaphore(%arg23 : memref<!tpu.dma_semaphore, #tpu.memory_space<semaphore_mem>>)
      } else {
      }
      %add3A_204 = arith.constant 6 : i32
      %add3A_205 = arith.addi %add3A_89, %add3A_204 : i32
      %dma_wait3A_206 = arith.constant 0 : i32
      %dma_wait3A_207 = tpu.memref_slice %arg8[%add3A_205, %dma_wait3A_206] : memref<105x96xi32, #tpu.memory_space<vmem>> -> memref<1x96xi32, #tpu.memory_space<vmem>>
      %dma_wait3A_208 = tpu.memref_squeeze %dma_wait3A_207 : memref<1x96xi32, #tpu.memory_space<vmem>> -> memref<96xi32, #tpu.memory_space<vmem>>
      %dma_wait3A_209 = arith.constant 0 : i32
      %dma_wait3A_210 = arith.constant 0 : i32
      %dma_wait3A_211 = tpu.memref_slice %arg4[%dma_wait3A_209, %dma_wait3A_210] : memref<10000x64xbf16, #tpu.memory_space<hbm>> -> memref<10000x64xbf16, #tpu.memory_space<hbm>>
      tpu.wait_indirect_dma semaphore(%arg24 : memref<!tpu.dma_semaphore, #tpu.memory_space<semaphore_mem>>) src(%dma_wait3A_211 : memref<10000x64xbf16, #tpu.memory_space<hbm>>) dst(%arg16 : memref<96x64xbf16, #tpu.memory_space<vmem>>)
      %add3A_212 = arith.constant 6 : i32
      %add3A_213 = arith.addi %add3A_89, %add3A_212 : i32
      "tpu.region"() ({
        %run_scoped3A_242 = tpu.sem_alloc : memref<!tpu.dma_semaphore, #tpu.memory_space<semaphore_mem>>
        %dma_start3A_243 = arith.constant 0 : i32
        %dma_start3A_244 = tpu.memref_slice %arg9[%add3A_213, %dma_start3A_243] : memref<105x96xi32, #tpu.memory_space<vmem>> -> memref<1x96xi32, #tpu.memory_space<vmem>>
        %dma_start3A_245 = tpu.memref_squeeze %dma_start3A_244 : memref<1x96xi32, #tpu.memory_space<vmem>> -> memref<96xi32, #tpu.memory_space<vmem>>
        %dma_start3A_246 = arith.constant 0 : i32
        %dma_start3A_247 = arith.constant 0 : i32
        %dma_start3A_248 = tpu.memref_slice %arg7[%dma_start3A_246, %dma_start3A_247] : memref<10016x64xbf16, #tpu.memory_space<vmem_shared>> -> memref<10016x64xbf16, #tpu.memory_space<vmem_shared>>
        tpu.enqueue_indirect_dma source(%arg16 : memref<96x64xbf16, #tpu.memory_space<vmem>>) target(%dma_start3A_248 : memref<10016x64xbf16, #tpu.memory_space<vmem_shared>>) offsets(%dma_start3A_245 : memref<96xi32, #tpu.memory_space<vmem>>) semaphore(%run_scoped3A_242 : memref<!tpu.dma_semaphore, #tpu.memory_space<semaphore_mem>>) {add = true}
        %dma_wait3A_249 = arith.constant 0 : i32
        %dma_wait3A_250 = tpu.memref_slice %arg9[%add3A_213, %dma_wait3A_249] : memref<105x96xi32, #tpu.memory_space<vmem>> -> memref<1x96xi32, #tpu.memory_space<vmem>>
        %dma_wait3A_251 = tpu.memref_squeeze %dma_wait3A_250 : memref<1x96xi32, #tpu.memory_space<vmem>> -> memref<96xi32, #tpu.memory_space<vmem>>
        %dma_wait3A_252 = arith.constant 0 : i32
        %dma_wait3A_253 = arith.constant 0 : i32
        %dma_wait3A_254 = tpu.memref_slice %arg7[%dma_wait3A_252, %dma_wait3A_253] : memref<10016x64xbf16, #tpu.memory_space<vmem_shared>> -> memref<10016x64xbf16, #tpu.memory_space<vmem_shared>>
        tpu.wait_indirect_dma semaphore(%run_scoped3A_242 : memref<!tpu.dma_semaphore, #tpu.memory_space<semaphore_mem>>) src(%arg16 : memref<96x64xbf16, #tpu.memory_space<vmem>>) dst(%dma_wait3A_254 : memref<10016x64xbf16, #tpu.memory_space<vmem_shared>>)
        tpu.yield
      }) : () -> ()
      %add3A_214 = arith.constant 6 : i32
      %add3A_215 = arith.addi %add3A_89, %add3A_214 : i32
      %add3A_216 = arith.constant 8 : i32
      %add3A_217 = arith.addi %add3A_215, %add3A_216 : i32
      %lt3A_218 = arith.constant 105 : i32
      %lt3A_219 = arith.cmpi slt, %add3A_217, %lt3A_218 : i32
      %convert_element_type3A_220 = arith.extui %lt3A_219 : i1 to i32
      %cond3A_221 = arith.constant 0 : i32
      %cond3A_222 = arith.cmpi ne, %convert_element_type3A_220, %cond3A_221 : i32
      scf.if %cond3A_222 {
        %add3A_242 = arith.constant 6 : i32
        %add3A_243 = arith.addi %add3A_89, %add3A_242 : i32
        %add3A_244 = arith.constant 8 : i32
        %add3A_245 = arith.addi %add3A_243, %add3A_244 : i32
        %dma_start3A_246 = arith.constant 0 : i32
        %dma_start3A_247 = tpu.memref_slice %arg8[%add3A_245, %dma_start3A_246] : memref<105x96xi32, #tpu.memory_space<vmem>> -> memref<1x96xi32, #tpu.memory_space<vmem>>
        %dma_start3A_248 = tpu.memref_squeeze %dma_start3A_247 : memref<1x96xi32, #tpu.memory_space<vmem>> -> memref<96xi32, #tpu.memory_space<vmem>>
        %dma_start3A_249 = arith.constant 0 : i32
        %dma_start3A_250 = arith.constant 0 : i32
        %dma_start3A_251 = tpu.memref_slice %arg4[%dma_start3A_249, %dma_start3A_250] : memref<10000x64xbf16, #tpu.memory_space<hbm>> -> memref<10000x64xbf16, #tpu.memory_space<hbm>>
        tpu.enqueue_indirect_dma source(%dma_start3A_251 : memref<10000x64xbf16, #tpu.memory_space<hbm>>) target(%arg16 : memref<96x64xbf16, #tpu.memory_space<vmem>>) offsets(%dma_start3A_248 : memref<96xi32, #tpu.memory_space<vmem>>) semaphore(%arg24 : memref<!tpu.dma_semaphore, #tpu.memory_space<semaphore_mem>>)
      } else {
      }
      %add3A_223 = arith.constant 7 : i32
      %add3A_224 = arith.addi %add3A_89, %add3A_223 : i32
      %dma_wait3A_225 = arith.constant 0 : i32
      %dma_wait3A_226 = tpu.memref_slice %arg8[%add3A_224, %dma_wait3A_225] : memref<105x96xi32, #tpu.memory_space<vmem>> -> memref<1x96xi32, #tpu.memory_space<vmem>>
      %dma_wait3A_227 = tpu.memref_squeeze %dma_wait3A_226 : memref<1x96xi32, #tpu.memory_space<vmem>> -> memref<96xi32, #tpu.memory_space<vmem>>
      %dma_wait3A_228 = arith.constant 0 : i32
      %dma_wait3A_229 = arith.constant 0 : i32
      %dma_wait3A_230 = tpu.memref_slice %arg4[%dma_wait3A_228, %dma_wait3A_229] : memref<10000x64xbf16, #tpu.memory_space<hbm>> -> memref<10000x64xbf16, #tpu.memory_space<hbm>>
      tpu.wait_indirect_dma semaphore(%arg25 : memref<!tpu.dma_semaphore, #tpu.memory_space<semaphore_mem>>) src(%dma_wait3A_230 : memref<10000x64xbf16, #tpu.memory_space<hbm>>) dst(%arg17 : memref<96x64xbf16, #tpu.memory_space<vmem>>)
      %add3A_231 = arith.constant 7 : i32
      %add3A_232 = arith.addi %add3A_89, %add3A_231 : i32
      "tpu.region"() ({
        %run_scoped3A_242 = tpu.sem_alloc : memref<!tpu.dma_semaphore, #tpu.memory_space<semaphore_mem>>
        %dma_start3A_243 = arith.constant 0 : i32
        %dma_start3A_244 = tpu.memref_slice %arg9[%add3A_232, %dma_start3A_243] : memref<105x96xi32, #tpu.memory_space<vmem>> -> memref<1x96xi32, #tpu.memory_space<vmem>>
        %dma_start3A_245 = tpu.memref_squeeze %dma_start3A_244 : memref<1x96xi32, #tpu.memory_space<vmem>> -> memref<96xi32, #tpu.memory_space<vmem>>
        %dma_start3A_246 = arith.constant 0 : i32
        %dma_start3A_247 = arith.constant 0 : i32
        %dma_start3A_248 = tpu.memref_slice %arg7[%dma_start3A_246, %dma_start3A_247] : memref<10016x64xbf16, #tpu.memory_space<vmem_shared>> -> memref<10016x64xbf16, #tpu.memory_space<vmem_shared>>
        tpu.enqueue_indirect_dma source(%arg17 : memref<96x64xbf16, #tpu.memory_space<vmem>>) target(%dma_start3A_248 : memref<10016x64xbf16, #tpu.memory_space<vmem_shared>>) offsets(%dma_start3A_245 : memref<96xi32, #tpu.memory_space<vmem>>) semaphore(%run_scoped3A_242 : memref<!tpu.dma_semaphore, #tpu.memory_space<semaphore_mem>>) {add = true}
        %dma_wait3A_249 = arith.constant 0 : i32
        %dma_wait3A_250 = tpu.memref_slice %arg9[%add3A_232, %dma_wait3A_249] : memref<105x96xi32, #tpu.memory_space<vmem>> -> memref<1x96xi32, #tpu.memory_space<vmem>>
        %dma_wait3A_251 = tpu.memref_squeeze %dma_wait3A_250 : memref<1x96xi32, #tpu.memory_space<vmem>> -> memref<96xi32, #tpu.memory_space<vmem>>
        %dma_wait3A_252 = arith.constant 0 : i32
        %dma_wait3A_253 = arith.constant 0 : i32
        %dma_wait3A_254 = tpu.memref_slice %arg7[%dma_wait3A_252, %dma_wait3A_253] : memref<10016x64xbf16, #tpu.memory_space<vmem_shared>> -> memref<10016x64xbf16, #tpu.memory_space<vmem_shared>>
        tpu.wait_indirect_dma semaphore(%run_scoped3A_242 : memref<!tpu.dma_semaphore, #tpu.memory_space<semaphore_mem>>) src(%arg17 : memref<96x64xbf16, #tpu.memory_space<vmem>>) dst(%dma_wait3A_254 : memref<10016x64xbf16, #tpu.memory_space<vmem_shared>>)
        tpu.yield
      }) : () -> ()
      %add3A_233 = arith.constant 7 : i32
      %add3A_234 = arith.addi %add3A_89, %add3A_233 : i32
      %add3A_235 = arith.constant 8 : i32
      %add3A_236 = arith.addi %add3A_234, %add3A_235 : i32
      %lt3A_237 = arith.constant 105 : i32
      %lt3A_238 = arith.cmpi slt, %add3A_236, %lt3A_237 : i32
      %convert_element_type3A_239 = arith.extui %lt3A_238 : i1 to i32
      %cond3A_240 = arith.constant 0 : i32
      %cond3A_241 = arith.cmpi ne, %convert_element_type3A_239, %cond3A_240 : i32
      scf.if %cond3A_241 {
        %add3A_242 = arith.constant 7 : i32
        %add3A_243 = arith.addi %add3A_89, %add3A_242 : i32
        %add3A_244 = arith.constant 8 : i32
        %add3A_245 = arith.addi %add3A_243, %add3A_244 : i32
        %dma_start3A_246 = arith.constant 0 : i32
        %dma_start3A_247 = tpu.memref_slice %arg8[%add3A_245, %dma_start3A_246] : memref<105x96xi32, #tpu.memory_space<vmem>> -> memref<1x96xi32, #tpu.memory_space<vmem>>
        %dma_start3A_248 = tpu.memref_squeeze %dma_start3A_247 : memref<1x96xi32, #tpu.memory_space<vmem>> -> memref<96xi32, #tpu.memory_space<vmem>>
        %dma_start3A_249 = arith.constant 0 : i32
        %dma_start3A_250 = arith.constant 0 : i32
        %dma_start3A_251 = tpu.memref_slice %arg4[%dma_start3A_249, %dma_start3A_250] : memref<10000x64xbf16, #tpu.memory_space<hbm>> -> memref<10000x64xbf16, #tpu.memory_space<hbm>>
        tpu.enqueue_indirect_dma source(%dma_start3A_251 : memref<10000x64xbf16, #tpu.memory_space<hbm>>) target(%arg17 : memref<96x64xbf16, #tpu.memory_space<vmem>>) offsets(%dma_start3A_248 : memref<96xi32, #tpu.memory_space<vmem>>) semaphore(%arg25 : memref<!tpu.dma_semaphore, #tpu.memory_space<semaphore_mem>>)
      } else {
      }
    }
    %scan3A_67 = arith.constant 13 : i32
    %dma_wait3A = arith.constant 104 : i32
    %dma_wait3A_68 = arith.constant 0 : i32
    %dma_wait3A_69 = tpu.memref_slice %arg8[%dma_wait3A, %dma_wait3A_68] : memref<105x96xi32, #tpu.memory_space<vmem>> -> memref<1x96xi32, #tpu.memory_space<vmem>>
    %dma_wait3A_70 = tpu.memref_squeeze %dma_wait3A_69 : memref<1x96xi32, #tpu.memory_space<vmem>> -> memref<96xi32, #tpu.memory_space<vmem>>
    %dma_wait3A_71 = arith.constant 0 : i32
    %dma_wait3A_72 = arith.constant 0 : i32
    %dma_wait3A_73 = tpu.memref_slice %arg4[%dma_wait3A_71, %dma_wait3A_72] : memref<10000x64xbf16, #tpu.memory_space<hbm>> -> memref<10000x64xbf16, #tpu.memory_space<hbm>>
    tpu.wait_indirect_dma semaphore(%arg18 : memref<!tpu.dma_semaphore, #tpu.memory_space<semaphore_mem>>) src(%dma_wait3A_73 : memref<10000x64xbf16, #tpu.memory_space<hbm>>) dst(%arg10 : memref<96x64xbf16, #tpu.memory_space<vmem>>)
    %run_scoped3A = arith.constant 104 : i32
    "tpu.region"() ({
      %run_scoped3A_85 = tpu.sem_alloc : memref<!tpu.dma_semaphore, #tpu.memory_space<semaphore_mem>>
      %dma_start3A_86 = arith.constant 0 : i32
      %dma_start3A_87 = tpu.memref_slice %arg9[%run_scoped3A, %dma_start3A_86] : memref<105x96xi32, #tpu.memory_space<vmem>> -> memref<1x96xi32, #tpu.memory_space<vmem>>
      %dma_start3A_88 = tpu.memref_squeeze %dma_start3A_87 : memref<1x96xi32, #tpu.memory_space<vmem>> -> memref<96xi32, #tpu.memory_space<vmem>>
      %dma_start3A_89 = arith.constant 0 : i32
      %dma_start3A_90 = arith.constant 0 : i32
      %dma_start3A_91 = tpu.memref_slice %arg7[%dma_start3A_89, %dma_start3A_90] : memref<10016x64xbf16, #tpu.memory_space<vmem_shared>> -> memref<10016x64xbf16, #tpu.memory_space<vmem_shared>>
      tpu.enqueue_indirect_dma source(%arg10 : memref<96x64xbf16, #tpu.memory_space<vmem>>) target(%dma_start3A_91 : memref<10016x64xbf16, #tpu.memory_space<vmem_shared>>) offsets(%dma_start3A_88 : memref<96xi32, #tpu.memory_space<vmem>>) semaphore(%run_scoped3A_85 : memref<!tpu.dma_semaphore, #tpu.memory_space<semaphore_mem>>) {add = true}
      %dma_wait3A_92 = arith.constant 0 : i32
      %dma_wait3A_93 = tpu.memref_slice %arg9[%run_scoped3A, %dma_wait3A_92] : memref<105x96xi32, #tpu.memory_space<vmem>> -> memref<1x96xi32, #tpu.memory_space<vmem>>
      %dma_wait3A_94 = tpu.memref_squeeze %dma_wait3A_93 : memref<1x96xi32, #tpu.memory_space<vmem>> -> memref<96xi32, #tpu.memory_space<vmem>>
      %dma_wait3A_95 = arith.constant 0 : i32
      %dma_wait3A_96 = arith.constant 0 : i32
      %dma_wait3A_97 = tpu.memref_slice %arg7[%dma_wait3A_95, %dma_wait3A_96] : memref<10016x64xbf16, #tpu.memory_space<vmem_shared>> -> memref<10016x64xbf16, #tpu.memory_space<vmem_shared>>
      tpu.wait_indirect_dma semaphore(%run_scoped3A_85 : memref<!tpu.dma_semaphore, #tpu.memory_space<semaphore_mem>>) src(%arg10 : memref<96x64xbf16, #tpu.memory_space<vmem>>) dst(%dma_wait3A_97 : memref<10016x64xbf16, #tpu.memory_space<vmem_shared>>)
      tpu.yield
    }) : () -> ()
    %barrier3A_74 = arith.constant 0 : index
    tpu.barrier barrier_id(%barrier3A_74)
    %lt3A_75 = arith.constant 15 : i32
    %lt3A_76 = arith.cmpi slt, %arg1, %lt3A_75 : i32
    %convert_element_type3A_77 = arith.extui %lt3A_76 : i1 to i32
    %cond3A_78 = arith.constant 0 : i32
    %cond3A_79 = arith.cmpi ne, %convert_element_type3A_77, %cond3A_78 : i32
    scf.if %cond3A_79 {
      "tpu.region"() ({
        %run_scoped3A_85 = tpu.sem_alloc : memref<!tpu.dma_semaphore, #tpu.memory_space<semaphore_mem>>
        %dma_start3A_86 = arith.constant 0 : i32
        %dma_start3A_87 = tpu.memref_slice %arg6[%arg0, %multiple_of3A, %dma_start3A_86] : memref<2x10000x64xbf16, #tpu.memory_space<hbm>> -> memref<1x624x64xbf16, #tpu.memory_space<hbm>>
        %dma_start3A_88 = tpu.memref_squeeze %dma_start3A_87 : memref<1x624x64xbf16, #tpu.memory_space<hbm>> -> memref<624x64xbf16, #tpu.memory_space<hbm>>
        %dma_start3A_89 = arith.constant 0 : i32
        %dma_start3A_90 = tpu.memref_slice %arg7[%multiple_of3A, %dma_start3A_89] : memref<10016x64xbf16, #tpu.memory_space<vmem_shared>> -> memref<624x64xbf16, #tpu.memory_space<vmem_shared>>
        tpu.enqueue_dma source(%dma_start3A_90 : memref<624x64xbf16, #tpu.memory_space<vmem_shared>>) target(%dma_start3A_88 : memref<624x64xbf16, #tpu.memory_space<hbm>>) target_semaphore(%run_scoped3A_85 : memref<!tpu.dma_semaphore, #tpu.memory_space<semaphore_mem>>)
        %dma_wait3A_91 = arith.constant 0 : i32
        %dma_wait3A_92 = tpu.memref_slice %arg6[%arg0, %multiple_of3A, %dma_wait3A_91] : memref<2x10000x64xbf16, #tpu.memory_space<hbm>> -> memref<1x624x64xbf16, #tpu.memory_space<hbm>>
        %dma_wait3A_93 = tpu.memref_squeeze %dma_wait3A_92 : memref<1x624x64xbf16, #tpu.memory_space<hbm>> -> memref<624x64xbf16, #tpu.memory_space<hbm>>
        %dma_wait3A_94 = arith.constant 0 : i32
        %dma_wait3A_95 = tpu.memref_slice %arg7[%multiple_of3A, %dma_wait3A_94] : memref<10016x64xbf16, #tpu.memory_space<vmem_shared>> -> memref<624x64xbf16, #tpu.memory_space<vmem_shared>>
        tpu.wait_dma2 semaphore(%run_scoped3A_85 : memref<!tpu.dma_semaphore, #tpu.memory_space<semaphore_mem>>) src(%dma_wait3A_95 : memref<624x64xbf16, #tpu.memory_space<vmem_shared>>) dst(%dma_wait3A_93 : memref<624x64xbf16, #tpu.memory_space<hbm>>)
        tpu.yield
      }) : () -> ()
    } else {
    }
    %eq3A_80 = arith.constant 15 : i32
    %eq3A_81 = arith.cmpi eq, %arg1, %eq3A_80 : i32
    %convert_element_type3A_82 = arith.extui %eq3A_81 : i1 to i32
    %cond3A_83 = arith.constant 0 : i32
    %cond3A_84 = arith.cmpi ne, %convert_element_type3A_82, %cond3A_83 : i32
    scf.if %cond3A_84 {
      "tpu.region"() ({
        %run_scoped3A_85 = tpu.sem_alloc : memref<!tpu.dma_semaphore, #tpu.memory_space<semaphore_mem>>
        %dma_start3A_86 = arith.constant 9360 : i32
        %dma_start3A_87 = arith.constant 0 : i32
        %dma_start3A_88 = tpu.memref_slice %arg6[%arg0, %dma_start3A_86, %dma_start3A_87] : memref<2x10000x64xbf16, #tpu.memory_space<hbm>> -> memref<1x640x64xbf16, #tpu.memory_space<hbm>>
        %dma_start3A_89 = tpu.memref_squeeze %dma_start3A_88 : memref<1x640x64xbf16, #tpu.memory_space<hbm>> -> memref<640x64xbf16, #tpu.memory_space<hbm>>
        %dma_start3A_90 = arith.constant 9360 : i32
        %dma_start3A_91 = arith.constant 0 : i32
        %dma_start3A_92 = tpu.memref_slice %arg7[%dma_start3A_90, %dma_start3A_91] : memref<10016x64xbf16, #tpu.memory_space<vmem_shared>> -> memref<640x64xbf16, #tpu.memory_space<vmem_shared>>
        tpu.enqueue_dma source(%dma_start3A_92 : memref<640x64xbf16, #tpu.memory_space<vmem_shared>>) target(%dma_start3A_89 : memref<640x64xbf16, #tpu.memory_space<hbm>>) target_semaphore(%run_scoped3A_85 : memref<!tpu.dma_semaphore, #tpu.memory_space<semaphore_mem>>)
        %dma_wait3A_93 = arith.constant 9360 : i32
        %dma_wait3A_94 = arith.constant 0 : i32
        %dma_wait3A_95 = tpu.memref_slice %arg6[%arg0, %dma_wait3A_93, %dma_wait3A_94] : memref<2x10000x64xbf16, #tpu.memory_space<hbm>> -> memref<1x640x64xbf16, #tpu.memory_space<hbm>>
        %dma_wait3A_96 = tpu.memref_squeeze %dma_wait3A_95 : memref<1x640x64xbf16, #tpu.memory_space<hbm>> -> memref<640x64xbf16, #tpu.memory_space<hbm>>
        %dma_wait3A_97 = arith.constant 9360 : i32
        %dma_wait3A_98 = arith.constant 0 : i32
        %dma_wait3A_99 = tpu.memref_slice %arg7[%dma_wait3A_97, %dma_wait3A_98] : memref<10016x64xbf16, #tpu.memory_space<vmem_shared>> -> memref<640x64xbf16, #tpu.memory_space<vmem_shared>>
        tpu.wait_dma2 semaphore(%run_scoped3A_85 : memref<!tpu.dma_semaphore, #tpu.memory_space<semaphore_mem>>) src(%dma_wait3A_99 : memref<640x64xbf16, #tpu.memory_space<vmem_shared>>) dst(%dma_wait3A_96 : memref<640x64xbf16, #tpu.memory_space<hbm>>)
        tpu.yield
      }) : () -> ()
    } else {
    }
    return
  }
}

#map = affine_map<(d0, d1) -> (0)>
module attributes {stable_mosaic.version = 14 : i64} {
  func.func @sc_degree(%arg0: i32, %arg1: i32, %arg2: memref<320000xi32, #tpu.memory_space<hbm>>, %arg3: memref<320000xf32, #tpu.memory_space<hbm>>, %arg4: memref<10000xf32, #tpu.memory_space<vmem>>, %arg5: memref<2000xi32, #tpu.memory_space<vmem>>) attributes {dimension_semantics = [#tpu.dimension_semantics<core_parallel>, #tpu.dimension_semantics<subcore_parallel>], iteration_bounds = array<i64: 2, 16>, scalar_prefetch = 0 : i64, scratch_operands = 2 : i64, tpu.core_type = #tpu.core_type<sc_vector_subcore>, window_params = [{transform_indices = #map}, {transform_indices = #map}]} {
    %mul3A = arith.constant 2 : i32
    %mul3A_0 = arith.muli %arg1, %mul3A : i32
    %add3A = arith.addi %mul3A_0, %arg0 : i32
    %scan3A = arith.constant 0 : i32
    %scan3A_1 = arith.constant 625 : i32
    %scan3A_2 = arith.addi %scan3A, %scan3A_1 : i32
    %scan3A_3 = arith.constant 1 : i32
    scf.for %scan3A_15 = %scan3A to %scan3A_2 step %scan3A_3  : i32 {
      %mul3A_16 = arith.constant 16 : i32
      %mul3A_17 = arith.muli %scan3A_15, %mul3A_16 : i32
      %add3A_18 = arith.constant 0 : i32
      %add3A_19 = arith.addi %add3A_18, %mul3A_17 : i32
      %broadcast_in_dim3A_20 = arith.constant 0.000000e+00 : f32
      %broadcast_in_dim3A_21 = vector.broadcast %broadcast_in_dim3A_20 : f32 to vector<16xf32>
      %swap3A = arith.index_cast %add3A_19 : i32 to index
      %swap3A_22 = tpu.vector_load %arg4[%swap3A] {strides = array<i32>} : memref<10000xf32, #tpu.memory_space<vmem>>, vector<16xf32>,
      tpu.vector_store %arg4[%swap3A], %broadcast_in_dim3A_21 {strides = array<i32>} : memref<10000xf32, #tpu.memory_space<vmem>>, vector<16xf32>,
    }
    %scan3A_4 = arith.constant 625 : i32
    %broadcast_in_dim3A = arith.constant 1.000000e+00 : f32
    %broadcast_in_dim3A_5 = vector.broadcast %broadcast_in_dim3A : f32 to vector<16xf32>
    %mul3A_6 = arith.constant 10000 : i32
    %mul3A_7 = arith.muli %add3A, %mul3A_6 : i32
    %scan3A_8 = arith.constant 0 : i32
    %scan3A_9 = arith.constant 5 : i32
    %scan3A_10 = arith.addi %scan3A_8, %scan3A_9 : i32
    %scan3A_11 = arith.constant 1 : i32
    scf.for %scan3A_15 = %scan3A_8 to %scan3A_10 step %scan3A_11  : i32 {
      %mul3A_16 = arith.constant 2000 : i32
      %mul3A_17 = arith.muli %scan3A_15, %mul3A_16 : i32
      %add3A_18 = arith.constant 0 : i32
      %add3A_19 = arith.addi %add3A_18, %mul3A_17 : i32
      %add3A_20 = arith.addi %mul3A_7, %add3A_19 : i32
      "tpu.region"() ({
        %run_scoped3A = tpu.sem_alloc : memref<!tpu.dma_semaphore, #tpu.memory_space<semaphore_mem>>
        %dma_start3A = tpu.memref_slice %arg2[%add3A_20] : memref<320000xi32, #tpu.memory_space<hbm>> -> memref<2000xi32, #tpu.memory_space<hbm>>
        %dma_start3A_26 = tpu.memref_slice %arg2[%add3A_20] : memref<320000xi32, #tpu.memory_space<hbm>> -> memref<2000xi32, #tpu.memory_space<hbm>>
        tpu.enqueue_dma source(%dma_start3A_26 : memref<2000xi32, #tpu.memory_space<hbm>>) target(%arg5 : memref<2000xi32, #tpu.memory_space<vmem>>) target_semaphore(%run_scoped3A : memref<!tpu.dma_semaphore, #tpu.memory_space<semaphore_mem>>)
        %dma_wait3A = tpu.memref_slice %arg2[%add3A_20] : memref<320000xi32, #tpu.memory_space<hbm>> -> memref<2000xi32, #tpu.memory_space<hbm>>
        %dma_wait3A_27 = tpu.memref_slice %arg2[%add3A_20] : memref<320000xi32, #tpu.memory_space<hbm>> -> memref<2000xi32, #tpu.memory_space<hbm>>
        tpu.wait_dma2 semaphore(%run_scoped3A : memref<!tpu.dma_semaphore, #tpu.memory_space<semaphore_mem>>) src(%dma_wait3A_27 : memref<2000xi32, #tpu.memory_space<hbm>>) dst(%arg5 : memref<2000xi32, #tpu.memory_space<vmem>>)
        tpu.yield
      }) : () -> ()
      %scan3A_21 = arith.constant 0 : i32
      %scan3A_22 = arith.constant 125 : i32
      %scan3A_23 = arith.addi %scan3A_21, %scan3A_22 : i32
      %scan3A_24 = arith.constant 1 : i32
      scf.for %scan3A_26 = %scan3A_21 to %scan3A_23 step %scan3A_24  : i32 {
        %mul3A_27 = arith.constant 16 : i32
        %mul3A_28 = arith.muli %scan3A_26, %mul3A_27 : i32
        %add3A_29 = arith.constant 0 : i32
        %add3A_30 = arith.addi %add3A_29, %mul3A_28 : i32
        %get3A = arith.index_cast %add3A_30 : i32 to index
        %get3A_31 = tpu.vector_load %arg5[%get3A] {strides = array<i32>} : memref<2000xi32, #tpu.memory_space<vmem>>, vector<16xi32>,
        tpu.vector_store_idx %arg4[%get3A_31], %broadcast_in_dim3A_5 {add = true} : memref<10000xf32, #tpu.memory_space<vmem>>[vector<16xi32>], vector<16xf32>,
      }
      %scan3A_25 = arith.constant 125 : i32
    }
    %scan3A_12 = arith.constant 5 : i32
    %mul3A_13 = arith.constant 10000 : i32
    %mul3A_14 = arith.muli %add3A, %mul3A_13 : i32
    "tpu.region"() ({
      %run_scoped3A = tpu.sem_alloc : memref<!tpu.dma_semaphore, #tpu.memory_space<semaphore_mem>>
      %dma_start3A = tpu.memref_slice %arg3[%mul3A_14] : memref<320000xf32, #tpu.memory_space<hbm>> -> memref<10000xf32, #tpu.memory_space<hbm>>
      %dma_start3A_15 = tpu.memref_slice %arg3[%mul3A_14] : memref<320000xf32, #tpu.memory_space<hbm>> -> memref<10000xf32, #tpu.memory_space<hbm>>
      tpu.enqueue_dma source(%arg4 : memref<10000xf32, #tpu.memory_space<vmem>>) target(%dma_start3A_15 : memref<10000xf32, #tpu.memory_space<hbm>>) target_semaphore(%run_scoped3A : memref<!tpu.dma_semaphore, #tpu.memory_space<semaphore_mem>>)
      %dma_wait3A = tpu.memref_slice %arg3[%mul3A_14] : memref<320000xf32, #tpu.memory_space<hbm>> -> memref<10000xf32, #tpu.memory_space<hbm>>
      %dma_wait3A_16 = tpu.memref_slice %arg3[%mul3A_14] : memref<320000xf32, #tpu.memory_space<hbm>> -> memref<10000xf32, #tpu.memory_space<hbm>>
      tpu.wait_dma2 semaphore(%run_scoped3A : memref<!tpu.dma_semaphore, #tpu.memory_space<semaphore_mem>>) src(%arg4 : memref<10000xf32, #tpu.memory_space<vmem>>) dst(%dma_wait3A_16 : memref<10000xf32, #tpu.memory_space<hbm>>)
      tpu.yield
    }) : () -> ()
    return
  }
}

#map = affine_map<(d0, d1) -> (0, 0, 0)>
#map1 = affine_map<(d0, d1) -> (0, 0)>
module attributes {stable_mosaic.version = 14 : i64} {
  func.func @sc_edge_agg(%arg0: i32, %arg1: i32, %arg2: memref<32x105x96xi32, #tpu.memory_space<hbm>>, %arg3: memref<32x105x96xi32, #tpu.memory_space<hbm>>, %arg4: memref<10000x64xbf16, #tpu.memory_space<hbm>>, %arg5: memref<10000x64xbf16, #tpu.memory_space<hbm>>, %arg6: memref<2x10000x64xbf16, #tpu.memory_space<hbm>>, %arg7: memref<10016x64xbf16, #tpu.memory_space<vmem_shared>>, %arg8: memref<105x96xi32, #tpu.memory_space<vmem>>, %arg9: memref<105x96xi32, #tpu.memory_space<vmem>>, %arg10: memref<96x64xbf16, #tpu.memory_space<vmem>>, %arg11: memref<96x64xbf16, #tpu.memory_space<vmem>>, %arg12: memref<96x64xbf16, #tpu.memory_space<vmem>>, %arg13: memref<96x64xbf16, #tpu.memory_space<vmem>>, %arg14: memref<96x64xbf16, #tpu.memory_space<vmem>>, %arg15: memref<96x64xbf16, #tpu.memory_space<vmem>>, %arg16: memref<96x64xbf16, #tpu.memory_space<vmem>>, %arg17: memref<96x64xbf16, #tpu.memory_space<vmem>>, %arg18: memref<!tpu.dma_semaphore, #tpu.memory_space<semaphore_mem>>, %arg19: memref<!tpu.dma_semaphore, #tpu.memory_space<semaphore_mem>>, %arg20: memref<!tpu.dma_semaphore, #tpu.memory_space<semaphore_mem>>, %arg21: memref<!tpu.dma_semaphore, #tpu.memory_space<semaphore_mem>>, %arg22: memref<!tpu.dma_semaphore, #tpu.memory_space<semaphore_mem>>, %arg23: memref<!tpu.dma_semaphore, #tpu.memory_space<semaphore_mem>>, %arg24: memref<!tpu.dma_semaphore, #tpu.memory_space<semaphore_mem>>, %arg25: memref<!tpu.dma_semaphore, #tpu.memory_space<semaphore_mem>>) attributes {dimension_semantics = [#tpu.dimension_semantics<core_parallel>, #tpu.dimension_semantics<subcore_parallel>], iteration_bounds = array<i64: 2, 16>, scalar_prefetch = 0 : i64, scratch_operands = 19 : i64, tpu.core_type = #tpu.core_type<sc_vector_subcore>, window_params = [{transform_indices = #map}, {transform_indices = #map}, {transform_indices = #map1}, {transform_indices = #map1}, {transform_indices = #map}]} {
    %mul3A = arith.constant 2 : i32
    %mul3A_0 = arith.muli %arg1, %mul3A : i32
    %add3A = arith.addi %mul3A_0, %arg0 : i32
    "tpu.region"() ({
      %run_scoped3A_85 = tpu.sem_alloc : memref<!tpu.dma_semaphore, #tpu.memory_space<semaphore_mem>>
      %dma_start3A_86 = arith.constant 0 : i32
      %dma_start3A_87 = arith.constant 0 : i32
      %dma_start3A_88 = tpu.memref_slice %arg2[%add3A, %dma_start3A_86, %dma_start3A_87] : memref<32x105x96xi32, #tpu.memory_space<hbm>> -> memref<1x105x96xi32, #tpu.memory_space<hbm>>
      %dma_start3A_89 = tpu.memref_squeeze %dma_start3A_88 : memref<1x105x96xi32, #tpu.memory_space<hbm>> -> memref<105x96xi32, #tpu.memory_space<hbm>>
      %dma_start3A_90 = arith.constant 0 : i32
      %dma_start3A_91 = arith.constant 0 : i32
      %dma_start3A_92 = tpu.memref_slice %arg2[%add3A, %dma_start3A_90, %dma_start3A_91] : memref<32x105x96xi32, #tpu.memory_space<hbm>> -> memref<1x105x96xi32, #tpu.memory_space<hbm>>
      %dma_start3A_93 = tpu.memref_squeeze %dma_start3A_92 : memref<1x105x96xi32, #tpu.memory_space<hbm>> -> memref<105x96xi32, #tpu.memory_space<hbm>>
      tpu.enqueue_dma source(%dma_start3A_93 : memref<105x96xi32, #tpu.memory_space<hbm>>) target(%arg8 : memref<105x96xi32, #tpu.memory_space<vmem>>) target_semaphore(%run_scoped3A_85 : memref<!tpu.dma_semaphore, #tpu.memory_space<semaphore_mem>>)
      %dma_wait3A_94 = arith.constant 0 : i32
      %dma_wait3A_95 = arith.constant 0 : i32
      %dma_wait3A_96 = tpu.memref_slice %arg2[%add3A, %dma_wait3A_94, %dma_wait3A_95] : memref<32x105x96xi32, #tpu.memory_space<hbm>> -> memref<1x105x96xi32, #tpu.memory_space<hbm>>
      %dma_wait3A_97 = tpu.memref_squeeze %dma_wait3A_96 : memref<1x105x96xi32, #tpu.memory_space<hbm>> -> memref<105x96xi32, #tpu.memory_space<hbm>>
      %dma_wait3A_98 = arith.constant 0 : i32
      %dma_wait3A_99 = arith.constant 0 : i32
      %dma_wait3A_100 = tpu.memref_slice %arg2[%add3A, %dma_wait3A_98, %dma_wait3A_99] : memref<32x105x96xi32, #tpu.memory_space<hbm>> -> memref<1x105x96xi32, #tpu.memory_space<hbm>>
      %dma_wait3A_101 = tpu.memref_squeeze %dma_wait3A_100 : memref<1x105x96xi32, #tpu.memory_space<hbm>> -> memref<105x96xi32, #tpu.memory_space<hbm>>
      tpu.wait_dma2 semaphore(%run_scoped3A_85 : memref<!tpu.dma_semaphore, #tpu.memory_space<semaphore_mem>>) src(%dma_wait3A_101 : memref<105x96xi32, #tpu.memory_space<hbm>>) dst(%arg8 : memref<105x96xi32, #tpu.memory_space<vmem>>)
      tpu.yield
    }) : () -> ()
    "tpu.region"() ({
      %run_scoped3A_85 = tpu.sem_alloc : memref<!tpu.dma_semaphore, #tpu.memory_space<semaphore_mem>>
      %dma_start3A_86 = arith.constant 0 : i32
      %dma_start3A_87 = arith.constant 0 : i32
      %dma_start3A_88 = tpu.memref_slice %arg3[%add3A, %dma_start3A_86, %dma_start3A_87] : memref<32x105x96xi32, #tpu.memory_space<hbm>> -> memref<1x105x96xi32, #tpu.memory_space<hbm>>
      %dma_start3A_89 = tpu.memref_squeeze %dma_start3A_88 : memref<1x105x96xi32, #tpu.memory_space<hbm>> -> memref<105x96xi32, #tpu.memory_space<hbm>>
      %dma_start3A_90 = arith.constant 0 : i32
      %dma_start3A_91 = arith.constant 0 : i32
      %dma_start3A_92 = tpu.memref_slice %arg3[%add3A, %dma_start3A_90, %dma_start3A_91] : memref<32x105x96xi32, #tpu.memory_space<hbm>> -> memref<1x105x96xi32, #tpu.memory_space<hbm>>
      %dma_start3A_93 = tpu.memref_squeeze %dma_start3A_92 : memref<1x105x96xi32, #tpu.memory_space<hbm>> -> memref<105x96xi32, #tpu.memory_space<hbm>>
      tpu.enqueue_dma source(%dma_start3A_93 : memref<105x96xi32, #tpu.memory_space<hbm>>) target(%arg9 : memref<105x96xi32, #tpu.memory_space<vmem>>) target_semaphore(%run_scoped3A_85 : memref<!tpu.dma_semaphore, #tpu.memory_space<semaphore_mem>>)
      %dma_wait3A_94 = arith.constant 0 : i32
      %dma_wait3A_95 = arith.constant 0 : i32
      %dma_wait3A_96 = tpu.memref_slice %arg3[%add3A, %dma_wait3A_94, %dma_wait3A_95] : memref<32x105x96xi32, #tpu.memory_space<hbm>> -> memref<1x105x96xi32, #tpu.memory_space<hbm>>
      %dma_wait3A_97 = tpu.memref_squeeze %dma_wait3A_96 : memref<1x105x96xi32, #tpu.memory_space<hbm>> -> memref<105x96xi32, #tpu.memory_space<hbm>>
      %dma_wait3A_98 = arith.constant 0 : i32
      %dma_wait3A_99 = arith.constant 0 : i32
      %dma_wait3A_100 = tpu.memref_slice %arg3[%add3A, %dma_wait3A_98, %dma_wait3A_99] : memref<32x105x96xi32, #tpu.memory_space<hbm>> -> memref<1x105x96xi32, #tpu.memory_space<hbm>>
      %dma_wait3A_101 = tpu.memref_squeeze %dma_wait3A_100 : memref<1x105x96xi32, #tpu.memory_space<hbm>> -> memref<105x96xi32, #tpu.memory_space<hbm>>
      tpu.wait_dma2 semaphore(%run_scoped3A_85 : memref<!tpu.dma_semaphore, #tpu.memory_space<semaphore_mem>>) src(%dma_wait3A_101 : memref<105x96xi32, #tpu.memory_space<hbm>>) dst(%arg9 : memref<105x96xi32, #tpu.memory_space<vmem>>)
      tpu.yield
    }) : () -> ()
    %dma_start3A = arith.constant 0 : i32
    %dma_start3A_1 = arith.constant 0 : i32
    %dma_start3A_2 = tpu.memref_slice %arg8[%dma_start3A, %dma_start3A_1] : memref<105x96xi32, #tpu.memory_space<vmem>> -> memref<1x96xi32, #tpu.memory_space<vmem>>
    %dma_start3A_3 = tpu.memref_squeeze %dma_start3A_2 : memref<1x96xi32, #tpu.memory_space<vmem>> -> memref<96xi32, #tpu.memory_space<vmem>>
    %dma_start3A_4 = arith.constant 0 : i32
    %dma_start3A_5 = arith.constant 0 : i32
    %dma_start3A_6 = tpu.memref_slice %arg4[%dma_start3A_4, %dma_start3A_5] : memref<10000x64xbf16, #tpu.memory_space<hbm>> -> memref<10000x64xbf16, #tpu.memory_space<hbm>>
    tpu.enqueue_indirect_dma source(%dma_start3A_6 : memref<10000x64xbf16, #tpu.memory_space<hbm>>) target(%arg10 : memref<96x64xbf16, #tpu.memory_space<vmem>>) offsets(%dma_start3A_3 : memref<96xi32, #tpu.memory_space<vmem>>) semaphore(%arg18 : memref<!tpu.dma_semaphore, #tpu.memory_space<semaphore_mem>>)
    %dma_start3A_7 = arith.constant 1 : i32
    %dma_start3A_8 = arith.constant 0 : i32
    %dma_start3A_9 = tpu.memref_slice %arg8[%dma_start3A_7, %dma_start3A_8] : memref<105x96xi32, #tpu.memory_space<vmem>> -> memref<1x96xi32, #tpu.memory_space<vmem>>
    %dma_start3A_10 = tpu.memref_squeeze %dma_start3A_9 : memref<1x96xi32, #tpu.memory_space<vmem>> -> memref<96xi32, #tpu.memory_space<vmem>>
    %dma_start3A_11 = arith.constant 0 : i32
    %dma_start3A_12 = arith.constant 0 : i32
    %dma_start3A_13 = tpu.memref_slice %arg4[%dma_start3A_11, %dma_start3A_12] : memref<10000x64xbf16, #tpu.memory_space<hbm>> -> memref<10000x64xbf16, #tpu.memory_space<hbm>>
    tpu.enqueue_indirect_dma source(%dma_start3A_13 : memref<10000x64xbf16, #tpu.memory_space<hbm>>) target(%arg11 : memref<96x64xbf16, #tpu.memory_space<vmem>>) offsets(%dma_start3A_10 : memref<96xi32, #tpu.memory_space<vmem>>) semaphore(%arg19 : memref<!tpu.dma_semaphore, #tpu.memory_space<semaphore_mem>>)
    %dma_start3A_14 = arith.constant 2 : i32
    %dma_start3A_15 = arith.constant 0 : i32
    %dma_start3A_16 = tpu.memref_slice %arg8[%dma_start3A_14, %dma_start3A_15] : memref<105x96xi32, #tpu.memory_space<vmem>> -> memref<1x96xi32, #tpu.memory_space<vmem>>
    %dma_start3A_17 = tpu.memref_squeeze %dma_start3A_16 : memref<1x96xi32, #tpu.memory_space<vmem>> -> memref<96xi32, #tpu.memory_space<vmem>>
    %dma_start3A_18 = arith.constant 0 : i32
    %dma_start3A_19 = arith.constant 0 : i32
    %dma_start3A_20 = tpu.memref_slice %arg4[%dma_start3A_18, %dma_start3A_19] : memref<10000x64xbf16, #tpu.memory_space<hbm>> -> memref<10000x64xbf16, #tpu.memory_space<hbm>>
    tpu.enqueue_indirect_dma source(%dma_start3A_20 : memref<10000x64xbf16, #tpu.memory_space<hbm>>) target(%arg12 : memref<96x64xbf16, #tpu.memory_space<vmem>>) offsets(%dma_start3A_17 : memref<96xi32, #tpu.memory_space<vmem>>) semaphore(%arg20 : memref<!tpu.dma_semaphore, #tpu.memory_space<semaphore_mem>>)
    %dma_start3A_21 = arith.constant 3 : i32
    %dma_start3A_22 = arith.constant 0 : i32
    %dma_start3A_23 = tpu.memref_slice %arg8[%dma_start3A_21, %dma_start3A_22] : memref<105x96xi32, #tpu.memory_space<vmem>> -> memref<1x96xi32, #tpu.memory_space<vmem>>
    %dma_start3A_24 = tpu.memref_squeeze %dma_start3A_23 : memref<1x96xi32, #tpu.memory_space<vmem>> -> memref<96xi32, #tpu.memory_space<vmem>>
    %dma_start3A_25 = arith.constant 0 : i32
    %dma_start3A_26 = arith.constant 0 : i32
    %dma_start3A_27 = tpu.memref_slice %arg4[%dma_start3A_25, %dma_start3A_26] : memref<10000x64xbf16, #tpu.memory_space<hbm>> -> memref<10000x64xbf16, #tpu.memory_space<hbm>>
    tpu.enqueue_indirect_dma source(%dma_start3A_27 : memref<10000x64xbf16, #tpu.memory_space<hbm>>) target(%arg13 : memref<96x64xbf16, #tpu.memory_space<vmem>>) offsets(%dma_start3A_24 : memref<96xi32, #tpu.memory_space<vmem>>) semaphore(%arg21 : memref<!tpu.dma_semaphore, #tpu.memory_space<semaphore_mem>>)
    %dma_start3A_28 = arith.constant 4 : i32
    %dma_start3A_29 = arith.constant 0 : i32
    %dma_start3A_30 = tpu.memref_slice %arg8[%dma_start3A_28, %dma_start3A_29] : memref<105x96xi32, #tpu.memory_space<vmem>> -> memref<1x96xi32, #tpu.memory_space<vmem>>
    %dma_start3A_31 = tpu.memref_squeeze %dma_start3A_30 : memref<1x96xi32, #tpu.memory_space<vmem>> -> memref<96xi32, #tpu.memory_space<vmem>>
    %dma_start3A_32 = arith.constant 0 : i32
    %dma_start3A_33 = arith.constant 0 : i32
    %dma_start3A_34 = tpu.memref_slice %arg4[%dma_start3A_32, %dma_start3A_33] : memref<10000x64xbf16, #tpu.memory_space<hbm>> -> memref<10000x64xbf16, #tpu.memory_space<hbm>>
    tpu.enqueue_indirect_dma source(%dma_start3A_34 : memref<10000x64xbf16, #tpu.memory_space<hbm>>) target(%arg14 : memref<96x64xbf16, #tpu.memory_space<vmem>>) offsets(%dma_start3A_31 : memref<96xi32, #tpu.memory_space<vmem>>) semaphore(%arg22 : memref<!tpu.dma_semaphore, #tpu.memory_space<semaphore_mem>>)
    %dma_start3A_35 = arith.constant 5 : i32
    %dma_start3A_36 = arith.constant 0 : i32
    %dma_start3A_37 = tpu.memref_slice %arg8[%dma_start3A_35, %dma_start3A_36] : memref<105x96xi32, #tpu.memory_space<vmem>> -> memref<1x96xi32, #tpu.memory_space<vmem>>
    %dma_start3A_38 = tpu.memref_squeeze %dma_start3A_37 : memref<1x96xi32, #tpu.memory_space<vmem>> -> memref<96xi32, #tpu.memory_space<vmem>>
    %dma_start3A_39 = arith.constant 0 : i32
    %dma_start3A_40 = arith.constant 0 : i32
    %dma_start3A_41 = tpu.memref_slice %arg4[%dma_start3A_39, %dma_start3A_40] : memref<10000x64xbf16, #tpu.memory_space<hbm>> -> memref<10000x64xbf16, #tpu.memory_space<hbm>>
    tpu.enqueue_indirect_dma source(%dma_start3A_41 : memref<10000x64xbf16, #tpu.memory_space<hbm>>) target(%arg15 : memref<96x64xbf16, #tpu.memory_space<vmem>>) offsets(%dma_start3A_38 : memref<96xi32, #tpu.memory_space<vmem>>) semaphore(%arg23 : memref<!tpu.dma_semaphore, #tpu.memory_space<semaphore_mem>>)
    %dma_start3A_42 = arith.constant 6 : i32
    %dma_start3A_43 = arith.constant 0 : i32
    %dma_start3A_44 = tpu.memref_slice %arg8[%dma_start3A_42, %dma_start3A_43] : memref<105x96xi32, #tpu.memory_space<vmem>> -> memref<1x96xi32, #tpu.memory_space<vmem>>
    %dma_start3A_45 = tpu.memref_squeeze %dma_start3A_44 : memref<1x96xi32, #tpu.memory_space<vmem>> -> memref<96xi32, #tpu.memory_space<vmem>>
    %dma_start3A_46 = arith.constant 0 : i32
    %dma_start3A_47 = arith.constant 0 : i32
    %dma_start3A_48 = tpu.memref_slice %arg4[%dma_start3A_46, %dma_start3A_47] : memref<10000x64xbf16, #tpu.memory_space<hbm>> -> memref<10000x64xbf16, #tpu.memory_space<hbm>>
    tpu.enqueue_indirect_dma source(%dma_start3A_48 : memref<10000x64xbf16, #tpu.memory_space<hbm>>) target(%arg16 : memref<96x64xbf16, #tpu.memory_space<vmem>>) offsets(%dma_start3A_45 : memref<96xi32, #tpu.memory_space<vmem>>) semaphore(%arg24 : memref<!tpu.dma_semaphore, #tpu.memory_space<semaphore_mem>>)
    %dma_start3A_49 = arith.constant 7 : i32
    %dma_start3A_50 = arith.constant 0 : i32
    %dma_start3A_51 = tpu.memref_slice %arg8[%dma_start3A_49, %dma_start3A_50] : memref<105x96xi32, #tpu.memory_space<vmem>> -> memref<1x96xi32, #tpu.memory_space<vmem>>
    %dma_start3A_52 = tpu.memref_squeeze %dma_start3A_51 : memref<1x96xi32, #tpu.memory_space<vmem>> -> memref<96xi32, #tpu.memory_space<vmem>>
    %dma_start3A_53 = arith.constant 0 : i32
    %dma_start3A_54 = arith.constant 0 : i32
    %dma_start3A_55 = tpu.memref_slice %arg4[%dma_start3A_53, %dma_start3A_54] : memref<10000x64xbf16, #tpu.memory_space<hbm>> -> memref<10000x64xbf16, #tpu.memory_space<hbm>>
    tpu.enqueue_indirect_dma source(%dma_start3A_55 : memref<10000x64xbf16, #tpu.memory_space<hbm>>) target(%arg17 : memref<96x64xbf16, #tpu.memory_space<vmem>>) offsets(%dma_start3A_52 : memref<96xi32, #tpu.memory_space<vmem>>) semaphore(%arg25 : memref<!tpu.dma_semaphore, #tpu.memory_space<semaphore_mem>>)
    %mul3A_56 = arith.constant 624 : i32
    %mul3A_57 = arith.muli %arg1, %mul3A_56 : i32
    %multiple_of3A = tpu.assume_multiple %mul3A_57, 8 : i32
    %lt3A = arith.constant 15 : i32
    %lt3A_58 = arith.cmpi slt, %arg1, %lt3A : i32
    %convert_element_type3A = arith.extui %lt3A_58 : i1 to i32
    %cond3A = arith.constant 0 : i32
    %cond3A_59 = arith.cmpi ne, %convert_element_type3A, %cond3A : i32
    scf.if %cond3A_59 {
      "tpu.region"() ({
        %run_scoped3A_85 = tpu.sem_alloc : memref<!tpu.dma_semaphore, #tpu.memory_space<semaphore_mem>>
        %dma_start3A_86 = arith.constant 0 : i32
        %dma_start3A_87 = tpu.memref_slice %arg7[%multiple_of3A, %dma_start3A_86] : memref<10016x64xbf16, #tpu.memory_space<vmem_shared>> -> memref<624x64xbf16, #tpu.memory_space<vmem_shared>>
        %dma_start3A_88 = arith.constant 0 : i32
        %dma_start3A_89 = tpu.memref_slice %arg5[%multiple_of3A, %dma_start3A_88] : memref<10000x64xbf16, #tpu.memory_space<hbm>> -> memref<624x64xbf16, #tpu.memory_space<hbm>>
        tpu.enqueue_dma source(%dma_start3A_89 : memref<624x64xbf16, #tpu.memory_space<hbm>>) target(%dma_start3A_87 : memref<624x64xbf16, #tpu.memory_space<vmem_shared>>) target_semaphore(%run_scoped3A_85 : memref<!tpu.dma_semaphore, #tpu.memory_space<semaphore_mem>>)
        %dma_wait3A_90 = arith.constant 0 : i32
        %dma_wait3A_91 = tpu.memref_slice %arg7[%multiple_of3A, %dma_wait3A_90] : memref<10016x64xbf16, #tpu.memory_space<vmem_shared>> -> memref<624x64xbf16, #tpu.memory_space<vmem_shared>>
        %dma_wait3A_92 = arith.constant 0 : i32
        %dma_wait3A_93 = tpu.memref_slice %arg5[%multiple_of3A, %dma_wait3A_92] : memref<10000x64xbf16, #tpu.memory_space<hbm>> -> memref<624x64xbf16, #tpu.memory_space<hbm>>
        tpu.wait_dma2 semaphore(%run_scoped3A_85 : memref<!tpu.dma_semaphore, #tpu.memory_space<semaphore_mem>>) src(%dma_wait3A_93 : memref<624x64xbf16, #tpu.memory_space<hbm>>) dst(%dma_wait3A_91 : memref<624x64xbf16, #tpu.memory_space<vmem_shared>>)
        tpu.yield
      }) : () -> ()
    } else {
    }
    %eq3A = arith.constant 15 : i32
    %eq3A_60 = arith.cmpi eq, %arg1, %eq3A : i32
    %convert_element_type3A_61 = arith.extui %eq3A_60 : i1 to i32
    %cond3A_62 = arith.constant 0 : i32
    %cond3A_63 = arith.cmpi ne, %convert_element_type3A_61, %cond3A_62 : i32
    scf.if %cond3A_63 {
      "tpu.region"() ({
        %run_scoped3A_85 = tpu.sem_alloc : memref<!tpu.dma_semaphore, #tpu.memory_space<semaphore_mem>>
        %dma_start3A_86 = arith.constant 9360 : i32
        %dma_start3A_87 = arith.constant 0 : i32
        %dma_start3A_88 = tpu.memref_slice %arg7[%dma_start3A_86, %dma_start3A_87] : memref<10016x64xbf16, #tpu.memory_space<vmem_shared>> -> memref<640x64xbf16, #tpu.memory_space<vmem_shared>>
        %dma_start3A_89 = arith.constant 9360 : i32
        %dma_start3A_90 = arith.constant 0 : i32
        %dma_start3A_91 = tpu.memref_slice %arg5[%dma_start3A_89, %dma_start3A_90] : memref<10000x64xbf16, #tpu.memory_space<hbm>> -> memref<640x64xbf16, #tpu.memory_space<hbm>>
        tpu.enqueue_dma source(%dma_start3A_91 : memref<640x64xbf16, #tpu.memory_space<hbm>>) target(%dma_start3A_88 : memref<640x64xbf16, #tpu.memory_space<vmem_shared>>) target_semaphore(%run_scoped3A_85 : memref<!tpu.dma_semaphore, #tpu.memory_space<semaphore_mem>>)
        %dma_wait3A_92 = arith.constant 9360 : i32
        %dma_wait3A_93 = arith.constant 0 : i32
        %dma_wait3A_94 = tpu.memref_slice %arg7[%dma_wait3A_92, %dma_wait3A_93] : memref<10016x64xbf16, #tpu.memory_space<vmem_shared>> -> memref<640x64xbf16, #tpu.memory_space<vmem_shared>>
        %dma_wait3A_95 = arith.constant 9360 : i32
        %dma_wait3A_96 = arith.constant 0 : i32
        %dma_wait3A_97 = tpu.memref_slice %arg5[%dma_wait3A_95, %dma_wait3A_96] : memref<10000x64xbf16, #tpu.memory_space<hbm>> -> memref<640x64xbf16, #tpu.memory_space<hbm>>
        tpu.wait_dma2 semaphore(%run_scoped3A_85 : memref<!tpu.dma_semaphore, #tpu.memory_space<semaphore_mem>>) src(%dma_wait3A_97 : memref<640x64xbf16, #tpu.memory_space<hbm>>) dst(%dma_wait3A_94 : memref<640x64xbf16, #tpu.memory_space<vmem_shared>>)
        tpu.yield
      }) : () -> ()
    } else {
    }
    %barrier3A = arith.constant 0 : index
    tpu.barrier barrier_id(%barrier3A)
    %scan3A = arith.constant 0 : i32
    %scan3A_64 = arith.constant 13 : i32
    %scan3A_65 = arith.addi %scan3A, %scan3A_64 : i32
    %scan3A_66 = arith.constant 1 : i32
    scf.for %scan3A_85 = %scan3A to %scan3A_65 step %scan3A_66  : i32 {
      %mul3A_86 = arith.constant 8 : i32
      %mul3A_87 = arith.muli %scan3A_85, %mul3A_86 : i32
      %add3A_88 = arith.constant 0 : i32
      %add3A_89 = arith.addi %add3A_88, %mul3A_87 : i32
      %add3A_90 = arith.constant 0 : i32
      %add3A_91 = arith.addi %add3A_89, %add3A_90 : i32
      %dma_wait3A_92 = arith.constant 0 : i32
      %dma_wait3A_93 = tpu.memref_slice %arg8[%add3A_91, %dma_wait3A_92] : memref<105x96xi32, #tpu.memory_space<vmem>> -> memref<1x96xi32, #tpu.memory_space<vmem>>
      %dma_wait3A_94 = tpu.memref_squeeze %dma_wait3A_93 : memref<1x96xi32, #tpu.memory_space<vmem>> -> memref<96xi32, #tpu.memory_space<vmem>>
      %dma_wait3A_95 = arith.constant 0 : i32
      %dma_wait3A_96 = arith.constant 0 : i32
      %dma_wait3A_97 = tpu.memref_slice %arg4[%dma_wait3A_95, %dma_wait3A_96] : memref<10000x64xbf16, #tpu.memory_space<hbm>> -> memref<10000x64xbf16, #tpu.memory_space<hbm>>
      tpu.wait_indirect_dma semaphore(%arg18 : memref<!tpu.dma_semaphore, #tpu.memory_space<semaphore_mem>>) src(%dma_wait3A_97 : memref<10000x64xbf16, #tpu.memory_space<hbm>>) dst(%arg10 : memref<96x64xbf16, #tpu.memory_space<vmem>>)
      %add3A_98 = arith.constant 0 : i32
      %add3A_99 = arith.addi %add3A_89, %add3A_98 : i32
      "tpu.region"() ({
        %run_scoped3A_242 = tpu.sem_alloc : memref<!tpu.dma_semaphore, #tpu.memory_space<semaphore_mem>>
        %dma_start3A_243 = arith.constant 0 : i32
        %dma_start3A_244 = tpu.memref_slice %arg9[%add3A_99, %dma_start3A_243] : memref<105x96xi32, #tpu.memory_space<vmem>> -> memref<1x96xi32, #tpu.memory_space<vmem>>
        %dma_start3A_245 = tpu.memref_squeeze %dma_start3A_244 : memref<1x96xi32, #tpu.memory_space<vmem>> -> memref<96xi32, #tpu.memory_space<vmem>>
        %dma_start3A_246 = arith.constant 0 : i32
        %dma_start3A_247 = arith.constant 0 : i32
        %dma_start3A_248 = tpu.memref_slice %arg7[%dma_start3A_246, %dma_start3A_247] : memref<10016x64xbf16, #tpu.memory_space<vmem_shared>> -> memref<10016x64xbf16, #tpu.memory_space<vmem_shared>>
        tpu.enqueue_indirect_dma source(%arg10 : memref<96x64xbf16, #tpu.memory_space<vmem>>) target(%dma_start3A_248 : memref<10016x64xbf16, #tpu.memory_space<vmem_shared>>) offsets(%dma_start3A_245 : memref<96xi32, #tpu.memory_space<vmem>>) semaphore(%run_scoped3A_242 : memref<!tpu.dma_semaphore, #tpu.memory_space<semaphore_mem>>) {add = true}
        %dma_wait3A_249 = arith.constant 0 : i32
        %dma_wait3A_250 = tpu.memref_slice %arg9[%add3A_99, %dma_wait3A_249] : memref<105x96xi32, #tpu.memory_space<vmem>> -> memref<1x96xi32, #tpu.memory_space<vmem>>
        %dma_wait3A_251 = tpu.memref_squeeze %dma_wait3A_250 : memref<1x96xi32, #tpu.memory_space<vmem>> -> memref<96xi32, #tpu.memory_space<vmem>>
        %dma_wait3A_252 = arith.constant 0 : i32
        %dma_wait3A_253 = arith.constant 0 : i32
        %dma_wait3A_254 = tpu.memref_slice %arg7[%dma_wait3A_252, %dma_wait3A_253] : memref<10016x64xbf16, #tpu.memory_space<vmem_shared>> -> memref<10016x64xbf16, #tpu.memory_space<vmem_shared>>
        tpu.wait_indirect_dma semaphore(%run_scoped3A_242 : memref<!tpu.dma_semaphore, #tpu.memory_space<semaphore_mem>>) src(%arg10 : memref<96x64xbf16, #tpu.memory_space<vmem>>) dst(%dma_wait3A_254 : memref<10016x64xbf16, #tpu.memory_space<vmem_shared>>)
        tpu.yield
      }) : () -> ()
      %add3A_100 = arith.constant 0 : i32
      %add3A_101 = arith.addi %add3A_89, %add3A_100 : i32
      %add3A_102 = arith.constant 8 : i32
      %add3A_103 = arith.addi %add3A_101, %add3A_102 : i32
      %lt3A_104 = arith.constant 105 : i32
      %lt3A_105 = arith.cmpi slt, %add3A_103, %lt3A_104 : i32
      %convert_element_type3A_106 = arith.extui %lt3A_105 : i1 to i32
      %cond3A_107 = arith.constant 0 : i32
      %cond3A_108 = arith.cmpi ne, %convert_element_type3A_106, %cond3A_107 : i32
      scf.if %cond3A_108 {
        %add3A_242 = arith.constant 0 : i32
        %add3A_243 = arith.addi %add3A_89, %add3A_242 : i32
        %add3A_244 = arith.constant 8 : i32
        %add3A_245 = arith.addi %add3A_243, %add3A_244 : i32
        %dma_start3A_246 = arith.constant 0 : i32
        %dma_start3A_247 = tpu.memref_slice %arg8[%add3A_245, %dma_start3A_246] : memref<105x96xi32, #tpu.memory_space<vmem>> -> memref<1x96xi32, #tpu.memory_space<vmem>>
        %dma_start3A_248 = tpu.memref_squeeze %dma_start3A_247 : memref<1x96xi32, #tpu.memory_space<vmem>> -> memref<96xi32, #tpu.memory_space<vmem>>
        %dma_start3A_249 = arith.constant 0 : i32
        %dma_start3A_250 = arith.constant 0 : i32
        %dma_start3A_251 = tpu.memref_slice %arg4[%dma_start3A_249, %dma_start3A_250] : memref<10000x64xbf16, #tpu.memory_space<hbm>> -> memref<10000x64xbf16, #tpu.memory_space<hbm>>
        tpu.enqueue_indirect_dma source(%dma_start3A_251 : memref<10000x64xbf16, #tpu.memory_space<hbm>>) target(%arg10 : memref<96x64xbf16, #tpu.memory_space<vmem>>) offsets(%dma_start3A_248 : memref<96xi32, #tpu.memory_space<vmem>>) semaphore(%arg18 : memref<!tpu.dma_semaphore, #tpu.memory_space<semaphore_mem>>)
      } else {
      }
      %add3A_109 = arith.constant 1 : i32
      %add3A_110 = arith.addi %add3A_89, %add3A_109 : i32
      %dma_wait3A_111 = arith.constant 0 : i32
      %dma_wait3A_112 = tpu.memref_slice %arg8[%add3A_110, %dma_wait3A_111] : memref<105x96xi32, #tpu.memory_space<vmem>> -> memref<1x96xi32, #tpu.memory_space<vmem>>
      %dma_wait3A_113 = tpu.memref_squeeze %dma_wait3A_112 : memref<1x96xi32, #tpu.memory_space<vmem>> -> memref<96xi32, #tpu.memory_space<vmem>>
      %dma_wait3A_114 = arith.constant 0 : i32
      %dma_wait3A_115 = arith.constant 0 : i32
      %dma_wait3A_116 = tpu.memref_slice %arg4[%dma_wait3A_114, %dma_wait3A_115] : memref<10000x64xbf16, #tpu.memory_space<hbm>> -> memref<10000x64xbf16, #tpu.memory_space<hbm>>
      tpu.wait_indirect_dma semaphore(%arg19 : memref<!tpu.dma_semaphore, #tpu.memory_space<semaphore_mem>>) src(%dma_wait3A_116 : memref<10000x64xbf16, #tpu.memory_space<hbm>>) dst(%arg11 : memref<96x64xbf16, #tpu.memory_space<vmem>>)
      %add3A_117 = arith.constant 1 : i32
      %add3A_118 = arith.addi %add3A_89, %add3A_117 : i32
      "tpu.region"() ({
        %run_scoped3A_242 = tpu.sem_alloc : memref<!tpu.dma_semaphore, #tpu.memory_space<semaphore_mem>>
        %dma_start3A_243 = arith.constant 0 : i32
        %dma_start3A_244 = tpu.memref_slice %arg9[%add3A_118, %dma_start3A_243] : memref<105x96xi32, #tpu.memory_space<vmem>> -> memref<1x96xi32, #tpu.memory_space<vmem>>
        %dma_start3A_245 = tpu.memref_squeeze %dma_start3A_244 : memref<1x96xi32, #tpu.memory_space<vmem>> -> memref<96xi32, #tpu.memory_space<vmem>>
        %dma_start3A_246 = arith.constant 0 : i32
        %dma_start3A_247 = arith.constant 0 : i32
        %dma_start3A_248 = tpu.memref_slice %arg7[%dma_start3A_246, %dma_start3A_247] : memref<10016x64xbf16, #tpu.memory_space<vmem_shared>> -> memref<10016x64xbf16, #tpu.memory_space<vmem_shared>>
        tpu.enqueue_indirect_dma source(%arg11 : memref<96x64xbf16, #tpu.memory_space<vmem>>) target(%dma_start3A_248 : memref<10016x64xbf16, #tpu.memory_space<vmem_shared>>) offsets(%dma_start3A_245 : memref<96xi32, #tpu.memory_space<vmem>>) semaphore(%run_scoped3A_242 : memref<!tpu.dma_semaphore, #tpu.memory_space<semaphore_mem>>) {add = true}
        %dma_wait3A_249 = arith.constant 0 : i32
        %dma_wait3A_250 = tpu.memref_slice %arg9[%add3A_118, %dma_wait3A_249] : memref<105x96xi32, #tpu.memory_space<vmem>> -> memref<1x96xi32, #tpu.memory_space<vmem>>
        %dma_wait3A_251 = tpu.memref_squeeze %dma_wait3A_250 : memref<1x96xi32, #tpu.memory_space<vmem>> -> memref<96xi32, #tpu.memory_space<vmem>>
        %dma_wait3A_252 = arith.constant 0 : i32
        %dma_wait3A_253 = arith.constant 0 : i32
        %dma_wait3A_254 = tpu.memref_slice %arg7[%dma_wait3A_252, %dma_wait3A_253] : memref<10016x64xbf16, #tpu.memory_space<vmem_shared>> -> memref<10016x64xbf16, #tpu.memory_space<vmem_shared>>
        tpu.wait_indirect_dma semaphore(%run_scoped3A_242 : memref<!tpu.dma_semaphore, #tpu.memory_space<semaphore_mem>>) src(%arg11 : memref<96x64xbf16, #tpu.memory_space<vmem>>) dst(%dma_wait3A_254 : memref<10016x64xbf16, #tpu.memory_space<vmem_shared>>)
        tpu.yield
      }) : () -> ()
      %add3A_119 = arith.constant 1 : i32
      %add3A_120 = arith.addi %add3A_89, %add3A_119 : i32
      %add3A_121 = arith.constant 8 : i32
      %add3A_122 = arith.addi %add3A_120, %add3A_121 : i32
      %lt3A_123 = arith.constant 105 : i32
      %lt3A_124 = arith.cmpi slt, %add3A_122, %lt3A_123 : i32
      %convert_element_type3A_125 = arith.extui %lt3A_124 : i1 to i32
      %cond3A_126 = arith.constant 0 : i32
      %cond3A_127 = arith.cmpi ne, %convert_element_type3A_125, %cond3A_126 : i32
      scf.if %cond3A_127 {
        %add3A_242 = arith.constant 1 : i32
        %add3A_243 = arith.addi %add3A_89, %add3A_242 : i32
        %add3A_244 = arith.constant 8 : i32
        %add3A_245 = arith.addi %add3A_243, %add3A_244 : i32
        %dma_start3A_246 = arith.constant 0 : i32
        %dma_start3A_247 = tpu.memref_slice %arg8[%add3A_245, %dma_start3A_246] : memref<105x96xi32, #tpu.memory_space<vmem>> -> memref<1x96xi32, #tpu.memory_space<vmem>>
        %dma_start3A_248 = tpu.memref_squeeze %dma_start3A_247 : memref<1x96xi32, #tpu.memory_space<vmem>> -> memref<96xi32, #tpu.memory_space<vmem>>
        %dma_start3A_249 = arith.constant 0 : i32
        %dma_start3A_250 = arith.constant 0 : i32
        %dma_start3A_251 = tpu.memref_slice %arg4[%dma_start3A_249, %dma_start3A_250] : memref<10000x64xbf16, #tpu.memory_space<hbm>> -> memref<10000x64xbf16, #tpu.memory_space<hbm>>
        tpu.enqueue_indirect_dma source(%dma_start3A_251 : memref<10000x64xbf16, #tpu.memory_space<hbm>>) target(%arg11 : memref<96x64xbf16, #tpu.memory_space<vmem>>) offsets(%dma_start3A_248 : memref<96xi32, #tpu.memory_space<vmem>>) semaphore(%arg19 : memref<!tpu.dma_semaphore, #tpu.memory_space<semaphore_mem>>)
      } else {
      }
      %add3A_128 = arith.constant 2 : i32
      %add3A_129 = arith.addi %add3A_89, %add3A_128 : i32
      %dma_wait3A_130 = arith.constant 0 : i32
      %dma_wait3A_131 = tpu.memref_slice %arg8[%add3A_129, %dma_wait3A_130] : memref<105x96xi32, #tpu.memory_space<vmem>> -> memref<1x96xi32, #tpu.memory_space<vmem>>
      %dma_wait3A_132 = tpu.memref_squeeze %dma_wait3A_131 : memref<1x96xi32, #tpu.memory_space<vmem>> -> memref<96xi32, #tpu.memory_space<vmem>>
      %dma_wait3A_133 = arith.constant 0 : i32
      %dma_wait3A_134 = arith.constant 0 : i32
      %dma_wait3A_135 = tpu.memref_slice %arg4[%dma_wait3A_133, %dma_wait3A_134] : memref<10000x64xbf16, #tpu.memory_space<hbm>> -> memref<10000x64xbf16, #tpu.memory_space<hbm>>
      tpu.wait_indirect_dma semaphore(%arg20 : memref<!tpu.dma_semaphore, #tpu.memory_space<semaphore_mem>>) src(%dma_wait3A_135 : memref<10000x64xbf16, #tpu.memory_space<hbm>>) dst(%arg12 : memref<96x64xbf16, #tpu.memory_space<vmem>>)
      %add3A_136 = arith.constant 2 : i32
      %add3A_137 = arith.addi %add3A_89, %add3A_136 : i32
      "tpu.region"() ({
        %run_scoped3A_242 = tpu.sem_alloc : memref<!tpu.dma_semaphore, #tpu.memory_space<semaphore_mem>>
        %dma_start3A_243 = arith.constant 0 : i32
        %dma_start3A_244 = tpu.memref_slice %arg9[%add3A_137, %dma_start3A_243] : memref<105x96xi32, #tpu.memory_space<vmem>> -> memref<1x96xi32, #tpu.memory_space<vmem>>
        %dma_start3A_245 = tpu.memref_squeeze %dma_start3A_244 : memref<1x96xi32, #tpu.memory_space<vmem>> -> memref<96xi32, #tpu.memory_space<vmem>>
        %dma_start3A_246 = arith.constant 0 : i32
        %dma_start3A_247 = arith.constant 0 : i32
        %dma_start3A_248 = tpu.memref_slice %arg7[%dma_start3A_246, %dma_start3A_247] : memref<10016x64xbf16, #tpu.memory_space<vmem_shared>> -> memref<10016x64xbf16, #tpu.memory_space<vmem_shared>>
        tpu.enqueue_indirect_dma source(%arg12 : memref<96x64xbf16, #tpu.memory_space<vmem>>) target(%dma_start3A_248 : memref<10016x64xbf16, #tpu.memory_space<vmem_shared>>) offsets(%dma_start3A_245 : memref<96xi32, #tpu.memory_space<vmem>>) semaphore(%run_scoped3A_242 : memref<!tpu.dma_semaphore, #tpu.memory_space<semaphore_mem>>) {add = true}
        %dma_wait3A_249 = arith.constant 0 : i32
        %dma_wait3A_250 = tpu.memref_slice %arg9[%add3A_137, %dma_wait3A_249] : memref<105x96xi32, #tpu.memory_space<vmem>> -> memref<1x96xi32, #tpu.memory_space<vmem>>
        %dma_wait3A_251 = tpu.memref_squeeze %dma_wait3A_250 : memref<1x96xi32, #tpu.memory_space<vmem>> -> memref<96xi32, #tpu.memory_space<vmem>>
        %dma_wait3A_252 = arith.constant 0 : i32
        %dma_wait3A_253 = arith.constant 0 : i32
        %dma_wait3A_254 = tpu.memref_slice %arg7[%dma_wait3A_252, %dma_wait3A_253] : memref<10016x64xbf16, #tpu.memory_space<vmem_shared>> -> memref<10016x64xbf16, #tpu.memory_space<vmem_shared>>
        tpu.wait_indirect_dma semaphore(%run_scoped3A_242 : memref<!tpu.dma_semaphore, #tpu.memory_space<semaphore_mem>>) src(%arg12 : memref<96x64xbf16, #tpu.memory_space<vmem>>) dst(%dma_wait3A_254 : memref<10016x64xbf16, #tpu.memory_space<vmem_shared>>)
        tpu.yield
      }) : () -> ()
      %add3A_138 = arith.constant 2 : i32
      %add3A_139 = arith.addi %add3A_89, %add3A_138 : i32
      %add3A_140 = arith.constant 8 : i32
      %add3A_141 = arith.addi %add3A_139, %add3A_140 : i32
      %lt3A_142 = arith.constant 105 : i32
      %lt3A_143 = arith.cmpi slt, %add3A_141, %lt3A_142 : i32
      %convert_element_type3A_144 = arith.extui %lt3A_143 : i1 to i32
      %cond3A_145 = arith.constant 0 : i32
      %cond3A_146 = arith.cmpi ne, %convert_element_type3A_144, %cond3A_145 : i32
      scf.if %cond3A_146 {
        %add3A_242 = arith.constant 2 : i32
        %add3A_243 = arith.addi %add3A_89, %add3A_242 : i32
        %add3A_244 = arith.constant 8 : i32
        %add3A_245 = arith.addi %add3A_243, %add3A_244 : i32
        %dma_start3A_246 = arith.constant 0 : i32
        %dma_start3A_247 = tpu.memref_slice %arg8[%add3A_245, %dma_start3A_246] : memref<105x96xi32, #tpu.memory_space<vmem>> -> memref<1x96xi32, #tpu.memory_space<vmem>>
        %dma_start3A_248 = tpu.memref_squeeze %dma_start3A_247 : memref<1x96xi32, #tpu.memory_space<vmem>> -> memref<96xi32, #tpu.memory_space<vmem>>
        %dma_start3A_249 = arith.constant 0 : i32
        %dma_start3A_250 = arith.constant 0 : i32
        %dma_start3A_251 = tpu.memref_slice %arg4[%dma_start3A_249, %dma_start3A_250] : memref<10000x64xbf16, #tpu.memory_space<hbm>> -> memref<10000x64xbf16, #tpu.memory_space<hbm>>
        tpu.enqueue_indirect_dma source(%dma_start3A_251 : memref<10000x64xbf16, #tpu.memory_space<hbm>>) target(%arg12 : memref<96x64xbf16, #tpu.memory_space<vmem>>) offsets(%dma_start3A_248 : memref<96xi32, #tpu.memory_space<vmem>>) semaphore(%arg20 : memref<!tpu.dma_semaphore, #tpu.memory_space<semaphore_mem>>)
      } else {
      }
      %add3A_147 = arith.constant 3 : i32
      %add3A_148 = arith.addi %add3A_89, %add3A_147 : i32
      %dma_wait3A_149 = arith.constant 0 : i32
      %dma_wait3A_150 = tpu.memref_slice %arg8[%add3A_148, %dma_wait3A_149] : memref<105x96xi32, #tpu.memory_space<vmem>> -> memref<1x96xi32, #tpu.memory_space<vmem>>
      %dma_wait3A_151 = tpu.memref_squeeze %dma_wait3A_150 : memref<1x96xi32, #tpu.memory_space<vmem>> -> memref<96xi32, #tpu.memory_space<vmem>>
      %dma_wait3A_152 = arith.constant 0 : i32
      %dma_wait3A_153 = arith.constant 0 : i32
      %dma_wait3A_154 = tpu.memref_slice %arg4[%dma_wait3A_152, %dma_wait3A_153] : memref<10000x64xbf16, #tpu.memory_space<hbm>> -> memref<10000x64xbf16, #tpu.memory_space<hbm>>
      tpu.wait_indirect_dma semaphore(%arg21 : memref<!tpu.dma_semaphore, #tpu.memory_space<semaphore_mem>>) src(%dma_wait3A_154 : memref<10000x64xbf16, #tpu.memory_space<hbm>>) dst(%arg13 : memref<96x64xbf16, #tpu.memory_space<vmem>>)
      %add3A_155 = arith.constant 3 : i32
      %add3A_156 = arith.addi %add3A_89, %add3A_155 : i32
      "tpu.region"() ({
        %run_scoped3A_242 = tpu.sem_alloc : memref<!tpu.dma_semaphore, #tpu.memory_space<semaphore_mem>>
        %dma_start3A_243 = arith.constant 0 : i32
        %dma_start3A_244 = tpu.memref_slice %arg9[%add3A_156, %dma_start3A_243] : memref<105x96xi32, #tpu.memory_space<vmem>> -> memref<1x96xi32, #tpu.memory_space<vmem>>
        %dma_start3A_245 = tpu.memref_squeeze %dma_start3A_244 : memref<1x96xi32, #tpu.memory_space<vmem>> -> memref<96xi32, #tpu.memory_space<vmem>>
        %dma_start3A_246 = arith.constant 0 : i32
        %dma_start3A_247 = arith.constant 0 : i32
        %dma_start3A_248 = tpu.memref_slice %arg7[%dma_start3A_246, %dma_start3A_247] : memref<10016x64xbf16, #tpu.memory_space<vmem_shared>> -> memref<10016x64xbf16, #tpu.memory_space<vmem_shared>>
        tpu.enqueue_indirect_dma source(%arg13 : memref<96x64xbf16, #tpu.memory_space<vmem>>) target(%dma_start3A_248 : memref<10016x64xbf16, #tpu.memory_space<vmem_shared>>) offsets(%dma_start3A_245 : memref<96xi32, #tpu.memory_space<vmem>>) semaphore(%run_scoped3A_242 : memref<!tpu.dma_semaphore, #tpu.memory_space<semaphore_mem>>) {add = true}
        %dma_wait3A_249 = arith.constant 0 : i32
        %dma_wait3A_250 = tpu.memref_slice %arg9[%add3A_156, %dma_wait3A_249] : memref<105x96xi32, #tpu.memory_space<vmem>> -> memref<1x96xi32, #tpu.memory_space<vmem>>
        %dma_wait3A_251 = tpu.memref_squeeze %dma_wait3A_250 : memref<1x96xi32, #tpu.memory_space<vmem>> -> memref<96xi32, #tpu.memory_space<vmem>>
        %dma_wait3A_252 = arith.constant 0 : i32
        %dma_wait3A_253 = arith.constant 0 : i32
        %dma_wait3A_254 = tpu.memref_slice %arg7[%dma_wait3A_252, %dma_wait3A_253] : memref<10016x64xbf16, #tpu.memory_space<vmem_shared>> -> memref<10016x64xbf16, #tpu.memory_space<vmem_shared>>
        tpu.wait_indirect_dma semaphore(%run_scoped3A_242 : memref<!tpu.dma_semaphore, #tpu.memory_space<semaphore_mem>>) src(%arg13 : memref<96x64xbf16, #tpu.memory_space<vmem>>) dst(%dma_wait3A_254 : memref<10016x64xbf16, #tpu.memory_space<vmem_shared>>)
        tpu.yield
      }) : () -> ()
      %add3A_157 = arith.constant 3 : i32
      %add3A_158 = arith.addi %add3A_89, %add3A_157 : i32
      %add3A_159 = arith.constant 8 : i32
      %add3A_160 = arith.addi %add3A_158, %add3A_159 : i32
      %lt3A_161 = arith.constant 105 : i32
      %lt3A_162 = arith.cmpi slt, %add3A_160, %lt3A_161 : i32
      %convert_element_type3A_163 = arith.extui %lt3A_162 : i1 to i32
      %cond3A_164 = arith.constant 0 : i32
      %cond3A_165 = arith.cmpi ne, %convert_element_type3A_163, %cond3A_164 : i32
      scf.if %cond3A_165 {
        %add3A_242 = arith.constant 3 : i32
        %add3A_243 = arith.addi %add3A_89, %add3A_242 : i32
        %add3A_244 = arith.constant 8 : i32
        %add3A_245 = arith.addi %add3A_243, %add3A_244 : i32
        %dma_start3A_246 = arith.constant 0 : i32
        %dma_start3A_247 = tpu.memref_slice %arg8[%add3A_245, %dma_start3A_246] : memref<105x96xi32, #tpu.memory_space<vmem>> -> memref<1x96xi32, #tpu.memory_space<vmem>>
        %dma_start3A_248 = tpu.memref_squeeze %dma_start3A_247 : memref<1x96xi32, #tpu.memory_space<vmem>> -> memref<96xi32, #tpu.memory_space<vmem>>
        %dma_start3A_249 = arith.constant 0 : i32
        %dma_start3A_250 = arith.constant 0 : i32
        %dma_start3A_251 = tpu.memref_slice %arg4[%dma_start3A_249, %dma_start3A_250] : memref<10000x64xbf16, #tpu.memory_space<hbm>> -> memref<10000x64xbf16, #tpu.memory_space<hbm>>
        tpu.enqueue_indirect_dma source(%dma_start3A_251 : memref<10000x64xbf16, #tpu.memory_space<hbm>>) target(%arg13 : memref<96x64xbf16, #tpu.memory_space<vmem>>) offsets(%dma_start3A_248 : memref<96xi32, #tpu.memory_space<vmem>>) semaphore(%arg21 : memref<!tpu.dma_semaphore, #tpu.memory_space<semaphore_mem>>)
      } else {
      }
      %add3A_166 = arith.constant 4 : i32
      %add3A_167 = arith.addi %add3A_89, %add3A_166 : i32
      %dma_wait3A_168 = arith.constant 0 : i32
      %dma_wait3A_169 = tpu.memref_slice %arg8[%add3A_167, %dma_wait3A_168] : memref<105x96xi32, #tpu.memory_space<vmem>> -> memref<1x96xi32, #tpu.memory_space<vmem>>
      %dma_wait3A_170 = tpu.memref_squeeze %dma_wait3A_169 : memref<1x96xi32, #tpu.memory_space<vmem>> -> memref<96xi32, #tpu.memory_space<vmem>>
      %dma_wait3A_171 = arith.constant 0 : i32
      %dma_wait3A_172 = arith.constant 0 : i32
      %dma_wait3A_173 = tpu.memref_slice %arg4[%dma_wait3A_171, %dma_wait3A_172] : memref<10000x64xbf16, #tpu.memory_space<hbm>> -> memref<10000x64xbf16, #tpu.memory_space<hbm>>
      tpu.wait_indirect_dma semaphore(%arg22 : memref<!tpu.dma_semaphore, #tpu.memory_space<semaphore_mem>>) src(%dma_wait3A_173 : memref<10000x64xbf16, #tpu.memory_space<hbm>>) dst(%arg14 : memref<96x64xbf16, #tpu.memory_space<vmem>>)
      %add3A_174 = arith.constant 4 : i32
      %add3A_175 = arith.addi %add3A_89, %add3A_174 : i32
      "tpu.region"() ({
        %run_scoped3A_242 = tpu.sem_alloc : memref<!tpu.dma_semaphore, #tpu.memory_space<semaphore_mem>>
        %dma_start3A_243 = arith.constant 0 : i32
        %dma_start3A_244 = tpu.memref_slice %arg9[%add3A_175, %dma_start3A_243] : memref<105x96xi32, #tpu.memory_space<vmem>> -> memref<1x96xi32, #tpu.memory_space<vmem>>
        %dma_start3A_245 = tpu.memref_squeeze %dma_start3A_244 : memref<1x96xi32, #tpu.memory_space<vmem>> -> memref<96xi32, #tpu.memory_space<vmem>>
        %dma_start3A_246 = arith.constant 0 : i32
        %dma_start3A_247 = arith.constant 0 : i32
        %dma_start3A_248 = tpu.memref_slice %arg7[%dma_start3A_246, %dma_start3A_247] : memref<10016x64xbf16, #tpu.memory_space<vmem_shared>> -> memref<10016x64xbf16, #tpu.memory_space<vmem_shared>>
        tpu.enqueue_indirect_dma source(%arg14 : memref<96x64xbf16, #tpu.memory_space<vmem>>) target(%dma_start3A_248 : memref<10016x64xbf16, #tpu.memory_space<vmem_shared>>) offsets(%dma_start3A_245 : memref<96xi32, #tpu.memory_space<vmem>>) semaphore(%run_scoped3A_242 : memref<!tpu.dma_semaphore, #tpu.memory_space<semaphore_mem>>) {add = true}
        %dma_wait3A_249 = arith.constant 0 : i32
        %dma_wait3A_250 = tpu.memref_slice %arg9[%add3A_175, %dma_wait3A_249] : memref<105x96xi32, #tpu.memory_space<vmem>> -> memref<1x96xi32, #tpu.memory_space<vmem>>
        %dma_wait3A_251 = tpu.memref_squeeze %dma_wait3A_250 : memref<1x96xi32, #tpu.memory_space<vmem>> -> memref<96xi32, #tpu.memory_space<vmem>>
        %dma_wait3A_252 = arith.constant 0 : i32
        %dma_wait3A_253 = arith.constant 0 : i32
        %dma_wait3A_254 = tpu.memref_slice %arg7[%dma_wait3A_252, %dma_wait3A_253] : memref<10016x64xbf16, #tpu.memory_space<vmem_shared>> -> memref<10016x64xbf16, #tpu.memory_space<vmem_shared>>
        tpu.wait_indirect_dma semaphore(%run_scoped3A_242 : memref<!tpu.dma_semaphore, #tpu.memory_space<semaphore_mem>>) src(%arg14 : memref<96x64xbf16, #tpu.memory_space<vmem>>) dst(%dma_wait3A_254 : memref<10016x64xbf16, #tpu.memory_space<vmem_shared>>)
        tpu.yield
      }) : () -> ()
      %add3A_176 = arith.constant 4 : i32
      %add3A_177 = arith.addi %add3A_89, %add3A_176 : i32
      %add3A_178 = arith.constant 8 : i32
      %add3A_179 = arith.addi %add3A_177, %add3A_178 : i32
      %lt3A_180 = arith.constant 105 : i32
      %lt3A_181 = arith.cmpi slt, %add3A_179, %lt3A_180 : i32
      %convert_element_type3A_182 = arith.extui %lt3A_181 : i1 to i32
      %cond3A_183 = arith.constant 0 : i32
      %cond3A_184 = arith.cmpi ne, %convert_element_type3A_182, %cond3A_183 : i32
      scf.if %cond3A_184 {
        %add3A_242 = arith.constant 4 : i32
        %add3A_243 = arith.addi %add3A_89, %add3A_242 : i32
        %add3A_244 = arith.constant 8 : i32
        %add3A_245 = arith.addi %add3A_243, %add3A_244 : i32
        %dma_start3A_246 = arith.constant 0 : i32
        %dma_start3A_247 = tpu.memref_slice %arg8[%add3A_245, %dma_start3A_246] : memref<105x96xi32, #tpu.memory_space<vmem>> -> memref<1x96xi32, #tpu.memory_space<vmem>>
        %dma_start3A_248 = tpu.memref_squeeze %dma_start3A_247 : memref<1x96xi32, #tpu.memory_space<vmem>> -> memref<96xi32, #tpu.memory_space<vmem>>
        %dma_start3A_249 = arith.constant 0 : i32
        %dma_start3A_250 = arith.constant 0 : i32
        %dma_start3A_251 = tpu.memref_slice %arg4[%dma_start3A_249, %dma_start3A_250] : memref<10000x64xbf16, #tpu.memory_space<hbm>> -> memref<10000x64xbf16, #tpu.memory_space<hbm>>
        tpu.enqueue_indirect_dma source(%dma_start3A_251 : memref<10000x64xbf16, #tpu.memory_space<hbm>>) target(%arg14 : memref<96x64xbf16, #tpu.memory_space<vmem>>) offsets(%dma_start3A_248 : memref<96xi32, #tpu.memory_space<vmem>>) semaphore(%arg22 : memref<!tpu.dma_semaphore, #tpu.memory_space<semaphore_mem>>)
      } else {
      }
      %add3A_185 = arith.constant 5 : i32
      %add3A_186 = arith.addi %add3A_89, %add3A_185 : i32
      %dma_wait3A_187 = arith.constant 0 : i32
      %dma_wait3A_188 = tpu.memref_slice %arg8[%add3A_186, %dma_wait3A_187] : memref<105x96xi32, #tpu.memory_space<vmem>> -> memref<1x96xi32, #tpu.memory_space<vmem>>
      %dma_wait3A_189 = tpu.memref_squeeze %dma_wait3A_188 : memref<1x96xi32, #tpu.memory_space<vmem>> -> memref<96xi32, #tpu.memory_space<vmem>>
      %dma_wait3A_190 = arith.constant 0 : i32
      %dma_wait3A_191 = arith.constant 0 : i32
      %dma_wait3A_192 = tpu.memref_slice %arg4[%dma_wait3A_190, %dma_wait3A_191] : memref<10000x64xbf16, #tpu.memory_space<hbm>> -> memref<10000x64xbf16, #tpu.memory_space<hbm>>
      tpu.wait_indirect_dma semaphore(%arg23 : memref<!tpu.dma_semaphore, #tpu.memory_space<semaphore_mem>>) src(%dma_wait3A_192 : memref<10000x64xbf16, #tpu.memory_space<hbm>>) dst(%arg15 : memref<96x64xbf16, #tpu.memory_space<vmem>>)
      %add3A_193 = arith.constant 5 : i32
      %add3A_194 = arith.addi %add3A_89, %add3A_193 : i32
      "tpu.region"() ({
        %run_scoped3A_242 = tpu.sem_alloc : memref<!tpu.dma_semaphore, #tpu.memory_space<semaphore_mem>>
        %dma_start3A_243 = arith.constant 0 : i32
        %dma_start3A_244 = tpu.memref_slice %arg9[%add3A_194, %dma_start3A_243] : memref<105x96xi32, #tpu.memory_space<vmem>> -> memref<1x96xi32, #tpu.memory_space<vmem>>
        %dma_start3A_245 = tpu.memref_squeeze %dma_start3A_244 : memref<1x96xi32, #tpu.memory_space<vmem>> -> memref<96xi32, #tpu.memory_space<vmem>>
        %dma_start3A_246 = arith.constant 0 : i32
        %dma_start3A_247 = arith.constant 0 : i32
        %dma_start3A_248 = tpu.memref_slice %arg7[%dma_start3A_246, %dma_start3A_247] : memref<10016x64xbf16, #tpu.memory_space<vmem_shared>> -> memref<10016x64xbf16, #tpu.memory_space<vmem_shared>>
        tpu.enqueue_indirect_dma source(%arg15 : memref<96x64xbf16, #tpu.memory_space<vmem>>) target(%dma_start3A_248 : memref<10016x64xbf16, #tpu.memory_space<vmem_shared>>) offsets(%dma_start3A_245 : memref<96xi32, #tpu.memory_space<vmem>>) semaphore(%run_scoped3A_242 : memref<!tpu.dma_semaphore, #tpu.memory_space<semaphore_mem>>) {add = true}
        %dma_wait3A_249 = arith.constant 0 : i32
        %dma_wait3A_250 = tpu.memref_slice %arg9[%add3A_194, %dma_wait3A_249] : memref<105x96xi32, #tpu.memory_space<vmem>> -> memref<1x96xi32, #tpu.memory_space<vmem>>
        %dma_wait3A_251 = tpu.memref_squeeze %dma_wait3A_250 : memref<1x96xi32, #tpu.memory_space<vmem>> -> memref<96xi32, #tpu.memory_space<vmem>>
        %dma_wait3A_252 = arith.constant 0 : i32
        %dma_wait3A_253 = arith.constant 0 : i32
        %dma_wait3A_254 = tpu.memref_slice %arg7[%dma_wait3A_252, %dma_wait3A_253] : memref<10016x64xbf16, #tpu.memory_space<vmem_shared>> -> memref<10016x64xbf16, #tpu.memory_space<vmem_shared>>
        tpu.wait_indirect_dma semaphore(%run_scoped3A_242 : memref<!tpu.dma_semaphore, #tpu.memory_space<semaphore_mem>>) src(%arg15 : memref<96x64xbf16, #tpu.memory_space<vmem>>) dst(%dma_wait3A_254 : memref<10016x64xbf16, #tpu.memory_space<vmem_shared>>)
        tpu.yield
      }) : () -> ()
      %add3A_195 = arith.constant 5 : i32
      %add3A_196 = arith.addi %add3A_89, %add3A_195 : i32
      %add3A_197 = arith.constant 8 : i32
      %add3A_198 = arith.addi %add3A_196, %add3A_197 : i32
      %lt3A_199 = arith.constant 105 : i32
      %lt3A_200 = arith.cmpi slt, %add3A_198, %lt3A_199 : i32
      %convert_element_type3A_201 = arith.extui %lt3A_200 : i1 to i32
      %cond3A_202 = arith.constant 0 : i32
      %cond3A_203 = arith.cmpi ne, %convert_element_type3A_201, %cond3A_202 : i32
      scf.if %cond3A_203 {
        %add3A_242 = arith.constant 5 : i32
        %add3A_243 = arith.addi %add3A_89, %add3A_242 : i32
        %add3A_244 = arith.constant 8 : i32
        %add3A_245 = arith.addi %add3A_243, %add3A_244 : i32
        %dma_start3A_246 = arith.constant 0 : i32
        %dma_start3A_247 = tpu.memref_slice %arg8[%add3A_245, %dma_start3A_246] : memref<105x96xi32, #tpu.memory_space<vmem>> -> memref<1x96xi32, #tpu.memory_space<vmem>>
        %dma_start3A_248 = tpu.memref_squeeze %dma_start3A_247 : memref<1x96xi32, #tpu.memory_space<vmem>> -> memref<96xi32, #tpu.memory_space<vmem>>
        %dma_start3A_249 = arith.constant 0 : i32
        %dma_start3A_250 = arith.constant 0 : i32
        %dma_start3A_251 = tpu.memref_slice %arg4[%dma_start3A_249, %dma_start3A_250] : memref<10000x64xbf16, #tpu.memory_space<hbm>> -> memref<10000x64xbf16, #tpu.memory_space<hbm>>
        tpu.enqueue_indirect_dma source(%dma_start3A_251 : memref<10000x64xbf16, #tpu.memory_space<hbm>>) target(%arg15 : memref<96x64xbf16, #tpu.memory_space<vmem>>) offsets(%dma_start3A_248 : memref<96xi32, #tpu.memory_space<vmem>>) semaphore(%arg23 : memref<!tpu.dma_semaphore, #tpu.memory_space<semaphore_mem>>)
      } else {
      }
      %add3A_204 = arith.constant 6 : i32
      %add3A_205 = arith.addi %add3A_89, %add3A_204 : i32
      %dma_wait3A_206 = arith.constant 0 : i32
      %dma_wait3A_207 = tpu.memref_slice %arg8[%add3A_205, %dma_wait3A_206] : memref<105x96xi32, #tpu.memory_space<vmem>> -> memref<1x96xi32, #tpu.memory_space<vmem>>
      %dma_wait3A_208 = tpu.memref_squeeze %dma_wait3A_207 : memref<1x96xi32, #tpu.memory_space<vmem>> -> memref<96xi32, #tpu.memory_space<vmem>>
      %dma_wait3A_209 = arith.constant 0 : i32
      %dma_wait3A_210 = arith.constant 0 : i32
      %dma_wait3A_211 = tpu.memref_slice %arg4[%dma_wait3A_209, %dma_wait3A_210] : memref<10000x64xbf16, #tpu.memory_space<hbm>> -> memref<10000x64xbf16, #tpu.memory_space<hbm>>
      tpu.wait_indirect_dma semaphore(%arg24 : memref<!tpu.dma_semaphore, #tpu.memory_space<semaphore_mem>>) src(%dma_wait3A_211 : memref<10000x64xbf16, #tpu.memory_space<hbm>>) dst(%arg16 : memref<96x64xbf16, #tpu.memory_space<vmem>>)
      %add3A_212 = arith.constant 6 : i32
      %add3A_213 = arith.addi %add3A_89, %add3A_212 : i32
      "tpu.region"() ({
        %run_scoped3A_242 = tpu.sem_alloc : memref<!tpu.dma_semaphore, #tpu.memory_space<semaphore_mem>>
        %dma_start3A_243 = arith.constant 0 : i32
        %dma_start3A_244 = tpu.memref_slice %arg9[%add3A_213, %dma_start3A_243] : memref<105x96xi32, #tpu.memory_space<vmem>> -> memref<1x96xi32, #tpu.memory_space<vmem>>
        %dma_start3A_245 = tpu.memref_squeeze %dma_start3A_244 : memref<1x96xi32, #tpu.memory_space<vmem>> -> memref<96xi32, #tpu.memory_space<vmem>>
        %dma_start3A_246 = arith.constant 0 : i32
        %dma_start3A_247 = arith.constant 0 : i32
        %dma_start3A_248 = tpu.memref_slice %arg7[%dma_start3A_246, %dma_start3A_247] : memref<10016x64xbf16, #tpu.memory_space<vmem_shared>> -> memref<10016x64xbf16, #tpu.memory_space<vmem_shared>>
        tpu.enqueue_indirect_dma source(%arg16 : memref<96x64xbf16, #tpu.memory_space<vmem>>) target(%dma_start3A_248 : memref<10016x64xbf16, #tpu.memory_space<vmem_shared>>) offsets(%dma_start3A_245 : memref<96xi32, #tpu.memory_space<vmem>>) semaphore(%run_scoped3A_242 : memref<!tpu.dma_semaphore, #tpu.memory_space<semaphore_mem>>) {add = true}
        %dma_wait3A_249 = arith.constant 0 : i32
        %dma_wait3A_250 = tpu.memref_slice %arg9[%add3A_213, %dma_wait3A_249] : memref<105x96xi32, #tpu.memory_space<vmem>> -> memref<1x96xi32, #tpu.memory_space<vmem>>
        %dma_wait3A_251 = tpu.memref_squeeze %dma_wait3A_250 : memref<1x96xi32, #tpu.memory_space<vmem>> -> memref<96xi32, #tpu.memory_space<vmem>>
        %dma_wait3A_252 = arith.constant 0 : i32
        %dma_wait3A_253 = arith.constant 0 : i32
        %dma_wait3A_254 = tpu.memref_slice %arg7[%dma_wait3A_252, %dma_wait3A_253] : memref<10016x64xbf16, #tpu.memory_space<vmem_shared>> -> memref<10016x64xbf16, #tpu.memory_space<vmem_shared>>
        tpu.wait_indirect_dma semaphore(%run_scoped3A_242 : memref<!tpu.dma_semaphore, #tpu.memory_space<semaphore_mem>>) src(%arg16 : memref<96x64xbf16, #tpu.memory_space<vmem>>) dst(%dma_wait3A_254 : memref<10016x64xbf16, #tpu.memory_space<vmem_shared>>)
        tpu.yield
      }) : () -> ()
      %add3A_214 = arith.constant 6 : i32
      %add3A_215 = arith.addi %add3A_89, %add3A_214 : i32
      %add3A_216 = arith.constant 8 : i32
      %add3A_217 = arith.addi %add3A_215, %add3A_216 : i32
      %lt3A_218 = arith.constant 105 : i32
      %lt3A_219 = arith.cmpi slt, %add3A_217, %lt3A_218 : i32
      %convert_element_type3A_220 = arith.extui %lt3A_219 : i1 to i32
      %cond3A_221 = arith.constant 0 : i32
      %cond3A_222 = arith.cmpi ne, %convert_element_type3A_220, %cond3A_221 : i32
      scf.if %cond3A_222 {
        %add3A_242 = arith.constant 6 : i32
        %add3A_243 = arith.addi %add3A_89, %add3A_242 : i32
        %add3A_244 = arith.constant 8 : i32
        %add3A_245 = arith.addi %add3A_243, %add3A_244 : i32
        %dma_start3A_246 = arith.constant 0 : i32
        %dma_start3A_247 = tpu.memref_slice %arg8[%add3A_245, %dma_start3A_246] : memref<105x96xi32, #tpu.memory_space<vmem>> -> memref<1x96xi32, #tpu.memory_space<vmem>>
        %dma_start3A_248 = tpu.memref_squeeze %dma_start3A_247 : memref<1x96xi32, #tpu.memory_space<vmem>> -> memref<96xi32, #tpu.memory_space<vmem>>
        %dma_start3A_249 = arith.constant 0 : i32
        %dma_start3A_250 = arith.constant 0 : i32
        %dma_start3A_251 = tpu.memref_slice %arg4[%dma_start3A_249, %dma_start3A_250] : memref<10000x64xbf16, #tpu.memory_space<hbm>> -> memref<10000x64xbf16, #tpu.memory_space<hbm>>
        tpu.enqueue_indirect_dma source(%dma_start3A_251 : memref<10000x64xbf16, #tpu.memory_space<hbm>>) target(%arg16 : memref<96x64xbf16, #tpu.memory_space<vmem>>) offsets(%dma_start3A_248 : memref<96xi32, #tpu.memory_space<vmem>>) semaphore(%arg24 : memref<!tpu.dma_semaphore, #tpu.memory_space<semaphore_mem>>)
      } else {
      }
      %add3A_223 = arith.constant 7 : i32
      %add3A_224 = arith.addi %add3A_89, %add3A_223 : i32
      %dma_wait3A_225 = arith.constant 0 : i32
      %dma_wait3A_226 = tpu.memref_slice %arg8[%add3A_224, %dma_wait3A_225] : memref<105x96xi32, #tpu.memory_space<vmem>> -> memref<1x96xi32, #tpu.memory_space<vmem>>
      %dma_wait3A_227 = tpu.memref_squeeze %dma_wait3A_226 : memref<1x96xi32, #tpu.memory_space<vmem>> -> memref<96xi32, #tpu.memory_space<vmem>>
      %dma_wait3A_228 = arith.constant 0 : i32
      %dma_wait3A_229 = arith.constant 0 : i32
      %dma_wait3A_230 = tpu.memref_slice %arg4[%dma_wait3A_228, %dma_wait3A_229] : memref<10000x64xbf16, #tpu.memory_space<hbm>> -> memref<10000x64xbf16, #tpu.memory_space<hbm>>
      tpu.wait_indirect_dma semaphore(%arg25 : memref<!tpu.dma_semaphore, #tpu.memory_space<semaphore_mem>>) src(%dma_wait3A_230 : memref<10000x64xbf16, #tpu.memory_space<hbm>>) dst(%arg17 : memref<96x64xbf16, #tpu.memory_space<vmem>>)
      %add3A_231 = arith.constant 7 : i32
      %add3A_232 = arith.addi %add3A_89, %add3A_231 : i32
      "tpu.region"() ({
        %run_scoped3A_242 = tpu.sem_alloc : memref<!tpu.dma_semaphore, #tpu.memory_space<semaphore_mem>>
        %dma_start3A_243 = arith.constant 0 : i32
        %dma_start3A_244 = tpu.memref_slice %arg9[%add3A_232, %dma_start3A_243] : memref<105x96xi32, #tpu.memory_space<vmem>> -> memref<1x96xi32, #tpu.memory_space<vmem>>
        %dma_start3A_245 = tpu.memref_squeeze %dma_start3A_244 : memref<1x96xi32, #tpu.memory_space<vmem>> -> memref<96xi32, #tpu.memory_space<vmem>>
        %dma_start3A_246 = arith.constant 0 : i32
        %dma_start3A_247 = arith.constant 0 : i32
        %dma_start3A_248 = tpu.memref_slice %arg7[%dma_start3A_246, %dma_start3A_247] : memref<10016x64xbf16, #tpu.memory_space<vmem_shared>> -> memref<10016x64xbf16, #tpu.memory_space<vmem_shared>>
        tpu.enqueue_indirect_dma source(%arg17 : memref<96x64xbf16, #tpu.memory_space<vmem>>) target(%dma_start3A_248 : memref<10016x64xbf16, #tpu.memory_space<vmem_shared>>) offsets(%dma_start3A_245 : memref<96xi32, #tpu.memory_space<vmem>>) semaphore(%run_scoped3A_242 : memref<!tpu.dma_semaphore, #tpu.memory_space<semaphore_mem>>) {add = true}
        %dma_wait3A_249 = arith.constant 0 : i32
        %dma_wait3A_250 = tpu.memref_slice %arg9[%add3A_232, %dma_wait3A_249] : memref<105x96xi32, #tpu.memory_space<vmem>> -> memref<1x96xi32, #tpu.memory_space<vmem>>
        %dma_wait3A_251 = tpu.memref_squeeze %dma_wait3A_250 : memref<1x96xi32, #tpu.memory_space<vmem>> -> memref<96xi32, #tpu.memory_space<vmem>>
        %dma_wait3A_252 = arith.constant 0 : i32
        %dma_wait3A_253 = arith.constant 0 : i32
        %dma_wait3A_254 = tpu.memref_slice %arg7[%dma_wait3A_252, %dma_wait3A_253] : memref<10016x64xbf16, #tpu.memory_space<vmem_shared>> -> memref<10016x64xbf16, #tpu.memory_space<vmem_shared>>
        tpu.wait_indirect_dma semaphore(%run_scoped3A_242 : memref<!tpu.dma_semaphore, #tpu.memory_space<semaphore_mem>>) src(%arg17 : memref<96x64xbf16, #tpu.memory_space<vmem>>) dst(%dma_wait3A_254 : memref<10016x64xbf16, #tpu.memory_space<vmem_shared>>)
        tpu.yield
      }) : () -> ()
      %add3A_233 = arith.constant 7 : i32
      %add3A_234 = arith.addi %add3A_89, %add3A_233 : i32
      %add3A_235 = arith.constant 8 : i32
      %add3A_236 = arith.addi %add3A_234, %add3A_235 : i32
      %lt3A_237 = arith.constant 105 : i32
      %lt3A_238 = arith.cmpi slt, %add3A_236, %lt3A_237 : i32
      %convert_element_type3A_239 = arith.extui %lt3A_238 : i1 to i32
      %cond3A_240 = arith.constant 0 : i32
      %cond3A_241 = arith.cmpi ne, %convert_element_type3A_239, %cond3A_240 : i32
      scf.if %cond3A_241 {
        %add3A_242 = arith.constant 7 : i32
        %add3A_243 = arith.addi %add3A_89, %add3A_242 : i32
        %add3A_244 = arith.constant 8 : i32
        %add3A_245 = arith.addi %add3A_243, %add3A_244 : i32
        %dma_start3A_246 = arith.constant 0 : i32
        %dma_start3A_247 = tpu.memref_slice %arg8[%add3A_245, %dma_start3A_246] : memref<105x96xi32, #tpu.memory_space<vmem>> -> memref<1x96xi32, #tpu.memory_space<vmem>>
        %dma_start3A_248 = tpu.memref_squeeze %dma_start3A_247 : memref<1x96xi32, #tpu.memory_space<vmem>> -> memref<96xi32, #tpu.memory_space<vmem>>
        %dma_start3A_249 = arith.constant 0 : i32
        %dma_start3A_250 = arith.constant 0 : i32
        %dma_start3A_251 = tpu.memref_slice %arg4[%dma_start3A_249, %dma_start3A_250] : memref<10000x64xbf16, #tpu.memory_space<hbm>> -> memref<10000x64xbf16, #tpu.memory_space<hbm>>
        tpu.enqueue_indirect_dma source(%dma_start3A_251 : memref<10000x64xbf16, #tpu.memory_space<hbm>>) target(%arg17 : memref<96x64xbf16, #tpu.memory_space<vmem>>) offsets(%dma_start3A_248 : memref<96xi32, #tpu.memory_space<vmem>>) semaphore(%arg25 : memref<!tpu.dma_semaphore, #tpu.memory_space<semaphore_mem>>)
      } else {
      }
    }
    %scan3A_67 = arith.constant 13 : i32
    %dma_wait3A = arith.constant 104 : i32
    %dma_wait3A_68 = arith.constant 0 : i32
    %dma_wait3A_69 = tpu.memref_slice %arg8[%dma_wait3A, %dma_wait3A_68] : memref<105x96xi32, #tpu.memory_space<vmem>> -> memref<1x96xi32, #tpu.memory_space<vmem>>
    %dma_wait3A_70 = tpu.memref_squeeze %dma_wait3A_69 : memref<1x96xi32, #tpu.memory_space<vmem>> -> memref<96xi32, #tpu.memory_space<vmem>>
    %dma_wait3A_71 = arith.constant 0 : i32
    %dma_wait3A_72 = arith.constant 0 : i32
    %dma_wait3A_73 = tpu.memref_slice %arg4[%dma_wait3A_71, %dma_wait3A_72] : memref<10000x64xbf16, #tpu.memory_space<hbm>> -> memref<10000x64xbf16, #tpu.memory_space<hbm>>
    tpu.wait_indirect_dma semaphore(%arg18 : memref<!tpu.dma_semaphore, #tpu.memory_space<semaphore_mem>>) src(%dma_wait3A_73 : memref<10000x64xbf16, #tpu.memory_space<hbm>>) dst(%arg10 : memref<96x64xbf16, #tpu.memory_space<vmem>>)
    %run_scoped3A = arith.constant 104 : i32
    "tpu.region"() ({
      %run_scoped3A_85 = tpu.sem_alloc : memref<!tpu.dma_semaphore, #tpu.memory_space<semaphore_mem>>
      %dma_start3A_86 = arith.constant 0 : i32
      %dma_start3A_87 = tpu.memref_slice %arg9[%run_scoped3A, %dma_start3A_86] : memref<105x96xi32, #tpu.memory_space<vmem>> -> memref<1x96xi32, #tpu.memory_space<vmem>>
      %dma_start3A_88 = tpu.memref_squeeze %dma_start3A_87 : memref<1x96xi32, #tpu.memory_space<vmem>> -> memref<96xi32, #tpu.memory_space<vmem>>
      %dma_start3A_89 = arith.constant 0 : i32
      %dma_start3A_90 = arith.constant 0 : i32
      %dma_start3A_91 = tpu.memref_slice %arg7[%dma_start3A_89, %dma_start3A_90] : memref<10016x64xbf16, #tpu.memory_space<vmem_shared>> -> memref<10016x64xbf16, #tpu.memory_space<vmem_shared>>
      tpu.enqueue_indirect_dma source(%arg10 : memref<96x64xbf16, #tpu.memory_space<vmem>>) target(%dma_start3A_91 : memref<10016x64xbf16, #tpu.memory_space<vmem_shared>>) offsets(%dma_start3A_88 : memref<96xi32, #tpu.memory_space<vmem>>) semaphore(%run_scoped3A_85 : memref<!tpu.dma_semaphore, #tpu.memory_space<semaphore_mem>>) {add = true}
      %dma_wait3A_92 = arith.constant 0 : i32
      %dma_wait3A_93 = tpu.memref_slice %arg9[%run_scoped3A, %dma_wait3A_92] : memref<105x96xi32, #tpu.memory_space<vmem>> -> memref<1x96xi32, #tpu.memory_space<vmem>>
      %dma_wait3A_94 = tpu.memref_squeeze %dma_wait3A_93 : memref<1x96xi32, #tpu.memory_space<vmem>> -> memref<96xi32, #tpu.memory_space<vmem>>
      %dma_wait3A_95 = arith.constant 0 : i32
      %dma_wait3A_96 = arith.constant 0 : i32
      %dma_wait3A_97 = tpu.memref_slice %arg7[%dma_wait3A_95, %dma_wait3A_96] : memref<10016x64xbf16, #tpu.memory_space<vmem_shared>> -> memref<10016x64xbf16, #tpu.memory_space<vmem_shared>>
      tpu.wait_indirect_dma semaphore(%run_scoped3A_85 : memref<!tpu.dma_semaphore, #tpu.memory_space<semaphore_mem>>) src(%arg10 : memref<96x64xbf16, #tpu.memory_space<vmem>>) dst(%dma_wait3A_97 : memref<10016x64xbf16, #tpu.memory_space<vmem_shared>>)
      tpu.yield
    }) : () -> ()
    %barrier3A_74 = arith.constant 0 : index
    tpu.barrier barrier_id(%barrier3A_74)
    %lt3A_75 = arith.constant 15 : i32
    %lt3A_76 = arith.cmpi slt, %arg1, %lt3A_75 : i32
    %convert_element_type3A_77 = arith.extui %lt3A_76 : i1 to i32
    %cond3A_78 = arith.constant 0 : i32
    %cond3A_79 = arith.cmpi ne, %convert_element_type3A_77, %cond3A_78 : i32
    scf.if %cond3A_79 {
      "tpu.region"() ({
        %run_scoped3A_85 = tpu.sem_alloc : memref<!tpu.dma_semaphore, #tpu.memory_space<semaphore_mem>>
        %dma_start3A_86 = arith.constant 0 : i32
        %dma_start3A_87 = tpu.memref_slice %arg6[%arg0, %multiple_of3A, %dma_start3A_86] : memref<2x10000x64xbf16, #tpu.memory_space<hbm>> -> memref<1x624x64xbf16, #tpu.memory_space<hbm>>
        %dma_start3A_88 = tpu.memref_squeeze %dma_start3A_87 : memref<1x624x64xbf16, #tpu.memory_space<hbm>> -> memref<624x64xbf16, #tpu.memory_space<hbm>>
        %dma_start3A_89 = arith.constant 0 : i32
        %dma_start3A_90 = tpu.memref_slice %arg7[%multiple_of3A, %dma_start3A_89] : memref<10016x64xbf16, #tpu.memory_space<vmem_shared>> -> memref<624x64xbf16, #tpu.memory_space<vmem_shared>>
        tpu.enqueue_dma source(%dma_start3A_90 : memref<624x64xbf16, #tpu.memory_space<vmem_shared>>) target(%dma_start3A_88 : memref<624x64xbf16, #tpu.memory_space<hbm>>) target_semaphore(%run_scoped3A_85 : memref<!tpu.dma_semaphore, #tpu.memory_space<semaphore_mem>>)
        %dma_wait3A_91 = arith.constant 0 : i32
        %dma_wait3A_92 = tpu.memref_slice %arg6[%arg0, %multiple_of3A, %dma_wait3A_91] : memref<2x10000x64xbf16, #tpu.memory_space<hbm>> -> memref<1x624x64xbf16, #tpu.memory_space<hbm>>
        %dma_wait3A_93 = tpu.memref_squeeze %dma_wait3A_92 : memref<1x624x64xbf16, #tpu.memory_space<hbm>> -> memref<624x64xbf16, #tpu.memory_space<hbm>>
        %dma_wait3A_94 = arith.constant 0 : i32
        %dma_wait3A_95 = tpu.memref_slice %arg7[%multiple_of3A, %dma_wait3A_94] : memref<10016x64xbf16, #tpu.memory_space<vmem_shared>> -> memref<624x64xbf16, #tpu.memory_space<vmem_shared>>
        tpu.wait_dma2 semaphore(%run_scoped3A_85 : memref<!tpu.dma_semaphore, #tpu.memory_space<semaphore_mem>>) src(%dma_wait3A_95 : memref<624x64xbf16, #tpu.memory_space<vmem_shared>>) dst(%dma_wait3A_93 : memref<624x64xbf16, #tpu.memory_space<hbm>>)
        tpu.yield
      }) : () -> ()
    } else {
    }
    %eq3A_80 = arith.constant 15 : i32
    %eq3A_81 = arith.cmpi eq, %arg1, %eq3A_80 : i32
    %convert_element_type3A_82 = arith.extui %eq3A_81 : i1 to i32
    %cond3A_83 = arith.constant 0 : i32
    %cond3A_84 = arith.cmpi ne, %convert_element_type3A_82, %cond3A_83 : i32
    scf.if %cond3A_84 {
      "tpu.region"() ({
        %run_scoped3A_85 = tpu.sem_alloc : memref<!tpu.dma_semaphore, #tpu.memory_space<semaphore_mem>>
        %dma_start3A_86 = arith.constant 9360 : i32
        %dma_start3A_87 = arith.constant 0 : i32
        %dma_start3A_88 = tpu.memref_slice %arg6[%arg0, %dma_start3A_86, %dma_start3A_87] : memref<2x10000x64xbf16, #tpu.memory_space<hbm>> -> memref<1x640x64xbf16, #tpu.memory_space<hbm>>
        %dma_start3A_89 = tpu.memref_squeeze %dma_start3A_88 : memref<1x640x64xbf16, #tpu.memory_space<hbm>> -> memref<640x64xbf16, #tpu.memory_space<hbm>>
        %dma_start3A_90 = arith.constant 9360 : i32
        %dma_start3A_91 = arith.constant 0 : i32
        %dma_start3A_92 = tpu.memref_slice %arg7[%dma_start3A_90, %dma_start3A_91] : memref<10016x64xbf16, #tpu.memory_space<vmem_shared>> -> memref<640x64xbf16, #tpu.memory_space<vmem_shared>>
        tpu.enqueue_dma source(%dma_start3A_92 : memref<640x64xbf16, #tpu.memory_space<vmem_shared>>) target(%dma_start3A_89 : memref<640x64xbf16, #tpu.memory_space<hbm>>) target_semaphore(%run_scoped3A_85 : memref<!tpu.dma_semaphore, #tpu.memory_space<semaphore_mem>>)
        %dma_wait3A_93 = arith.constant 9360 : i32
        %dma_wait3A_94 = arith.constant 0 : i32
        %dma_wait3A_95 = tpu.memref_slice %arg6[%arg0, %dma_wait3A_93, %dma_wait3A_94] : memref<2x10000x64xbf16, #tpu.memory_space<hbm>> -> memref<1x640x64xbf16, #tpu.memory_space<hbm>>
        %dma_wait3A_96 = tpu.memref_squeeze %dma_wait3A_95 : memref<1x640x64xbf16, #tpu.memory_space<hbm>> -> memref<640x64xbf16, #tpu.memory_space<hbm>>
        %dma_wait3A_97 = arith.constant 9360 : i32
        %dma_wait3A_98 = arith.constant 0 : i32
        %dma_wait3A_99 = tpu.memref_slice %arg7[%dma_wait3A_97, %dma_wait3A_98] : memref<10016x64xbf16, #tpu.memory_space<vmem_shared>> -> memref<640x64xbf16, #tpu.memory_space<vmem_shared>>
        tpu.wait_dma2 semaphore(%run_scoped3A_85 : memref<!tpu.dma_semaphore, #tpu.memory_space<semaphore_mem>>) src(%dma_wait3A_99 : memref<640x64xbf16, #tpu.memory_space<vmem_shared>>) dst(%dma_wait3A_96 : memref<640x64xbf16, #tpu.memory_space<hbm>>)
        tpu.yield
      }) : () -> ()
    } else {
    }
    return
  }
}

module attributes {stable_mosaic.version = 14 : i64} {
  func.func @_t1_body(%arg0: i32, %arg1: memref<1024x128xf32, #tpu.memory_space<vmem>>, %arg2: memref<128x64xf32, #tpu.memory_space<vmem>>, %arg3: memref<32x1024xf32, #tpu.memory_space<vmem>>, %arg4: memref<1024x64xbf16, #tpu.memory_space<vmem>>) attributes {dimension_semantics = [#tpu.dimension_semantics<arbitrary>], iteration_bounds = array<i64: 10>, scalar_prefetch = 0 : i64, scratch_operands = 0 : i64, tpu.core_type = #tpu.core_type<tc>, window_params = [{transform_indices = @transform_0, window_bounds = array<i64: 1024, 128>}, {pipeline_mode = #tpu.pipeline_mode<synchronous>, transform_indices = @transform_1, window_bounds = array<i64: 128, 64>}, {transform_indices = @transform_2, window_bounds = array<i64: 32, 1024>}, {transform_indices = @transform_3, window_bounds = array<i64: 1024, 64>}]} {
    %get3A = arith.constant 0 : index
    %get3A_0 = arith.constant 0 : index
    %get3A_1 = vector.load %arg1[%get3A, %get3A_0] : memref<1024x128xf32, #tpu.memory_space<vmem>>, vector<1024x128xf32>
    %get3A_2 = arith.constant 0 : index
    %get3A_3 = arith.constant 0 : index
    %get3A_4 = vector.load %arg2[%get3A_2, %get3A_3] : memref<128x64xf32, #tpu.memory_space<vmem>>, vector<128x64xf32>
    %dot_general3A = arith.constant dense<0.000000e+00> : vector<1024x64xf32>
    %dot_general3A_5 = tpu.matmul %get3A_1, %get3A_4, %dot_general3A {dimension_numbers = #tpu.dot_dimension_numbers<[1], [0], [0], [1], [0, 0, 1, 1], [], []>, transpose_lhs_hint = false} : vector<1024x128xf32>, vector<128x64xf32>, vector<1024x64xf32> -> vector<1024x64xf32>
    %get3A_6 = arith.constant 0 : index
    %get3A_7 = arith.constant 0 : index
    %get3A_8 = vector.load %arg3[%get3A_6, %get3A_7] : memref<32x1024xf32, #tpu.memory_space<vmem>>, vector<32x1024xf32>
    %reduce_sum3A = arith.constant dense<0.000000e+00> : vector<1024xf32>
    %reduce_sum3A_9 = vector.multi_reduction <add>, %get3A_8, %reduce_sum3A [0] : vector<32x1024xf32> to vector<1024xf32>
    %add3A = arith.constant 1.000000e+00 : f32
    %add3A_10 = vector.broadcast %add3A : f32 to vector<1024xf32>
    %add3A_11 = arith.addf %reduce_sum3A_9, %add3A_10 : vector<1024xf32>
    %rsqrt3A = math.rsqrt %add3A_11 : vector<1024xf32>
    %broadcast_in_dim3A = vector.shape_cast %rsqrt3A : vector<1024xf32> to vector<1024x1xf32>
    %mul3A = vector.broadcast %broadcast_in_dim3A : vector<1024x1xf32> to vector<1024x64xf32>
    %mul3A_12 = arith.mulf %dot_general3A_5, %mul3A : vector<1024x64xf32>
    %convert_element_type3A = arith.truncf %mul3A_12 : vector<1024x64xf32> to vector<1024x64xbf16>
    %swap3A = arith.constant 0 : index
    %swap3A_13 = arith.constant 0 : index
    %swap3A_14 = vector.load %arg4[%swap3A, %swap3A_13] : memref<1024x64xbf16, #tpu.memory_space<vmem>>, vector<1024x64xbf16>
    tpu.vector_store %arg4[%swap3A, %swap3A_13], %convert_element_type3A {strides = array<i32>} : memref<1024x64xbf16, #tpu.memory_space<vmem>>, vector<1024x64xbf16>,
    return
  }
  func.func @transform_0(%arg0: i32) -> (i32, i32) {
    %c0_i32 = arith.constant 0 : i32
    %c0_i32_0 = arith.constant 0 : i32
    return %arg0, %c0_i32 : i32, i32
  }
  func.func @transform_1(%arg0: i32) -> (i32, i32) {
    %c0_i32 = arith.constant 0 : i32
    %c0_i32_0 = arith.constant 0 : i32
    %c0_i32_1 = arith.constant 0 : i32
    return %c0_i32, %c0_i32_0 : i32, i32
  }
  func.func @transform_2(%arg0: i32) -> (i32, i32) {
    %c0_i32 = arith.constant 0 : i32
    %c0_i32_0 = arith.constant 0 : i32
    return %c0_i32, %arg0 : i32, i32
  }
  func.func @transform_3(%arg0: i32) -> (i32, i32) {
    %c0_i32 = arith.constant 0 : i32
    %c0_i32_0 = arith.constant 0 : i32
    return %arg0, %c0_i32 : i32, i32
  }
}

module attributes {stable_mosaic.version = 14 : i64} {
  func.func @_t2_body(%arg0: i32, %arg1: memref<2x1024x64xbf16, #tpu.memory_space<vmem>>, %arg2: memref<1024x64xbf16, #tpu.memory_space<vmem>>, %arg3: memref<32x1024xf32, #tpu.memory_space<vmem>>, %arg4: memref<64x64xf32, #tpu.memory_space<vmem>>, %arg5: memref<1x64xf32, #tpu.memory_space<vmem>>, %arg6: memref<1024x64xbf16, #tpu.memory_space<vmem>>) attributes {dimension_semantics = [#tpu.dimension_semantics<arbitrary>], iteration_bounds = array<i64: 10>, scalar_prefetch = 0 : i64, scratch_operands = 0 : i64, tpu.core_type = #tpu.core_type<tc>, window_params = [{transform_indices = @transform_0, window_bounds = array<i64: 2, 1024, 64>}, {transform_indices = @transform_1, window_bounds = array<i64: 1024, 64>}, {transform_indices = @transform_2, window_bounds = array<i64: 32, 1024>}, {pipeline_mode = #tpu.pipeline_mode<synchronous>, transform_indices = @transform_3, window_bounds = array<i64: 64, 64>}, {pipeline_mode = #tpu.pipeline_mode<synchronous>, transform_indices = @transform_4, window_bounds = array<i64: 1, 64>}, {transform_indices = @transform_5, window_bounds = array<i64: 1024, 64>}]} {
    %get3A = arith.constant 0 : index
    %get3A_0 = arith.constant 0 : index
    %get3A_1 = vector.load %arg3[%get3A, %get3A_0] : memref<32x1024xf32, #tpu.memory_space<vmem>>, vector<32x1024xf32>
    %reduce_sum3A = arith.constant dense<0.000000e+00> : vector<1024xf32>
    %reduce_sum3A_2 = vector.multi_reduction <add>, %get3A_1, %reduce_sum3A [0] : vector<32x1024xf32> to vector<1024xf32>
    %add3A = arith.constant 1.000000e+00 : f32
    %add3A_3 = vector.broadcast %add3A : f32 to vector<1024xf32>
    %add3A_4 = arith.addf %reduce_sum3A_2, %add3A_3 : vector<1024xf32>
    %rsqrt3A = math.rsqrt %add3A_4 : vector<1024xf32>
    %get3A_5 = arith.constant 0 : index
    %get3A_6 = arith.constant 0 : index
    %get3A_7 = arith.constant 0 : index
    %get3A_8 = vector.load %arg1[%get3A_5, %get3A_6, %get3A_7] : memref<2x1024x64xbf16, #tpu.memory_space<vmem>>, vector<1x1024x64xbf16>
    %get3A_9 = vector.shape_cast %get3A_8 : vector<1x1024x64xbf16> to vector<1024x64xbf16>
    %get3A_10 = arith.constant 1 : index
    %get3A_11 = arith.constant 0 : index
    %get3A_12 = arith.constant 0 : index
    %get3A_13 = vector.load %arg1[%get3A_10, %get3A_11, %get3A_12] : memref<2x1024x64xbf16, #tpu.memory_space<vmem>>, vector<1x1024x64xbf16>
    %get3A_14 = vector.shape_cast %get3A_13 : vector<1x1024x64xbf16> to vector<1024x64xbf16>
    %add3A_15 = arith.addf %get3A_9, %get3A_14 : vector<1024x64xbf16>
    %get3A_16 = arith.constant 0 : index
    %get3A_17 = arith.constant 0 : index
    %get3A_18 = vector.load %arg2[%get3A_16, %get3A_17] : memref<1024x64xbf16, #tpu.memory_space<vmem>>, vector<1024x64xbf16>
    %add3A_19 = arith.addf %add3A_15, %get3A_18 : vector<1024x64xbf16>
    %convert_element_type3A = arith.extf %add3A_19 : vector<1024x64xbf16> to vector<1024x64xf32>
    %broadcast_in_dim3A = vector.shape_cast %rsqrt3A : vector<1024xf32> to vector<1024x1xf32>
    %mul3A = vector.broadcast %broadcast_in_dim3A : vector<1024x1xf32> to vector<1024x64xf32>
    %mul3A_20 = arith.mulf %convert_element_type3A, %mul3A : vector<1024x64xf32>
    %get3A_21 = arith.constant 0 : index
    %get3A_22 = arith.constant 0 : index
    %get3A_23 = vector.load %arg5[%get3A_21, %get3A_22] : memref<1x64xf32, #tpu.memory_space<vmem>>, vector<1x64xf32>
    %add3A_24 = vector.broadcast %get3A_23 : vector<1x64xf32> to vector<1024x64xf32>
    %add3A_25 = arith.addf %mul3A_20, %add3A_24 : vector<1024x64xf32>
    %max3A = arith.constant 0.000000e+00 : f32
    %max3A_26 = vector.broadcast %max3A : f32 to vector<1024x64xf32>
    %max3A_27 = arith.maximumf %add3A_25, %max3A_26 : vector<1024x64xf32>
    %get3A_28 = arith.constant 0 : index
    %get3A_29 = arith.constant 0 : index
    %get3A_30 = vector.load %arg4[%get3A_28, %get3A_29] : memref<64x64xf32, #tpu.memory_space<vmem>>, vector<64x64xf32>
    %dot_general3A = arith.constant dense<0.000000e+00> : vector<1024x64xf32>
    %dot_general3A_31 = tpu.matmul %max3A_27, %get3A_30, %dot_general3A {dimension_numbers = #tpu.dot_dimension_numbers<[1], [0], [0], [1], [0, 0, 1, 1], [], []>, transpose_lhs_hint = false} : vector<1024x64xf32>, vector<64x64xf32>, vector<1024x64xf32> -> vector<1024x64xf32>
    %broadcast_in_dim3A_32 = vector.shape_cast %rsqrt3A : vector<1024xf32> to vector<1024x1xf32>
    %mul3A_33 = vector.broadcast %broadcast_in_dim3A_32 : vector<1024x1xf32> to vector<1024x64xf32>
    %mul3A_34 = arith.mulf %dot_general3A_31, %mul3A_33 : vector<1024x64xf32>
    %convert_element_type3A_35 = arith.truncf %mul3A_34 : vector<1024x64xf32> to vector<1024x64xbf16>
    %swap3A = arith.constant 0 : index
    %swap3A_36 = arith.constant 0 : index
    %swap3A_37 = vector.load %arg6[%swap3A, %swap3A_36] : memref<1024x64xbf16, #tpu.memory_space<vmem>>, vector<1024x64xbf16>
    tpu.vector_store %arg6[%swap3A, %swap3A_36], %convert_element_type3A_35 {strides = array<i32>} : memref<1024x64xbf16, #tpu.memory_space<vmem>>, vector<1024x64xbf16>,
    return
  }
  func.func @transform_0(%arg0: i32) -> (i32, i32, i32) {
    %c0_i32 = arith.constant 0 : i32
    %c0_i32_0 = arith.constant 0 : i32
    %c0_i32_1 = arith.constant 0 : i32
    return %c0_i32, %arg0, %c0_i32_0 : i32, i32, i32
  }
  func.func @transform_1(%arg0: i32) -> (i32, i32) {
    %c0_i32 = arith.constant 0 : i32
    %c0_i32_0 = arith.constant 0 : i32
    return %arg0, %c0_i32 : i32, i32
  }
  func.func @transform_2(%arg0: i32) -> (i32, i32) {
    %c0_i32 = arith.constant 0 : i32
    %c0_i32_0 = arith.constant 0 : i32
    return %c0_i32, %arg0 : i32, i32
  }
  func.func @transform_3(%arg0: i32) -> (i32, i32) {
    %c0_i32 = arith.constant 0 : i32
    %c0_i32_0 = arith.constant 0 : i32
    %c0_i32_1 = arith.constant 0 : i32
    return %c0_i32, %c0_i32_0 : i32, i32
  }
  func.func @transform_4(%arg0: i32) -> (i32, i32) {
    %c0_i32 = arith.constant 0 : i32
    %c0_i32_0 = arith.constant 0 : i32
    %c0_i32_1 = arith.constant 0 : i32
    return %c0_i32, %c0_i32_0 : i32, i32
  }
  func.func @transform_5(%arg0: i32) -> (i32, i32) {
    %c0_i32 = arith.constant 0 : i32
    %c0_i32_0 = arith.constant 0 : i32
    return %arg0, %c0_i32 : i32, i32
  }
}

module attributes {stable_mosaic.version = 14 : i64} {
  func.func @_t3_body(%arg0: i32, %arg1: memref<2x1024x64xbf16, #tpu.memory_space<vmem>>, %arg2: memref<1024x64xbf16, #tpu.memory_space<vmem>>, %arg3: memref<32x1024xf32, #tpu.memory_space<vmem>>, %arg4: memref<1x1024xi32, #tpu.memory_space<vmem>>, %arg5: memref<64x16xf32, #tpu.memory_space<vmem>>, %arg6: memref<1x64xf32, #tpu.memory_space<vmem>>, %arg7: memref<16x64xf32, #tpu.memory_space<vmem>>, %arg8: memref<1x64xf32, #tpu.memory_space<vmem>>, %arg9: memref<64x64xf32, #tpu.memory_space<vmem>>, %arg10: memref<1x64xf32, #tpu.memory_space<vmem>>, %arg11: memref<128x64xf32, #tpu.memory_space<vmem>>, %arg12: memref<1x64xf32, #tpu.memory_space<vmem>>, %arg13: memref<64x1xf32, #tpu.memory_space<vmem>>, %arg14: memref<1x1xf32, #tpu.memory_space<vmem>>, %arg15: memref<64x1xf32, #tpu.memory_space<vmem>>, %arg16: memref<64x64xf32, #tpu.memory_space<vmem>>, %arg17: memref<64x1xf32, #tpu.memory_space<vmem>>) attributes {dimension_semantics = [#tpu.dimension_semantics<arbitrary>], iteration_bounds = array<i64: 10>, scalar_prefetch = 0 : i64, scratch_operands = 2 : i64, tpu.core_type = #tpu.core_type<tc>, window_params = [{transform_indices = @transform_0, window_bounds = array<i64: 2, 1024, 64>}, {transform_indices = @transform_1, window_bounds = array<i64: 1024, 64>}, {transform_indices = @transform_2, window_bounds = array<i64: 32, 1024>}, {transform_indices = @transform_3, window_bounds = array<i64: 1, 1024>}, {pipeline_mode = #tpu.pipeline_mode<synchronous>, transform_indices = @transform_4, window_bounds = array<i64: 64, 16>}, {pipeline_mode = #tpu.pipeline_mode<synchronous>, transform_indices = @transform_5, window_bounds = array<i64: 1, 64>}, {pipeline_mode = #tpu.pipeline_mode<synchronous>, transform_indices = @transform_6, window_bounds = array<i64: 16, 64>}, {pipeline_mode = #tpu.pipeline_mode<synchronous>, transform_indices = @transform_7, window_bounds = array<i64: 1, 64>}, {pipeline_mode = #tpu.pipeline_mode<synchronous>, transform_indices = @transform_8, window_bounds = array<i64: 64, 64>}, {pipeline_mode = #tpu.pipeline_mode<synchronous>, transform_indices = @transform_9, window_bounds = array<i64: 1, 64>}, {pipeline_mode = #tpu.pipeline_mode<synchronous>, transform_indices = @transform_10, window_bounds = array<i64: 128, 64>}, {pipeline_mode = #tpu.pipeline_mode<synchronous>, transform_indices = @transform_11, window_bounds = array<i64: 1, 64>}, {pipeline_mode = #tpu.pipeline_mode<synchronous>, transform_indices = @transform_12, window_bounds = array<i64: 64, 1>}, {pipeline_mode = #tpu.pipeline_mode<synchronous>, transform_indices = @transform_13, window_bounds = array<i64: 1, 1>}, {pipeline_mode = #tpu.pipeline_mode<synchronous>, transform_indices = @transform_14, window_bounds = array<i64: 64, 1>}]} {
    %eq3A = arith.constant 0 : i32
    %eq3A_0 = arith.cmpi eq, %arg0, %eq3A : i32
    %convert_element_type3A = arith.extui %eq3A_0 : i1 to i32
    %cond3A = arith.constant 0 : i32
    %cond3A_1 = arith.cmpi ne, %convert_element_type3A, %cond3A : i32
    scf.if %cond3A_1 {
      %broadcast_in_dim3A_81 = arith.constant 0.000000e+00 : f32
      %broadcast_in_dim3A_82 = vector.broadcast %broadcast_in_dim3A_81 : f32 to vector<64x64xf32>
      %swap3A_83 = arith.constant 0 : index
      %swap3A_84 = arith.constant 0 : index
      %swap3A_85 = vector.load %arg16[%swap3A_83, %swap3A_84] : memref<64x64xf32, #tpu.memory_space<vmem>>, vector<64x64xf32>
      tpu.vector_store %arg16[%swap3A_83, %swap3A_84], %broadcast_in_dim3A_82 {strides = array<i32>} : memref<64x64xf32, #tpu.memory_space<vmem>>, vector<64x64xf32>,
      %broadcast_in_dim3A_86 = arith.constant 0.000000e+00 : f32
      %broadcast_in_dim3A_87 = vector.broadcast %broadcast_in_dim3A_86 : f32 to vector<64x1xf32>
      %swap3A_88 = arith.constant 0 : index
      %swap3A_89 = arith.constant 0 : index
      %swap3A_90 = vector.load %arg17[%swap3A_88, %swap3A_89] : memref<64x1xf32, #tpu.memory_space<vmem>>, vector<64x1xf32>
      tpu.vector_store %arg17[%swap3A_88, %swap3A_89], %broadcast_in_dim3A_87 {strides = array<i32>} : memref<64x1xf32, #tpu.memory_space<vmem>>, vector<64x1xf32>,
    } else {
    }
    %get3A = arith.constant 0 : index
    %get3A_2 = arith.constant 0 : index
    %get3A_3 = vector.load %arg3[%get3A, %get3A_2] : memref<32x1024xf32, #tpu.memory_space<vmem>>, vector<32x1024xf32>
    %reduce_sum3A = arith.constant dense<0.000000e+00> : vector<1024xf32>
    %reduce_sum3A_4 = vector.multi_reduction <add>, %get3A_3, %reduce_sum3A [0] : vector<32x1024xf32> to vector<1024xf32>
    %add3A = arith.constant 1.000000e+00 : f32
    %add3A_5 = vector.broadcast %add3A : f32 to vector<1024xf32>
    %add3A_6 = arith.addf %reduce_sum3A_4, %add3A_5 : vector<1024xf32>
    %rsqrt3A = math.rsqrt %add3A_6 : vector<1024xf32>
    %get3A_7 = arith.constant 0 : index
    %get3A_8 = arith.constant 0 : index
    %get3A_9 = arith.constant 0 : index
    %get3A_10 = vector.load %arg1[%get3A_7, %get3A_8, %get3A_9] : memref<2x1024x64xbf16, #tpu.memory_space<vmem>>, vector<1x1024x64xbf16>
    %get3A_11 = vector.shape_cast %get3A_10 : vector<1x1024x64xbf16> to vector<1024x64xbf16>
    %get3A_12 = arith.constant 1 : index
    %get3A_13 = arith.constant 0 : index
    %get3A_14 = arith.constant 0 : index
    %get3A_15 = vector.load %arg1[%get3A_12, %get3A_13, %get3A_14] : memref<2x1024x64xbf16, #tpu.memory_space<vmem>>, vector<1x1024x64xbf16>
    %get3A_16 = vector.shape_cast %get3A_15 : vector<1x1024x64xbf16> to vector<1024x64xbf16>
    %add3A_17 = arith.addf %get3A_11, %get3A_16 : vector<1024x64xbf16>
    %get3A_18 = arith.constant 0 : index
    %get3A_19 = arith.constant 0 : index
    %get3A_20 = vector.load %arg2[%get3A_18, %get3A_19] : memref<1024x64xbf16, #tpu.memory_space<vmem>>, vector<1024x64xbf16>
    %add3A_21 = arith.addf %add3A_17, %get3A_20 : vector<1024x64xbf16>
    %convert_element_type3A_22 = arith.extf %add3A_21 : vector<1024x64xbf16> to vector<1024x64xf32>
    %broadcast_in_dim3A = vector.shape_cast %rsqrt3A : vector<1024xf32> to vector<1024x1xf32>
    %mul3A = vector.broadcast %broadcast_in_dim3A : vector<1024x1xf32> to vector<1024x64xf32>
    %mul3A_23 = arith.mulf %convert_element_type3A_22, %mul3A : vector<1024x64xf32>
    %get3A_24 = arith.constant 0 : index
    %get3A_25 = arith.constant 0 : index
    %get3A_26 = vector.load %arg6[%get3A_24, %get3A_25] : memref<1x64xf32, #tpu.memory_space<vmem>>, vector<1x64xf32>
    %add3A_27 = vector.broadcast %get3A_26 : vector<1x64xf32> to vector<1024x64xf32>
    %add3A_28 = arith.addf %mul3A_23, %add3A_27 : vector<1024x64xf32>
    %iota3A = tpu.iota {dimensions = array<i32: 0>} : vector<1024x1xi32>
    %mul3A_29 = arith.constant 1024 : i32
    %mul3A_30 = arith.muli %arg0, %mul3A_29 : i32
    %add3A_31 = vector.broadcast %mul3A_30 : i32 to vector<1024x1xi32>
    %add3A_32 = arith.addi %iota3A, %add3A_31 : vector<1024x1xi32>
    %lt3A = arith.constant 10000 : i32
    %lt3A_33 = vector.broadcast %lt3A : i32 to vector<1024x1xi32>
    %lt3A_34 = arith.cmpi slt, %add3A_32, %lt3A_33 : vector<1024x1xi32>
    %jit3A = arith.constant 0.000000e+00 : f32
    %broadcast_in_dim3A_35 = vector.shape_cast %lt3A_34 : vector<1024x1xi1> to vector<1024x1xi1>
    %broadcast_in_dim3A_36 = vector.broadcast %broadcast_in_dim3A_35 : vector<1024x1xi1> to vector<1024x64xi1>
    %broadcast_in_dim3A_37 = vector.broadcast %jit3A : f32 to vector<1024x64xf32>
    %select_n3A = arith.select %broadcast_in_dim3A_36, %add3A_28, %broadcast_in_dim3A_37 : vector<1024x64xi1>, vector<1024x64xf32>
    %iota3A_38 = tpu.iota {dimensions = array<i32: 1>} : vector<1x1024xi32>
    %mul3A_39 = arith.constant 1024 : i32
    %mul3A_40 = arith.muli %arg0, %mul3A_39 : i32
    %add3A_41 = vector.broadcast %mul3A_40 : i32 to vector<1x1024xi32>
    %add3A_42 = arith.addi %iota3A_38, %add3A_41 : vector<1x1024xi32>
    %iota3A_43 = tpu.iota {dimensions = array<i32: 0>} : vector<64x1xi32>
    %get3A_44 = arith.constant 0 : index
    %get3A_45 = arith.constant 0 : index
    %get3A_46 = vector.load %arg4[%get3A_44, %get3A_45] : memref<1x1024xi32, #tpu.memory_space<vmem>>, vector<1x1024xi32>
    %eq3A_47 = vector.broadcast %get3A_46 : vector<1x1024xi32> to vector<64x1024xi32>
    %eq3A_48 = vector.broadcast %iota3A_43 : vector<64x1xi32> to vector<64x1024xi32>
    %eq3A_49 = arith.cmpi eq, %eq3A_47, %eq3A_48 : vector<64x1024xi32>
    %lt3A_50 = arith.constant 10000 : i32
    %lt3A_51 = vector.broadcast %lt3A_50 : i32 to vector<1x1024xi32>
    %lt3A_52 = arith.cmpi slt, %add3A_42, %lt3A_51 : vector<1x1024xi32>
    %and3A = vector.broadcast %lt3A_52 : vector<1x1024xi1> to vector<64x1024xi1>
    %and3A_53 = arith.andi %eq3A_49, %and3A : vector<64x1024xi1>
    %jit3A_54 = arith.constant 1.000000e+00 : f32
    %jit3A_55 = arith.constant 0.000000e+00 : f32
    %broadcast_in_dim3A_56 = vector.broadcast %jit3A_54 : f32 to vector<64x1024xf32>
    %broadcast_in_dim3A_57 = vector.broadcast %jit3A_55 : f32 to vector<64x1024xf32>
    %select_n3A_58 = arith.select %and3A_53, %broadcast_in_dim3A_56, %broadcast_in_dim3A_57 : vector<64x1024xi1>, vector<64x1024xf32>
    %get3A_59 = arith.constant 0 : index
    %get3A_60 = arith.constant 0 : index
    %get3A_61 = vector.load %arg16[%get3A_59, %get3A_60] : memref<64x64xf32, #tpu.memory_space<vmem>>, vector<64x64xf32>
    %dot_general3A = arith.constant dense<0.000000e+00> : vector<64x64xf32>
    %dot_general3A_62 = tpu.matmul %select_n3A_58, %select_n3A, %dot_general3A {dimension_numbers = #tpu.dot_dimension_numbers<[1], [0], [0], [1], [0, 0, 1, 1], [], []>, transpose_lhs_hint = false} : vector<64x1024xf32>, vector<1024x64xf32>, vector<64x64xf32> -> vector<64x64xf32>
    %add3A_63 = arith.addf %get3A_61, %dot_general3A_62 : vector<64x64xf32>
    %swap3A = arith.constant 0 : index
    %swap3A_64 = arith.constant 0 : index
    %swap3A_65 = vector.load %arg16[%swap3A, %swap3A_64] : memref<64x64xf32, #tpu.memory_space<vmem>>, vector<64x64xf32>
    tpu.vector_store %arg16[%swap3A, %swap3A_64], %add3A_63 {strides = array<i32>} : memref<64x64xf32, #tpu.memory_space<vmem>>, vector<64x64xf32>,
    %get3A_66 = arith.constant 0 : index
    %get3A_67 = arith.constant 0 : index
    %get3A_68 = vector.load %arg17[%get3A_66, %get3A_67] : memref<64x1xf32, #tpu.memory_space<vmem>>, vector<64x1xf32>
    %reduce_sum3A_69 = arith.constant dense<0.000000e+00> : vector<64xf32>
    %reduce_sum3A_70 = vector.multi_reduction <add>, %select_n3A_58, %reduce_sum3A_69 [1] : vector<64x1024xf32> to vector<64xf32>
    %broadcast_in_dim3A_71 = vector.shape_cast %reduce_sum3A_70 : vector<64xf32> to vector<64x1xf32>
    %add3A_72 = arith.addf %get3A_68, %broadcast_in_dim3A_71 : vector<64x1xf32>
    %swap3A_73 = arith.constant 0 : index
    %swap3A_74 = arith.constant 0 : index
    %swap3A_75 = vector.load %arg17[%swap3A_73, %swap3A_74] : memref<64x1xf32, #tpu.memory_space<vmem>>, vector<64x1xf32>
    tpu.vector_store %arg17[%swap3A_73, %swap3A_74], %add3A_72 {strides = array<i32>} : memref<64x1xf32, #tpu.memory_space<vmem>>, vector<64x1xf32>,
    %eq3A_76 = arith.constant 9 : i32
    %eq3A_77 = arith.cmpi eq, %arg0, %eq3A_76 : i32
    %convert_element_type3A_78 = arith.extui %eq3A_77 : i1 to i32
    %cond3A_79 = arith.constant 0 : i32
    %cond3A_80 = arith.cmpi ne, %convert_element_type3A_78, %cond3A_79 : i32
    scf.if %cond3A_80 {
      %get3A_81 = arith.constant 0 : index
      %get3A_82 = arith.constant 0 : index
      %get3A_83 = vector.load %arg16[%get3A_81, %get3A_82] : memref<64x64xf32, #tpu.memory_space<vmem>>, vector<64x64xf32>
      %get3A_84 = arith.constant 0 : index
      %get3A_85 = arith.constant 0 : index
      %get3A_86 = vector.load %arg17[%get3A_84, %get3A_85] : memref<64x1xf32, #tpu.memory_space<vmem>>, vector<64x1xf32>
      %max3A = arith.constant 1.000000e+00 : f32
      %max3A_87 = vector.broadcast %max3A : f32 to vector<64x1xf32>
      %max3A_88 = arith.maximumf %get3A_86, %max3A_87 : vector<64x1xf32>
      %div3A = vector.broadcast %max3A_88 : vector<64x1xf32> to vector<64x64xf32>
      %div3A_89 = arith.divf %get3A_83, %div3A : vector<64x64xf32>
      %get3A_90 = arith.constant 0 : index
      %get3A_91 = arith.constant 0 : index
      %get3A_92 = vector.load %arg5[%get3A_90, %get3A_91] : memref<64x16xf32, #tpu.memory_space<vmem>>, vector<64x16xf32>
      %get3A_93 = arith.constant 0 : index
      %get3A_94 = arith.constant 0 : index
      %get3A_95 = vector.load %arg7[%get3A_93, %get3A_94] : memref<16x64xf32, #tpu.memory_space<vmem>>, vector<16x64xf32>
      %dot_general3A_96 = arith.constant dense<0.000000e+00> : vector<64x64xf32>
      %dot_general3A_97 = tpu.matmul %get3A_92, %get3A_95, %dot_general3A_96 {dimension_numbers = #tpu.dot_dimension_numbers<[1], [0], [0], [1], [0, 0, 1, 1], [], []>, transpose_lhs_hint = false} : vector<64x16xf32>, vector<16x64xf32>, vector<64x64xf32> -> vector<64x64xf32>
      %get3A_98 = arith.constant 0 : index
      %get3A_99 = arith.constant 0 : index
      %get3A_100 = vector.load %arg8[%get3A_98, %get3A_99] : memref<1x64xf32, #tpu.memory_space<vmem>>, vector<1x64xf32>
      %add3A_101 = vector.broadcast %get3A_100 : vector<1x64xf32> to vector<64x64xf32>
      %add3A_102 = arith.addf %dot_general3A_97, %add3A_101 : vector<64x64xf32>
      %max3A_103 = arith.constant 0.000000e+00 : f32
      %max3A_104 = vector.broadcast %max3A_103 : f32 to vector<64x64xf32>
      %max3A_105 = arith.maximumf %add3A_102, %max3A_104 : vector<64x64xf32>
      %get3A_106 = arith.constant 0 : index
      %get3A_107 = arith.constant 0 : index
      %get3A_108 = vector.load %arg9[%get3A_106, %get3A_107] : memref<64x64xf32, #tpu.memory_space<vmem>>, vector<64x64xf32>
      %dot_general3A_109 = arith.constant dense<0.000000e+00> : vector<64x64xf32>
      %dot_general3A_110 = tpu.matmul %max3A_105, %get3A_108, %dot_general3A_109 {dimension_numbers = #tpu.dot_dimension_numbers<[1], [0], [0], [1], [0, 0, 1, 1], [], []>, transpose_lhs_hint = false} : vector<64x64xf32>, vector<64x64xf32>, vector<64x64xf32> -> vector<64x64xf32>
      %get3A_111 = arith.constant 0 : index
      %get3A_112 = arith.constant 0 : index
      %get3A_113 = vector.load %arg10[%get3A_111, %get3A_112] : memref<1x64xf32, #tpu.memory_space<vmem>>, vector<1x64xf32>
      %add3A_114 = vector.broadcast %get3A_113 : vector<1x64xf32> to vector<64x64xf32>
      %add3A_115 = arith.addf %dot_general3A_110, %add3A_114 : vector<64x64xf32>
      %concatenate3A = tpu.concatenate %div3A_89, %add3A_115 in 1 : vector<64x64xf32>, vector<64x64xf32> -> vector<64x128xf32>
      %get3A_116 = arith.constant 0 : index
      %get3A_117 = arith.constant 0 : index
      %get3A_118 = vector.load %arg11[%get3A_116, %get3A_117] : memref<128x64xf32, #tpu.memory_space<vmem>>, vector<128x64xf32>
      %dot_general3A_119 = arith.constant dense<0.000000e+00> : vector<64x64xf32>
      %dot_general3A_120 = tpu.matmul %concatenate3A, %get3A_118, %dot_general3A_119 {dimension_numbers = #tpu.dot_dimension_numbers<[1], [0], [0], [1], [0, 0, 1, 1], [], []>, transpose_lhs_hint = false} : vector<64x128xf32>, vector<128x64xf32>, vector<64x64xf32> -> vector<64x64xf32>
      %get3A_121 = arith.constant 0 : index
      %get3A_122 = arith.constant 0 : index
      %get3A_123 = vector.load %arg12[%get3A_121, %get3A_122] : memref<1x64xf32, #tpu.memory_space<vmem>>, vector<1x64xf32>
      %add3A_124 = vector.broadcast %get3A_123 : vector<1x64xf32> to vector<64x64xf32>
      %add3A_125 = arith.addf %dot_general3A_120, %add3A_124 : vector<64x64xf32>
      %max3A_126 = arith.constant 0.000000e+00 : f32
      %max3A_127 = vector.broadcast %max3A_126 : f32 to vector<64x64xf32>
      %max3A_128 = arith.maximumf %add3A_125, %max3A_127 : vector<64x64xf32>
      %get3A_129 = arith.constant 0 : index
      %get3A_130 = arith.constant 0 : index
      %get3A_131 = vector.load %arg13[%get3A_129, %get3A_130] : memref<64x1xf32, #tpu.memory_space<vmem>>, vector<64x1xf32>
      %dot_general3A_132 = arith.constant dense<0.000000e+00> : vector<64x1xf32>
      %dot_general3A_133 = tpu.matmul %max3A_128, %get3A_131, %dot_general3A_132 {dimension_numbers = #tpu.dot_dimension_numbers<[1], [0], [0], [1], [0, 0, 1, 1], [], []>, transpose_lhs_hint = false} : vector<64x64xf32>, vector<64x1xf32>, vector<64x1xf32> -> vector<64x1xf32>
      %get3A_134 = arith.constant 0 : index
      %get3A_135 = arith.constant 0 : index
      %get3A_136 = vector.load %arg14[%get3A_134, %get3A_135] : memref<1x1xf32, #tpu.memory_space<vmem>>, vector<1x1xf32>
      %add3A_137 = vector.broadcast %get3A_136 : vector<1x1xf32> to vector<64x1xf32>
      %add3A_138 = arith.addf %dot_general3A_133, %add3A_137 : vector<64x1xf32>
      %swap3A_139 = arith.constant 0 : index
      %swap3A_140 = arith.constant 0 : index
      %swap3A_141 = vector.load %arg15[%swap3A_139, %swap3A_140] : memref<64x1xf32, #tpu.memory_space<vmem>>, vector<64x1xf32>
      tpu.vector_store %arg15[%swap3A_139, %swap3A_140], %add3A_138 {strides = array<i32>} : memref<64x1xf32, #tpu.memory_space<vmem>>, vector<64x1xf32>,
    } else {
    }
    return
  }
  func.func @transform_0(%arg0: i32) -> (i32, i32, i32) {
    %c0_i32 = arith.constant 0 : i32
    %c0_i32_0 = arith.constant 0 : i32
    %c0_i32_1 = arith.constant 0 : i32
    return %c0_i32, %arg0, %c0_i32_0 : i32, i32, i32
  }
  func.func @transform_1(%arg0: i32) -> (i32, i32) {
    %c0_i32 = arith.constant 0 : i32
    %c0_i32_0 = arith.constant 0 : i32
    return %arg0, %c0_i32 : i32, i32
  }
  func.func @transform_2(%arg0: i32) -> (i32, i32) {
    %c0_i32 = arith.constant 0 : i32
    %c0_i32_0 = arith.constant 0 : i32
    return %c0_i32, %arg0 : i32, i32
  }
  func.func @transform_3(%arg0: i32) -> (i32, i32) {
    %c0_i32 = arith.constant 0 : i32
    %c0_i32_0 = arith.constant 0 : i32
    return %c0_i32, %arg0 : i32, i32
  }
  func.func @transform_4(%arg0: i32) -> (i32, i32) {
    %c0_i32 = arith.constant 0 : i32
    %c0_i32_0 = arith.constant 0 : i32
    %c0_i32_1 = arith.constant 0 : i32
    return %c0_i32, %c0_i32_0 : i32, i32
  }
  func.func @transform_5(%arg0: i32) -> (i32, i32) {
    %c0_i32 = arith.constant 0 : i32
    %c0_i32_0 = arith.constant 0 : i32
    %c0_i32_1 = arith.constant 0 : i32
    return %c0_i32, %c0_i32_0 : i32, i32
  }
  func.func @transform_6(%arg0: i32) -> (i32, i32) {
    %c0_i32 = arith.constant 0 : i32
    %c0_i32_0 = arith.constant 0 : i32
    %c0_i32_1 = arith.constant 0 : i32
    return %c0_i32, %c0_i32_0 : i32, i32
  }
  func.func @transform_7(%arg0: i32) -> (i32, i32) {
    %c0_i32 = arith.constant 0 : i32
    %c0_i32_0 = arith.constant 0 : i32
    %c0_i32_1 = arith.constant 0 : i32
    return %c0_i32, %c0_i32_0 : i32, i32
  }
  func.func @transform_8(%arg0: i32) -> (i32, i32) {
    %c0_i32 = arith.constant 0 : i32
    %c0_i32_0 = arith.constant 0 : i32
    %c0_i32_1 = arith.constant 0 : i32
    return %c0_i32, %c0_i32_0 : i32, i32
  }
  func.func @transform_9(%arg0: i32) -> (i32, i32) {
    %c0_i32 = arith.constant 0 : i32
    %c0_i32_0 = arith.constant 0 : i32
    %c0_i32_1 = arith.constant 0 : i32
    return %c0_i32, %c0_i32_0 : i32, i32
  }
  func.func @transform_10(%arg0: i32) -> (i32, i32) {
    %c0_i32 = arith.constant 0 : i32
    %c0_i32_0 = arith.constant 0 : i32
    %c0_i32_1 = arith.constant 0 : i32
    return %c0_i32, %c0_i32_0 : i32, i32
  }
  func.func @transform_11(%arg0: i32) -> (i32, i32) {
    %c0_i32 = arith.constant 0 : i32
    %c0_i32_0 = arith.constant 0 : i32
    %c0_i32_1 = arith.constant 0 : i32
    return %c0_i32, %c0_i32_0 : i32, i32
  }
  func.func @transform_12(%arg0: i32) -> (i32, i32) {
    %c0_i32 = arith.constant 0 : i32
    %c0_i32_0 = arith.constant 0 : i32
    %c0_i32_1 = arith.constant 0 : i32
    return %c0_i32, %c0_i32_0 : i32, i32
  }
  func.func @transform_13(%arg0: i32) -> (i32, i32) {
    %c0_i32 = arith.constant 0 : i32
    %c0_i32_0 = arith.constant 0 : i32
    %c0_i32_1 = arith.constant 0 : i32
    return %c0_i32, %c0_i32_0 : i32, i32
  }
  func.func @transform_14(%arg0: i32) -> (i32, i32) {
    %c0_i32 = arith.constant 0 : i32
    %c0_i32_0 = arith.constant 0 : i32
    %c0_i32_1 = arith.constant 0 : i32
    return %c0_i32, %c0_i32_0 : i32, i32
  }
}

</mosaic_0001>

<sc_bundles>
// kernel: kernel.11.cloned.1.call-start
scs
__scs_entry_jumppad:
0x0: {  	(pc) =	sbr.rel $0x88, $3  }
0x1: {  	(tag) =	ssettag $0x0;
	lr =	simm.s32 $0x1  }
0x2: {  	[smem:$0x3F91] =	sst lr;
	_ =	strace $0xD0000000  }
0x3: {  	_ = 	snop  }
0x4: {  	_ = 	snop  }
0x5: {  	_ = 	snop  }
0x6: {  	_ = 	snop  }
0x7: {  	_ = 	snop  }
__scs_overlays_trampoline_lowered:
0x8: {  	[smem:$0x3FA0] =	sst s0  }
0x9: {  	[smem:$0x3FA1] =	sst s1  }
0xa: {  	[smem:$0x3FA2] =	sst s2  }
0xb: {  	[smem:$0x3FA3] =	sst s3  }
0xc: {  	[smem:$0x3FA4] =	sst s4  }
0xd: {  	[smem:$0x3FA5] =	sst s5  }
0xe: {  	[smem:$0x3FA6] =	sst s6  }
0xf: {  	[smem:$0x3FA7] =	sst s7  }
0x10: {  	[smem:$0x3FA8] =	sst s8  }
0x11: {  	[smem:$0x3FA9] =	sst s9;
	s0 =	simm.s32 @!p0 $0x0  }
0x12: {  	s1 =	sld [smem:$0x3F8F];
	s0 =	simm.s32 @p0 $0x1  }
0x13: {  	[smem:$0x3FAA] =	sst s0;
	s0 =	simm.s32 @!p1 $0x0  }
0x14: {  	s2 =	sld [smem:$0x3F8E];
	s0 =	simm.s32 @p1 $0x1  }
0x15: {  	[smem:$0x3FAB] =	sst s0;
	s0 =	simm.s32 @!p2 $0x0  }
0x16: {  	s3 =	sld [smem:$0x3FDB];
	s0 =	simm.s32 @p2 $0x1  }
0x17: {  	s4 =	simm.s32 $0x1BF5;
	[smem:$0x3FAD] =	sst s0  }
0x18: {  	s0 =	sld [smem:$0x3F90];
	_ =	swait.ge [sflag:s4], $0x0  }
0x19: {  	s7 =	sld [smem:$0x3F91]  }
0x1a: {  	s8 =	sadd.s32 $0xFFFFE003, lr  }
0x1b: {  	s9 =	sadd.s32 $0xFFFFFEF7, lr;
	s5 =	simm.s32 $0xFFFFFFFF;
	p2 =	slt.u32 s8, $0xFFFFF086  }
0x1c: {  	p1 =	slt.u32 s9, $0xF7A;
	s5 =	simm.s32 @!p2 $0x0  }
0x1d: {  	s5 =	simm.s32 @p1 $0x1;
	p0 =	seq.s32 s7, s2  }
0x1e: {  	s7 =	smul.u32 @!p0 $0xF7A, s2;
	p2 =	seq.s32 @!p0 s5, $0x0  }
0x1f: {  	s9 =	smul.u32 $0xF7A, s1;
	s8 =	simm.s32 @!p0 $0x1BF5;
	p2 =	por !p2, p0  }
0x20: {  	[sflag:s8] =	ssyncset.s32 @!p0 $0xFFFFF086;
	s6 =	sadd.s32 @!p0 s3, s7;
	s7 =	simm.s32 @!p0 $0x108  }
0x21: {  	s3 =	sadd.s32 s3, s9;
	s6 =	sadd.s32 @!p0 $0x88, s6;
	s7 =	simm.s32 @p2 $0x1082  }
0x22: {  	[simem:s7], [sflag:s8] =	dma.local @!p0 [hbm:s6], $0xF7A  }
0x23: {  	s9 =	sor.u32 $0xD0000000, s2;
	s6 =	simm.s32 $0x108;
	_ =	swait.ge @!p0 [sflag:s8], $0x0  }
0x24: {  	s3 =	sadd.s32 $0x88, s3;
	s6 =	simm.s32 @!p1 $0x1082;
	[sflag:s4] =	ssyncset.s32 $0xFFFFF086  }
0x25: {  	[simem:s6], [sflag:s4] =	dma.local [hbm:s3], $0xF7A  }
0x26: {  	[smem:$0x3F91] =	sst s1;
	(tag) =	ssettag s2;
	_ =	strace s9  }
0x27: {  	s1 =	sld [smem:$0x3FA1]  }
0x28: {  	s2 =	sld [smem:$0x3FA2]  }
0x29: {  	s4 =	sld [smem:$0x3FA4]  }
0x2a: {  	p0 =	seq.s32 s5, $0x0;
	s5 =	sld [smem:$0x3FA5]  }
0x2b: {  	s6 =	sld [smem:$0x3FA6]  }
0x2c: {  	s7 =	sld [smem:$0x3FA7]  }
0x2d: {  	s3 =	simm.s32 $0x108;
	s8 =	sld [smem:$0x3FA8]  }
0x2e: {  	s3 =	simm.s32 @!p0 $0x1082;
	s9 =	sld [smem:$0x3FA9]  }
0x2f: {  	lr =	sadd.s32 s0, s3;
	s0 =	sld [smem:$0x3FA0]  }
0x30: {  	s3 =	sld [smem:$0x3FA3]  }
0x31: {  	[smem:$0x3FAC] =	sst s10  }
0x32: {  	s10 =	sld [smem:$0x3FAA];
	_ =	sdelay $0x3  }
0x33: {  	p0 =	seq.s32 s10, $0x1;
	s10 =	sld [smem:$0x3FAC];
	_ =	sdelay $0x3  }
0x34: {  	[smem:$0x3FAC] =	sst s10  }
0x35: {  	s10 =	sld [smem:$0x3FAB];
	_ =	sdelay $0x3  }
0x36: {  	p1 =	seq.s32 s10, $0x1;
	s10 =	sld [smem:$0x3FAC];
	_ =	sdelay $0x3  }
0x37: {  	[smem:$0x3FAC] =	sst s10  }
0x38: {  	s10 =	sld [smem:$0x3FAD]  }
0x39: {  	_ = 	snop;
	(pc) =	sbr.ind lr, $3  }
0x3a: {  	_ = 	snop  }
0x3b: {  	_ = 	snop  }
0x3c: {  	p2 =	seq.s32 s10, $0x1;
	s10 =	sld [smem:$0x3FAC]  }
0x3d: {  	_ =	shalt  }
0x3e: {  	_ =	shalt  }
0x3f: {  	_ =	shalt  }
0x40: {  	_ =	shalt  }
0x41: {  	_ =	shalt  }
0x42: {  	_ =	shalt  }
0x43: {  	_ =	shalt  }
0x44: {  	_ =	shalt  }
0x45: {  	_ =	shalt  }
0x46: {  	_ =	shalt  }
0x47: {  	_ =	shalt  }
0x48: {  	_ =	shalt  }
0x49: {  	_ =	shalt  }
0x4a: {  	_ =	shalt  }
0x4b: {  	_ =	shalt  }
0x4c: {  	_ =	shalt  }
0x4d: {  	_ =	shalt  }
0x4e: {  	_ =	shalt  }
0x4f: {  	_ =	shalt  }
0x50: {  	_ =	shalt  }
0x51: {  	_ =	shalt  }
0x52: {  	_ =	shalt  }
0x53: {  	_ =	shalt  }
0x54: {  	_ =	shalt  }
0x55: {  	_ =	shalt  }
0x56: {  	_ =	shalt  }
0x57: {  	_ =	shalt  }
0x58: {  	_ =	shalt  }
0x59: {  	_ =	shalt  }
0x5a: {  	_ =	shalt  }
0x5b: {  	_ =	shalt  }
0x5c: {  	_ =	shalt  }
0x5d: {  	_ =	shalt  }
0x5e: {  	_ =	shalt  }
0x5f: {  	_ =	shalt  }
0x60: {  	_ =	shalt  }
0x61: {  	_ =	shalt  }
0x62: {  	_ =	shalt  }
0x63: {  	_ =	shalt  }
0x64: {  	_ =	shalt  }
0x65: {  	_ =	shalt  }
0x66: {  	_ =	shalt  }
0x67: {  	_ =	shalt  }
0x68: {  	_ =	shalt  }
0x69: {  	_ =	shalt  }
0x6a: {  	_ =	shalt  }
0x6b: {  	_ =	shalt  }
0x6c: {  	_ =	shalt  }
0x6d: {  	_ =	shalt  }
0x6e: {  	_ =	shalt  }
0x6f: {  	_ =	shalt  }
0x70: {  	_ =	shalt  }
0x71: {  	_ =	shalt  }
0x72: {  	_ =	shalt  }
0x73: {  	_ =	shalt  }
0x74: {  	_ =	shalt  }
0x75: {  	_ =	shalt  }
0x76: {  	_ =	shalt  }
0x77: {  	_ =	shalt  }
0x78: {  	_ =	shalt  }
0x79: {  	_ =	shalt  }
0x7a: {  	_ =	shalt  }
0x7b: {  	_ =	shalt  }
0x7c: {  	_ =	shalt  }
0x7d: {  	_ =	shalt  }
0x7e: {  	_ =	shalt  }
0x7f: {  	_ =	shalt  }
0x80: {  	_ =	shalt  }
0x81: {  	_ =	shalt  }
0x82: {  	_ =	shalt  }
0x83: {  	_ =	shalt  }
0x84: {  	_ =	shalt  }
0x85: {  	_ =	shalt  }
0x86: {  	_ =	shalt  }
0x87: {  	_ =	shalt  }
.Lfunc_end0:
.L_simem_size_0:
called_computation.1_lowered:
.L_overlay_start_0:
0x88: {  	s2 =	sld [smem:$0x3FD9]  }
0x89: {  	s3 =	sld [smem:$0x3FFE];
	_ =	sdelay $0x1  }
0x8a: {  	s1 =	srdreg.scid  }
0x8b: {  	s0 =	sand.u32 $0x1, s1  }
0x8c: {  	s16 =	sshll.u32 s0, $0xA;
	s2 =	sadd.s32 s3, s2  }
0x8d: {  	s2 =	sadd.s32 s2, s16  }
0x8e: {  	[smem:$0x3FB8] =	sst s2  }
0x8f: {  	_ = 	snop  }
0x90: {  	(tm) =	ssettm $0x1  }
0x91: {  	s17 =	sld [smem:$0x3FFB];
	_ =	sdelay $0x3  }
0x92: {  	_ =	strace s17  }
0x93: {  	s2 =	sld [smem:$0x3FFC];
	_ =	sdelay $0x3  }
0x94: {  	_ =	strace s2  }
0x95: {  	s2 =	sld [smem:$0x3FFD];
	_ =	sdelay $0x3  }
0x96: {  	_ =	strace s2  }
0x97: {  	_ =	strace $0x8FFFFFFF  }
0x98: {  	s18 =	sld [smem:$0x3FDB];
	_ =	sdelay $0x1  }
0x99: {  	s19 =	simm.s32 $_scs_section_size  }
0x9a: {  	s4 =	simm.s32 $_size__tile_overlayer_lowered;
	s5 =	simm.s32 $_tile_overlayer_lowered  }
0x9b: {  	s22 =	simm.s32 $0x1BFF;
	s21 =	sshll.u32 s5, $0x1;
	s2 =	sadd.s32 s19, s18  }
0x9c: {  	s6 =	simm.s32 $0x0;
	s20 =	sshll.u32 s4, $0x1;
	s4 =	sadd.s32 s21, s2  }
0x9d: {  	[timem:s6], [sflag:s22] =	dma.local [hbm:s4], s20  }
0x9e: {  	_ =	swait.ge [sflag:s22], s20  }
0x9f: {  	s3 =	ssub.s32 $0x0, s20;
	[sflag:s22] =	ssyncset.done $0x0  }
0xa0: {  	[sflag:s22] =	ssyncadd.s32 s3;
	_ =	sdelay $0x1  }
0xa1: {  	s23 =	simm.s32 $0x1B8B  }
0xa2: {  	_ =	swait.ge [sflag:s23], $0x1  }
0xa3: {  	[sflag:s23] =	ssyncset.done $0x0  }
0xa4: {  	s25 =	simm.s32 $0x1B8E;
	s24 =	sld [smem:$0x3FFE];
	[sflag:s23] =	ssyncadd.s32 $0xFFFFFFFF  }
0xa5: {  	s26 =	simm.s32 $execute0_lowered;
	[smem:$0x3FD2] =	sst s25  }
0xa6: {  	s4 =	sshll.u32 s26, $0x1;
	_ =	strace $0x80000049;
	[dreg:$0x1] =	wrdreg $0xFFFFFFFF  }
0xa7: {  	s28 =	simm.s32 $_size_execute0_lowered;
	s2 =	sadd.s32 s2, s4;
	[dreg:$0x0] =	wrdreg $0x0  }
0xa8: {  	s4 =	sshll.u32 s28, $0x1;
	[dreg:$0x2] =	wrdreg s2  }
0xa9: {  	[dreg:$0x3] =	wrdreg s4  }
0xaa: {  	[dreg:$0x4] =	wrdreg $0xC0  }
0xab: {  	_ =	task [dreg:s6], $0x5FFFF  }
0xac: {  	[dreg:$0x1] =	wrdreg $0xFFFFFFFF  }
0xad: {  	[dreg:$0x0] =	wrdreg $0x60  }
0xae: {  	[dreg:$0x2] =	wrdreg s24  }
0xaf: {  	[dreg:$0x3] =	wrdreg $0x0  }
0xb0: {  	[dreg:$0x4] =	wrdreg $0x9  }
0xb1: {  	_ =	task.clear_ibuf [dreg:s6], $0x5FFFF;
	_ =	strace $0x90000049  }
0xb2: {  	s29 =	simm.s32 $0x9;
	_ =	strace $0x8000004B  }
0xb3: {  	_ =	swait.ge [sflag:s29], $0x1  }
0xb4: {  	[sflag:s29] =	ssyncadd.s32 $0xFFFFFFFF  }
0xb5: {  	_ =	strace $0x9000004B  }
0xb6: {  	_ =	sfence  }
0xb7: {  	s30 =	sld [smem:$0x0];
	_ =	sdelay $0x2  }
0xb8: {  	s31 =	sshll.u32 s1, $0xD;
	s1 =	sshrl.u32 s1, $0x2  }
0xb9: {  	s3 =	sand.u32 $0x4000, s31;
	s1 =	sadd.s32 s1, s30  }
0xba: {  	s0 =	sor.u32 s3, s0;
	s1 =	sshll.u32 s1, $0x11  }
0xbb: {  	s0 =	sor.u32 s1, s0  }
0xbc: {  	s0 =	sadd.s32 $0x8F2B, s0  }
0xbd: {  	[sflag:s0] =	ssyncadd.remote.s32 $0x1  }
0xbe: {  	_ =	sfence.sel $0xFFFF  }
0xbf: {  	[dreg:$0x0] =	wrdreg $0xFFFFFFFF;
	(pc) =	sbr.abs _section_cstart, $3  }
0xc0: {  	[dreg:$0x1] =	wrdreg $0xFFFFFFFF  }
0xc1: {  	_ =	task.clear_ibuf [dreg:s6], $0x2FFFF;
	_ =	strace $0x9FFFFFFF  }
0xc2: {  	(tm) =	ssettm $0x7FFFFFFF  }
0xc3: {  	_ =	shalt  }
tec
execute0_lowered:
.L_overlay_start_1:
0x0: {  	(tag) =	ssettag $0x1  }
0x1: {  	s0 =	srdreg.scid;
	s1 =	rddreg [dreg:$0x0]  }
0x2: {  	s10 =	stileid.u32;
	s2 =	rddreg [dreg:$0x1]  }
0x3: {  	s4 =	simm.s32 $0x0;
	s14 =	simm.s32 $0x4E40;
	s15 =	simm.s32 $0x9  }
0x4: {  	s17 =	simm.s32 $0x60;
	s18 =	simm.s32 $0x9D00;
	s20 =	simm.s32 $0xA900  }
0x5: {  	s29 =	simm.s32 $0xD900;
	s16 =	simm.s32 $0x1;
	s19 =	simm.s32 $0x2  }
0x6: {  	s21 =	simm.s32 $0x4;
	s22 =	simm.s32 $0x6;
	s0 =	sand.u32 $0x1, s0  }
0x7: {  	s3 =	sshll.u32 s10, $0x1;
	[smem:$0x7FF] =	sst s4;
	s5 =	smul.u32 $0x9C00, s10  }
0x8: {  	s4 =	sadd.s32 $0x2800, s1;
	s9 =	sadd.s32 $0x33E00, s1;
	s28 =	sadd.s32 $0x49200, s2  }
0x9: {  	p0 =	seq.s32 s10, $0xF;
	s3 =	sor.u32 s0, s3;
	_ =	strace $0x8000004A  }
0xa: {  	s6 =	ssub.s32 $0x2, s0;
	s0 =	smul.u32 $0x9C400, s0;
	[dreg:$0x7] =	wrdreg s28  }
0xb: {  	s3 =	smul.u32 $0x4EC, s3;
	s7 =	sshrl.u32 s5, $0x4;
	s8 =	sshrl.u32 s6, $0x1  }
0xc: {  	s24 =	sshrl.u32 s5, $0x1;
	s7 =	sadd.s32 s7, s1;
	s6 =	ssub.s32 s6, s8  }
0xd: {  	s25 =	sadd.s32 s24, s2;
	s30 =	sadd.s32 s5, s0;
	s0 =	sshrl.u32 s0, $0x4  }
0xe: {  	s24 =	simm.s32 $0xC100;
	s3 =	sadd.s32 s3, s1;
	[dreg:$0x5] =	wrdreg s25  }
0xf: {  	s26 =	sadd.s32 $0x2A000, s7;
	s1 =	sadd.s32 $0x33240, s1;
	s31 =	sshrl.u32 s30, $0x4  }
.Ltmp0:
0x10: {  	s0 =	sadd.s32 s9, s0;
	[dreg:$0x6] =	wrdreg s26;
	(pc) =	sbr.rel .LBB2_1-.Ltmp0, $4  }
0x11: {  	s13 =	smax.u32 s6, $0x1;
	s23 =	sadd.s32 $0x20200, s3;
	[dreg:$0x8] =	wrdreg s1  }
0x12: {  	s3 =	sadd.s32 $0x16400, s3;
	s1 =	sadd.s32 s9, s31;
	[dreg:$0x3] =	wrdreg s23  }
0x13: {  	s12 =	sadd.s32 $0x9240, s0;
	s0 =	simm.s32 $0xF100;
	[dreg:$0x4] =	wrdreg s3  }
0x14: {  	s26 =	simm.s32 $0x0;
	[dreg:$0x9] =	wrdreg s1;
	s23 =	simm.s32 $0x8  }
.LBB2_4:
0x15: {  	_ =	swait.ge [sflag:s16], $0xC00  }
0x16: {  	[sflag:s16] =	ssyncset.done $0x0  }
0x17: {  	s1 =	simm.s32 $0x9CA0;
	[sflag:s16] =	ssyncadd.s32 $0xFFFFF400  }
0x18: {  	[spmem:s2] =	stream.indirect.scatter.add.bf16 [tilespmem:s18], [sflag:$0x9], $0x20, s1, s17, $0xb8;
	[tilespmem:$0xFD00] =	vst v63  }
0x19: {  	_ =	swait.ge [sflag:s15], $0xC00  }
0x1a: {  	[sflag:s15] =	ssyncset.done $0x0  }
0x1b: {  	[sflag:s15] =	ssyncadd.s32 $0xFFFFF400  }
0x1c: {  	s1 =	simm.s32 @p0 $0x1FC9;
	[bflag:$0x0] =	sbarrier.arrive $0xFFFF  }
0x1d: {  	[hbm:s12], [sflag:s1] =	dma.local @p0 [spmem:s28], $0xA00  }
0x1e: {  	s1 =	simm.s32 @p0 $0x9  }
0x1f: {  	_ =	swait.ge @p0 [sflag:s1], $0xA00  }
0x20: {  	s26 =	sadd.s32 $0x1, s26;
	[sflag:s1] =	ssyncset.done @p0 $0x0  }
0x21: {  	p1 =	sne.s32 s26, s13;
	[sflag:s1] =	ssyncadd.s32 @p0 $0xFFFFF600;
	s1 =	rddreg [dreg:$0x9]  }
0x22: {  	[hbm:s1], [sflag:s30] =	dma.local @!p0 [spmem:s31], $0x9C0  }
.Ltmp1:
0x23: {  	_ = 	snop;
	(pc) =	sbr.rel @!p1 .LBB2_5-.Ltmp1, $4  }
0x24: {  	s1 =	simm.s32 @!p0 $0x9  }
0x25: {  	_ =	swait.ge @!p0 [sflag:s1], $0x9C0  }
0x26: {  	[sflag:s1] =	ssyncset.done @!p0 $0x0  }
0x27: {  	[sflag:s1] =	ssyncadd.s32 @!p0 $0xFFFFF640  }
.LBB2_1:
0x28: {  	s1 =	simm.s32 $0x0;
	s3 =	rddreg [dreg:$0x3]  }
0x29: {  	[tilespmem:s14], [sflag:$0x9] =	stream.linear.gather [hbm4b:s3+s1], $0x2760, $0x38;
	[tilespmem:$0xFD00] =	vst v63  }
0x2a: {  	_ =	swait.ge [sflag:s15], $0x2760  }
0x2b: {  	[sflag:s15] =	ssyncset.done $0x0  }
0x2c: {  	s5 =	simm.s32 $0x75A0;
	s11 =	rddreg [dreg:$0x4];
	[sflag:s15] =	ssyncadd.s32 $0xFFFFD8A0  }
0x2d: {  	[tilespmem:s5], [sflag:$0x9] =	stream.linear.gather [hbm4b:s11+s1], $0x2760, $0x38;
	[tilespmem:$0xFD00] =	vst v63  }
0x2e: {  	_ =	swait.ge [sflag:s15], $0x2760  }
0x2f: {  	[sflag:s15] =	ssyncset.done $0x0  }
0x30: {  	[sflag:s15] =	ssyncadd.s32 $0xFFFFD8A0  }
0x31: {  	[tilespmem:s18], [sflag:$0x1] =	stream.indirect.gather [hbm4b:s4+s17], $0x20, s14, s17, $0xb8;
	[tilespmem:$0xFD00] =	vst v63  }
0x32: {  	s25 =	simm.s32 $0x4EA0  }
0x33: {  	[tilespmem:s20], [sflag:$0x2] =	stream.indirect.gather [hbm4b:s4+s17], $0x20, s25, s17, $0xb8;
	[tilespmem:$0xFD00] =	vst v63  }
0x34: {  	s3 =	simm.s32 $0x4F00;
	s5 =	simm.s32 $0xB500  }
0x35: {  	[tilespmem:s5], [sflag:$0x3] =	stream.indirect.gather [hbm4b:s4+s17], $0x20, s3, s17, $0xb8;
	[tilespmem:$0xFD00] =	vst v63  }
0x36: {  	s6 =	simm.s32 $0x4F60  }
0x37: {  	[tilespmem:s24], [sflag:$0x4] =	stream.indirect.gather [hbm4b:s4+s17], $0x20, s6, s17, $0xb8;
	[tilespmem:$0xFD00] =	vst v63  }
0x38: {  	s7 =	simm.s32 $0x4FC0;
	s8 =	simm.s32 $0xCD00  }
0x39: {  	[tilespmem:s8], [sflag:$0x5] =	stream.indirect.gather [hbm4b:s4+s17], $0x20, s7, s17, $0xb8;
	[tilespmem:$0xFD00] =	vst v63  }
0x3a: {  	s9 =	simm.s32 $0x5020;
	s1 =	rddreg [dreg:$0x7]  }
0x3b: {  	[tilespmem:s29], [sflag:$0x6] =	stream.indirect.gather [hbm4b:s4+s17], $0x20, s9, s17, $0xb8;
	[tilespmem:$0xFD00] =	vst v63  }
0x3c: {  	s10 =	simm.s32 $0x5080;
	s11 =	simm.s32 $0xE500;
	s28 =	sshrl.u32 @p0 s1, $0x3  }
0x3d: {  	[tilespmem:s11], [sflag:$0x7] =	stream.indirect.gather [hbm4b:s4+s17], $0x20, s10, s17, $0xb8;
	[tilespmem:$0xFD00] =	vst v63  }
0x3e: {  	s1 =	simm.s32 @p0 $0x1FC9;
	s25 =	simm.s32 $0x50E0;
	s3 =	rddreg [dreg:$0x8]  }
0x3f: {  	[tilespmem:s0], [sflag:$0x8] =	stream.indirect.gather [hbm4b:s4+s17], $0x20, s25, s17, $0xb8;
	[tilespmem:$0xFD00] =	vst v63  }
0x40: {  	[spmem:s28], [sflag:s1] =	dma.local @p0 [hbm:s3], $0xA00  }
0x41: {  	s1 =	simm.s32 @p0 $0x9  }
0x42: {  	_ =	swait.ge @p0 [sflag:s1], $0xA00  }
0x43: {  	s3 =	stileid.u32;
	[sflag:s1] =	ssyncset.done @p0 $0x0  }
0x44: {  	s3 =	sshll.u32 @!p0 s3, $0x6;
	[sflag:s1] =	ssyncadd.s32 @p0 $0xFFFFF600;
	s1 =	rddreg [dreg:$0x5]  }
0x45: {  	s30 =	sor.u32 @!p0 $0x1C09, s3;
	s31 =	sshrl.u32 @!p0 s1, $0x3;
	s1 =	rddreg [dreg:$0x6]  }
0x46: {  	[spmem:s31], [sflag:s30] =	dma.local @!p0 [hbm:s1], $0x9C0  }
0x47: {  	s1 =	simm.s32 @!p0 $0x9  }
0x48: {  	_ =	swait.ge @!p0 [sflag:s1], $0x9C0  }
0x49: {  	[sflag:s1] =	ssyncset.done @!p0 $0x0  }
0x4a: {  	[sflag:s1] =	ssyncadd.s32 @!p0 $0xFFFFF640  }
0x4b: {  	s1 =	simm.s32 $0x0;
	[bflag:$0x0] =	sbarrier.arrive $0xFFFF  }
.LBB2_2:
0x4c: {  	_ =	swait.ge [sflag:s16], $0xC00  }
0x4d: {  	s25 =	sshra.s32 s1, $0x2;
	[sflag:s16] =	ssyncset.done $0x0  }
0x4e: {  	s3 =	sadd.s32 $0x75A0, s25;
	[sflag:s16] =	ssyncadd.s32 $0xFFFFF400  }
0x4f: {  	[spmem:s2] =	stream.indirect.scatter.add.bf16 [tilespmem:s18], [sflag:$0x9], $0x20, s3, s17, $0xb8;
	[tilespmem:$0xFD00] =	vst v63  }
0x50: {  	_ =	swait.ge [sflag:s15], $0xC00  }
0x51: {  	[sflag:s15] =	ssyncset.done $0x0  }
0x52: {  	s9 =	sadd.s32 $0x5140, s25;
	[sflag:s15] =	ssyncadd.s32 $0xFFFFF400  }
0x53: {  	[tilespmem:s18], [sflag:$0x1] =	stream.indirect.gather [hbm4b:s4+s17], $0x20, s9, s17, $0xb8;
	[tilespmem:$0xFD00] =	vst v63  }
0x54: {  	_ =	swait.ge [sflag:s19], $0xC00  }
0x55: {  	[sflag:s19] =	ssyncset.done $0x0  }
0x56: {  	s10 =	sadd.s32 $0x7600, s25;
	[sflag:s19] =	ssyncadd.s32 $0xFFFFF400  }
0x57: {  	[spmem:s2] =	stream.indirect.scatter.add.bf16 [tilespmem:s20], [sflag:$0x9], $0x20, s10, s17, $0xb8;
	[tilespmem:$0xFD00] =	vst v63  }
0x58: {  	_ =	swait.ge [sflag:s15], $0xC00  }
0x59: {  	p1 =	seq.s32 s1, $0x9000;
	[sflag:s15] =	ssyncset.done $0x0  }
0x5a: {  	s3 =	simm.s32 @p1 $0x3;
	[sflag:s15] =	ssyncadd.s32 $0xFFFFF400  }
0x5b: {  	s6 =	sshra.s32 @p1 s1, $0x2;
	_ =	swait.ge @p1 [sflag:s3], $0xC00  }
0x5c: {  	s7 =	simm.s32 @p1 $0x60;
	s5 =	simm.s32 @p1 $0xB500;
	[sflag:s3] =	ssyncset.done @p1 $0x0  }
0x5d: {  	s8 =	simm.s32 @p1 $0x9;
	[sflag:s3] =	ssyncadd.s32 @p1 $0xFFFFF400;
	s3 =	sadd.s32 @p1 $0x7660, s6  }
0x5e: {  	[spmem:s2] =	stream.indirect.scatter.add.bf16 @p1 [tilespmem:s5], [sflag:$0x9], $0x20, s3, s7, $0xb8;
	[tilespmem:$0xFD00] =	vst v63  }
0x5f: {  	_ =	swait.ge @p1 [sflag:s8], $0xC00  }
0x60: {  	s10 =	simm.s32 @!p1 $0xA900;
	s3 =	sshra.s32 @!p1 s1, $0x2;
	[sflag:s8] =	ssyncset.done @p1 $0x0  }
0x61: {  	s5 =	simm.s32 @!p1 $0x60;
	s9 =	sadd.s32 @!p1 $0x51A0, s3;
	[sflag:s8] =	ssyncadd.s32 @p1 $0xFFFFF400  }
0x62: {  	[tilespmem:s10], [sflag:$0x2] =	stream.indirect.gather @!p1 [hbm4b:s4+s5], $0x20, s9, s5, $0xb8;
	[tilespmem:$0xFD00] =	vst v63  }
0x63: {  	s9 =	simm.s32 @!p1 $0x3  }
0x64: {  	_ =	swait.ge @!p1 [sflag:s9], $0xC00  }
0x65: {  	[sflag:s9] =	ssyncset.done @!p1 $0x0  }
0x66: {  	s10 =	simm.s32 @!p1 $0xB500;
	[sflag:s9] =	ssyncadd.s32 @!p1 $0xFFFFF400;
	s9 =	sadd.s32 @!p1 $0x7660, s3  }
0x67: {  	[spmem:s2] =	stream.indirect.scatter.add.bf16 @!p1 [tilespmem:s10], [sflag:$0x9], $0x20, s9, s5, $0xb8;
	[tilespmem:$0xFD00] =	vst v63  }
0x68: {  	s9 =	simm.s32 @!p1 $0x9  }
0x69: {  	_ =	swait.ge @!p1 [sflag:s9], $0xC00  }
0x6a: {  	[sflag:s9] =	ssyncset.done @!p1 $0x0  }
0x6b: {  	s11 =	sadd.s32 @!p1 $0x5200, s3;
	[sflag:s9] =	ssyncadd.s32 @!p1 $0xFFFFF400  }
0x6c: {  	[tilespmem:s10], [sflag:$0x3] =	stream.indirect.gather @!p1 [hbm4b:s4+s5], $0x20, s11, s5, $0xb8;
	[tilespmem:$0xFD00] =	vst v63  }
0x6d: {  	_ =	swait.ge [sflag:s21], $0xC00  }
0x6e: {  	[sflag:s21] =	ssyncset.done $0x0  }
0x6f: {  	s11 =	sadd.s32 $0x76C0, s25;
	[sflag:s21] =	ssyncadd.s32 $0xFFFFF400  }
0x70: {  	[spmem:s2] =	stream.indirect.scatter.add.bf16 [tilespmem:s24], [sflag:$0x9], $0x20, s11, s17, $0xb8;
	[tilespmem:$0xFD00] =	vst v63  }
0x71: {  	_ =	swait.ge [sflag:s15], $0xC00  }
0x72: {  	[sflag:s15] =	ssyncset.done $0x0  }
0x73: {  	s10 =	simm.s32 @p1 $0x5;
	[sflag:s15] =	ssyncadd.s32 $0xFFFFF400  }
0x74: {  	_ =	swait.ge @p1 [sflag:s10], $0xC00  }
0x75: {  	[sflag:s10] =	ssyncset.done @p1 $0x0  }
0x76: {  	s11 =	simm.s32 @p1 $0xCD00;
	[sflag:s10] =	ssyncadd.s32 @p1 $0xFFFFF400;
	s10 =	sadd.s32 @p1 $0x7720, s6  }
0x77: {  	[spmem:s2] =	stream.indirect.scatter.add.bf16 @p1 [tilespmem:s11], [sflag:$0x9], $0x20, s10, s7, $0xb8;
	[tilespmem:$0xFD00] =	vst v63  }
0x78: {  	_ =	swait.ge @p1 [sflag:s8], $0xC00  }
0x79: {  	[sflag:s8] =	ssyncset.done @p1 $0x0  }
0x7a: {  	s10 =	sadd.s32 @!p1 $0x5260, s3;
	s11 =	simm.s32 @!p1 $0xC100;
	[sflag:s8] =	ssyncadd.s32 @p1 $0xFFFFF400  }
0x7b: {  	[tilespmem:s11], [sflag:$0x4] =	stream.indirect.gather @!p1 [hbm4b:s4+s5], $0x20, s10, s5, $0xb8;
	[tilespmem:$0xFD00] =	vst v63  }
0x7c: {  	s10 =	simm.s32 @!p1 $0x5  }
0x7d: {  	_ =	swait.ge @!p1 [sflag:s10], $0xC00  }
0x7e: {  	[sflag:s10] =	ssyncset.done @!p1 $0x0  }
0x7f: {  	s11 =	simm.s32 @!p1 $0xCD00;
	[sflag:s10] =	ssyncadd.s32 @!p1 $0xFFFFF400;
	s10 =	sadd.s32 @!p1 $0x7720, s3  }
0x80: {  	[spmem:s2] =	stream.indirect.scatter.add.bf16 @!p1 [tilespmem:s11], [sflag:$0x9], $0x20, s10, s5, $0xb8;
	[tilespmem:$0xFD00] =	vst v63  }
0x81: {  	_ =	swait.ge @!p1 [sflag:s9], $0xC00  }
0x82: {  	[sflag:s9] =	ssyncset.done @!p1 $0x0  }
0x83: {  	s10 =	sadd.s32 @!p1 $0x52C0, s3;
	[sflag:s9] =	ssyncadd.s32 @!p1 $0xFFFFF400  }
0x84: {  	[tilespmem:s11], [sflag:$0x5] =	stream.indirect.gather @!p1 [hbm4b:s4+s5], $0x20, s10, s5, $0xb8;
	[tilespmem:$0xFD00] =	vst v63  }
0x85: {  	_ =	swait.ge [sflag:s22], $0xC00  }
0x86: {  	[sflag:s22] =	ssyncset.done $0x0  }
0x87: {  	s11 =	sadd.s32 $0x7780, s25;
	[sflag:s22] =	ssyncadd.s32 $0xFFFFF400  }
0x88: {  	[spmem:s2] =	stream.indirect.scatter.add.bf16 [tilespmem:s29], [sflag:$0x9], $0x20, s11, s17, $0xb8;
	[tilespmem:$0xFD00] =	vst v63  }
0x89: {  	_ =	swait.ge [sflag:s15], $0xC00  }
0x8a: {  	[sflag:s15] =	ssyncset.done $0x0  }
0x8b: {  	s10 =	simm.s32 @p1 $0x7;
	[sflag:s15] =	ssyncadd.s32 $0xFFFFF400  }
0x8c: {  	_ =	swait.ge @p1 [sflag:s10], $0xC00  }
0x8d: {  	[sflag:s10] =	ssyncset.done @p1 $0x0  }
0x8e: {  	s6 =	sadd.s32 @p1 $0x77E0, s6;
	[sflag:s10] =	ssyncadd.s32 @p1 $0xFFFFF400;
	s10 =	simm.s32 @p1 $0xE500  }
0x8f: {  	[spmem:s2] =	stream.indirect.scatter.add.bf16 @p1 [tilespmem:s10], [sflag:$0x9], $0x20, s6, s7, $0xb8;
	[tilespmem:$0xFD00] =	vst v63  }
0x90: {  	_ =	swait.ge @p1 [sflag:s8], $0xC00  }
0x91: {  	[sflag:s8] =	ssyncset.done @p1 $0x0  }
0x92: {  	s6 =	sadd.s32 @!p1 $0x5320, s3;
	s7 =	simm.s32 @!p1 $0xD900;
	[sflag:s8] =	ssyncadd.s32 @p1 $0xFFFFF400  }
0x93: {  	[tilespmem:s7], [sflag:$0x6] =	stream.indirect.gather @!p1 [hbm4b:s4+s5], $0x20, s6, s5, $0xb8;
	[tilespmem:$0xFD00] =	vst v63  }
0x94: {  	s6 =	simm.s32 @!p1 $0x7  }
0x95: {  	_ =	swait.ge @!p1 [sflag:s6], $0xC00  }
0x96: {  	[sflag:s6] =	ssyncset.done @!p1 $0x0  }
0x97: {  	s7 =	simm.s32 @!p1 $0xE500;
	[sflag:s6] =	ssyncadd.s32 @!p1 $0xFFFFF400;
	s6 =	sadd.s32 @!p1 $0x77E0, s3  }
0x98: {  	[spmem:s2] =	stream.indirect.scatter.add.bf16 @!p1 [tilespmem:s7], [sflag:$0x9], $0x20, s6, s5, $0xb8;
	[tilespmem:$0xFD00] =	vst v63  }
0x99: {  	_ =	swait.ge @!p1 [sflag:s9], $0xC00  }
0x9a: {  	[sflag:s9] =	ssyncset.done @!p1 $0x0  }
0x9b: {  	s3 =	sadd.s32 @!p1 $0x5380, s3;
	[sflag:s9] =	ssyncadd.s32 @!p1 $0xFFFFF400  }
0x9c: {  	[tilespmem:s7], [sflag:$0x7] =	stream.indirect.gather @!p1 [hbm4b:s4+s5], $0x20, s3, s5, $0xb8;
	[tilespmem:$0xFD00] =	vst v63  }
0x9d: {  	_ =	swait.ge [sflag:s23], $0xC00  }
0x9e: {  	[sflag:s23] =	ssyncset.done $0x0  }
.Ltmp2:
0x9f: {  	s11 =	sadd.s32 $0x7840, s25;
	[sflag:s23] =	ssyncadd.s32 $0xFFFFF400;
	(pc) =	sbr.rel @p1 .LBB2_4-.Ltmp2, $4  }
0xa0: {  	[spmem:s2] =	stream.indirect.scatter.add.bf16 [tilespmem:s0], [sflag:$0x9], $0x20, s11, s17, $0xb8;
	[tilespmem:$0xFD00] =	vst v63  }
0xa1: {  	_ =	swait.ge [sflag:s15], $0xC00  }
0xa2: {  	[sflag:s15] =	ssyncset.done $0x0  }
0xa3: {  	[sflag:s15] =	ssyncadd.s32 $0xFFFFF400  }
.Ltmp3:
0xa4: {  	(pc) =	sbr.rel .LBB2_2-.Ltmp3, $3  }
0xa5: {  	_ =	sdelay $0x1  }
0xa6: {  	s3 =	sadd.s32 $0x53E0, s25;
	s1 =	sadd.s32 $0xC00, s1  }
0xa7: {  	[tilespmem:s0], [sflag:$0x8] =	stream.indirect.gather [hbm4b:s4+s17], $0x20, s3, s17, $0xb8;
	[tilespmem:$0xFD00] =	vst v63  }
.LBB2_5:
0xa8: {  	_ =	sfence.sel $0x180000  }
0xa9: {  	[bflag:$0x0] =	sbarrier.arrive $0xFFFF  }
0xaa: {  	_ =	strace $0x9000004A  }
0xab: {  	s0 =	stileid.u32;
	[bflag:$0x2] =	sbarrier.arrive $0xFFFF  }
0xac: {  	p0 =	sne.s32 s0, $0x0;
	s0 =	rddreg [dreg:$0x2]  }
0xad: {  	s0 =	sadd.s32 @!p0 $0x100000, s0  }
0xae: {  	[sflag:s0] =	ssyncadd.tile.s32 @!p0 $0x1;
	_ =	shalt  }
.Lfunc_end2:
_tile_overlayer_lowered:
.L_overlay_start_2:
0xaf: {  	(tag) =	ssettag $0x2  }
0xb0: {  	s0 =	rddreg [dreg:$0x0];
	s2 =	stileid.u32  }
0xb1: {  	s1 =	rddreg [dreg:$0x1];
	p0 =	sne.s32 s2, $0x0  }
0xb2: {  	s3 =	rddreg [dreg:$0x2];
	[bflag:$0x3] =	sbarrier.arrive $0xFFFF;
	s2 =	simm.s32 @!p0 $0x1C09  }
0xb3: {  	[timem:s3], [sflag:s2] =	dma.local @!p0 [hbm:s0], s1  }
0xb4: {  	s0 =	simm.s32 @!p0 $0x9  }
0xb5: {  	_ =	swait.ge @!p0 [sflag:s0], s1  }
0xb6: {  	s1 =	ssub.s32 @!p0 $0x0, s1;
	[sflag:s0] =	ssyncset.done @!p0 $0x0  }
0xb7: {  	[sflag:s0] =	ssyncadd.s32 @!p0 s1  }
0xb8: {  	[bflag:$0x3] =	sbarrier.arrive $0xFFFF  }
0xb9: {  	_ =	shalt  }

// kernel: kernel.14.cloned.1.call-start
scs
__scs_entry_jumppad:
0x0: {  	(pc) =	sbr.rel $0x88, $3  }
0x1: {  	(tag) =	ssettag $0x0;
	lr =	simm.s32 $0x1  }
0x2: {  	[smem:$0x3F91] =	sst lr;
	_ =	strace $0xD0000000  }
0x3: {  	_ = 	snop  }
0x4: {  	_ = 	snop  }
0x5: {  	_ = 	snop  }
0x6: {  	_ = 	snop  }
0x7: {  	_ = 	snop  }
__scs_overlays_trampoline_lowered:
0x8: {  	[smem:$0x3FA0] =	sst s0  }
0x9: {  	[smem:$0x3FA1] =	sst s1  }
0xa: {  	[smem:$0x3FA2] =	sst s2  }
0xb: {  	[smem:$0x3FA3] =	sst s3  }
0xc: {  	[smem:$0x3FA4] =	sst s4  }
0xd: {  	[smem:$0x3FA5] =	sst s5  }
0xe: {  	[smem:$0x3FA6] =	sst s6  }
0xf: {  	[smem:$0x3FA7] =	sst s7  }
0x10: {  	[smem:$0x3FA8] =	sst s8  }
0x11: {  	[smem:$0x3FA9] =	sst s9;
	s0 =	simm.s32 @!p0 $0x0  }
0x12: {  	s1 =	sld [smem:$0x3F8F];
	s0 =	simm.s32 @p0 $0x1  }
0x13: {  	[smem:$0x3FAA] =	sst s0;
	s0 =	simm.s32 @!p1 $0x0  }
0x14: {  	s2 =	sld [smem:$0x3F8E];
	s0 =	simm.s32 @p1 $0x1  }
0x15: {  	[smem:$0x3FAB] =	sst s0;
	s0 =	simm.s32 @!p2 $0x0  }
0x16: {  	s3 =	sld [smem:$0x3FDB];
	s0 =	simm.s32 @p2 $0x1  }
0x17: {  	s4 =	simm.s32 $0x1BF5;
	[smem:$0x3FAD] =	sst s0  }
0x18: {  	s0 =	sld [smem:$0x3F90];
	_ =	swait.ge [sflag:s4], $0x0  }
0x19: {  	s7 =	sld [smem:$0x3F91]  }
0x1a: {  	s8 =	sadd.s32 $0xFFFFE003, lr  }
0x1b: {  	s9 =	sadd.s32 $0xFFFFFEF7, lr;
	s5 =	simm.s32 $0xFFFFFFFF;
	p2 =	slt.u32 s8, $0xFFFFF086  }
0x1c: {  	p1 =	slt.u32 s9, $0xF7A;
	s5 =	simm.s32 @!p2 $0x0  }
0x1d: {  	s5 =	simm.s32 @p1 $0x1;
	p0 =	seq.s32 s7, s2  }
0x1e: {  	s7 =	smul.u32 @!p0 $0xF7A, s2;
	p2 =	seq.s32 @!p0 s5, $0x0  }
0x1f: {  	s9 =	smul.u32 $0xF7A, s1;
	s8 =	simm.s32 @!p0 $0x1BF5;
	p2 =	por !p2, p0  }
0x20: {  	[sflag:s8] =	ssyncset.s32 @!p0 $0xFFFFF086;
	s6 =	sadd.s32 @!p0 s3, s7;
	s7 =	simm.s32 @!p0 $0x108  }
0x21: {  	s3 =	sadd.s32 s3, s9;
	s6 =	sadd.s32 @!p0 $0x88, s6;
	s7 =	simm.s32 @p2 $0x1082  }
0x22: {  	[simem:s7], [sflag:s8] =	dma.local @!p0 [hbm:s6], $0xF7A  }
0x23: {  	s9 =	sor.u32 $0xD0000000, s2;
	s6 =	simm.s32 $0x108;
	_ =	swait.ge @!p0 [sflag:s8], $0x0  }
0x24: {  	s3 =	sadd.s32 $0x88, s3;
	s6 =	simm.s32 @!p1 $0x1082;
	[sflag:s4] =	ssyncset.s32 $0xFFFFF086  }
0x25: {  	[simem:s6], [sflag:s4] =	dma.local [hbm:s3], $0xF7A  }
0x26: {  	[smem:$0x3F91] =	sst s1;
	(tag) =	ssettag s2;
	_ =	strace s9  }
0x27: {  	s1 =	sld [smem:$0x3FA1]  }
0x28: {  	s2 =	sld [smem:$0x3FA2]  }
0x29: {  	s4 =	sld [smem:$0x3FA4]  }
0x2a: {  	p0 =	seq.s32 s5, $0x0;
	s5 =	sld [smem:$0x3FA5]  }
0x2b: {  	s6 =	sld [smem:$0x3FA6]  }
0x2c: {  	s7 =	sld [smem:$0x3FA7]  }
0x2d: {  	s3 =	simm.s32 $0x108;
	s8 =	sld [smem:$0x3FA8]  }
0x2e: {  	s3 =	simm.s32 @!p0 $0x1082;
	s9 =	sld [smem:$0x3FA9]  }
0x2f: {  	lr =	sadd.s32 s0, s3;
	s0 =	sld [smem:$0x3FA0]  }
0x30: {  	s3 =	sld [smem:$0x3FA3]  }
0x31: {  	[smem:$0x3FAC] =	sst s10  }
0x32: {  	s10 =	sld [smem:$0x3FAA];
	_ =	sdelay $0x3  }
0x33: {  	p0 =	seq.s32 s10, $0x1;
	s10 =	sld [smem:$0x3FAC];
	_ =	sdelay $0x3  }
0x34: {  	[smem:$0x3FAC] =	sst s10  }
0x35: {  	s10 =	sld [smem:$0x3FAB];
	_ =	sdelay $0x3  }
0x36: {  	p1 =	seq.s32 s10, $0x1;
	s10 =	sld [smem:$0x3FAC];
	_ =	sdelay $0x3  }
0x37: {  	[smem:$0x3FAC] =	sst s10  }
0x38: {  	s10 =	sld [smem:$0x3FAD]  }
0x39: {  	_ = 	snop;
	(pc) =	sbr.ind lr, $3  }
0x3a: {  	_ = 	snop  }
0x3b: {  	_ = 	snop  }
0x3c: {  	p2 =	seq.s32 s10, $0x1;
	s10 =	sld [smem:$0x3FAC]  }
0x3d: {  	_ =	shalt  }
0x3e: {  	_ =	shalt  }
0x3f: {  	_ =	shalt  }
0x40: {  	_ =	shalt  }
0x41: {  	_ =	shalt  }
0x42: {  	_ =	shalt  }
0x43: {  	_ =	shalt  }
0x44: {  	_ =	shalt  }
0x45: {  	_ =	shalt  }
0x46: {  	_ =	shalt  }
0x47: {  	_ =	shalt  }
0x48: {  	_ =	shalt  }
0x49: {  	_ =	shalt  }
0x4a: {  	_ =	shalt  }
0x4b: {  	_ =	shalt  }
0x4c: {  	_ =	shalt  }
0x4d: {  	_ =	shalt  }
0x4e: {  	_ =	shalt  }
0x4f: {  	_ =	shalt  }
0x50: {  	_ =	shalt  }
0x51: {  	_ =	shalt  }
0x52: {  	_ =	shalt  }
0x53: {  	_ =	shalt  }
0x54: {  	_ =	shalt  }
0x55: {  	_ =	shalt  }
0x56: {  	_ =	shalt  }
0x57: {  	_ =	shalt  }
0x58: {  	_ =	shalt  }
0x59: {  	_ =	shalt  }
0x5a: {  	_ =	shalt  }
0x5b: {  	_ =	shalt  }
0x5c: {  	_ =	shalt  }
0x5d: {  	_ =	shalt  }
0x5e: {  	_ =	shalt  }
0x5f: {  	_ =	shalt  }
0x60: {  	_ =	shalt  }
0x61: {  	_ =	shalt  }
0x62: {  	_ =	shalt  }
0x63: {  	_ =	shalt  }
0x64: {  	_ =	shalt  }
0x65: {  	_ =	shalt  }
0x66: {  	_ =	shalt  }
0x67: {  	_ =	shalt  }
0x68: {  	_ =	shalt  }
0x69: {  	_ =	shalt  }
0x6a: {  	_ =	shalt  }
0x6b: {  	_ =	shalt  }
0x6c: {  	_ =	shalt  }
0x6d: {  	_ =	shalt  }
0x6e: {  	_ =	shalt  }
0x6f: {  	_ =	shalt  }
0x70: {  	_ =	shalt  }
0x71: {  	_ =	shalt  }
0x72: {  	_ =	shalt  }
0x73: {  	_ =	shalt  }
0x74: {  	_ =	shalt  }
0x75: {  	_ =	shalt  }
0x76: {  	_ =	shalt  }
0x77: {  	_ =	shalt  }
0x78: {  	_ =	shalt  }
0x79: {  	_ =	shalt  }
0x7a: {  	_ =	shalt  }
0x7b: {  	_ =	shalt  }
0x7c: {  	_ =	shalt  }
0x7d: {  	_ =	shalt  }
0x7e: {  	_ =	shalt  }
0x7f: {  	_ =	shalt  }
0x80: {  	_ =	shalt  }
0x81: {  	_ =	shalt  }
0x82: {  	_ =	shalt  }
0x83: {  	_ =	shalt  }
0x84: {  	_ =	shalt  }
0x85: {  	_ =	shalt  }
0x86: {  	_ =	shalt  }
0x87: {  	_ =	shalt  }
.Lfunc_end0:
.L_simem_size_0:
called_computation.2_lowered:
.L_overlay_start_0:
0x88: {  	s2 =	sld [smem:$0x3FD9]  }
0x89: {  	s3 =	sld [smem:$0x3FFE];
	_ =	sdelay $0x1  }
0x8a: {  	s1 =	srdreg.scid  }
0x8b: {  	s0 =	sand.u32 $0x1, s1  }
0x8c: {  	s16 =	sshll.u32 s0, $0xA;
	s2 =	sadd.s32 s3, s2  }
0x8d: {  	s2 =	sadd.s32 s2, s16  }
0x8e: {  	[smem:$0x3FB8] =	sst s2  }
0x8f: {  	_ = 	snop  }
0x90: {  	(tm) =	ssettm $0x1  }
0x91: {  	s17 =	sld [smem:$0x3FFB];
	_ =	sdelay $0x3  }
0x92: {  	_ =	strace s17  }
0x93: {  	s2 =	sld [smem:$0x3FFC];
	_ =	sdelay $0x3  }
0x94: {  	_ =	strace s2  }
0x95: {  	s2 =	sld [smem:$0x3FFD];
	_ =	sdelay $0x3  }
0x96: {  	_ =	strace s2  }
0x97: {  	_ =	strace $0x8FFFFFFF  }
0x98: {  	s18 =	sld [smem:$0x3FDB];
	_ =	sdelay $0x1  }
0x99: {  	s19 =	simm.s32 $_scs_section_size  }
0x9a: {  	s4 =	simm.s32 $_size__tile_overlayer_lowered;
	s5 =	simm.s32 $_tile_overlayer_lowered  }
0x9b: {  	s22 =	simm.s32 $0x1BFF;
	s21 =	sshll.u32 s5, $0x1;
	s2 =	sadd.s32 s19, s18  }
0x9c: {  	s6 =	simm.s32 $0x0;
	s20 =	sshll.u32 s4, $0x1;
	s4 =	sadd.s32 s21, s2  }
0x9d: {  	[timem:s6], [sflag:s22] =	dma.local [hbm:s4], s20  }
0x9e: {  	_ =	swait.ge [sflag:s22], s20  }
0x9f: {  	s3 =	ssub.s32 $0x0, s20;
	[sflag:s22] =	ssyncset.done $0x0  }
0xa0: {  	[sflag:s22] =	ssyncadd.s32 s3;
	_ =	sdelay $0x1  }
0xa1: {  	s23 =	simm.s32 $0x1B8B  }
0xa2: {  	_ =	swait.ge [sflag:s23], $0x1  }
0xa3: {  	[sflag:s23] =	ssyncset.done $0x0  }
0xa4: {  	s25 =	simm.s32 $0x1B8E;
	s24 =	sld [smem:$0x3FFE];
	[sflag:s23] =	ssyncadd.s32 $0xFFFFFFFF  }
0xa5: {  	s26 =	simm.s32 $execute0_lowered;
	[smem:$0x3FD2] =	sst s25  }
0xa6: {  	s4 =	sshll.u32 s26, $0x1;
	_ =	strace $0x8000004C;
	[dreg:$0x1] =	wrdreg $0xFFFFFFFF  }
0xa7: {  	s28 =	simm.s32 $_size_execute0_lowered;
	s2 =	sadd.s32 s2, s4;
	[dreg:$0x0] =	wrdreg $0x0  }
0xa8: {  	s4 =	sshll.u32 s28, $0x1;
	[dreg:$0x2] =	wrdreg s2  }
0xa9: {  	[dreg:$0x3] =	wrdreg s4  }
0xaa: {  	[dreg:$0x4] =	wrdreg $0xC0  }
0xab: {  	_ =	task [dreg:s6], $0x5FFFF  }
0xac: {  	[dreg:$0x1] =	wrdreg $0xFFFFFFFF  }
0xad: {  	[dreg:$0x0] =	wrdreg $0x60  }
0xae: {  	[dreg:$0x2] =	wrdreg s24  }
0xaf: {  	[dreg:$0x3] =	wrdreg $0x0  }
0xb0: {  	[dreg:$0x4] =	wrdreg $0x9  }
0xb1: {  	_ =	task.clear_ibuf [dreg:s6], $0x5FFFF;
	_ =	strace $0x9000004C  }
0xb2: {  	s29 =	simm.s32 $0x9;
	_ =	strace $0x8000004E  }
0xb3: {  	_ =	swait.ge [sflag:s29], $0x1  }
0xb4: {  	[sflag:s29] =	ssyncadd.s32 $0xFFFFFFFF  }
0xb5: {  	_ =	strace $0x9000004E  }
0xb6: {  	_ =	sfence  }
0xb7: {  	s30 =	sld [smem:$0x0];
	_ =	sdelay $0x2  }
0xb8: {  	s31 =	sshll.u32 s1, $0xD;
	s1 =	sshrl.u32 s1, $0x2  }
0xb9: {  	s3 =	sand.u32 $0x4000, s31;
	s1 =	sadd.s32 s1, s30  }
0xba: {  	s0 =	sor.u32 s3, s0;
	s1 =	sshll.u32 s1, $0x11  }
0xbb: {  	s0 =	sor.u32 s1, s0  }
0xbc: {  	s0 =	sadd.s32 $0x8F2B, s0  }
0xbd: {  	[sflag:s0] =	ssyncadd.remote.s32 $0x1  }
0xbe: {  	_ =	sfence.sel $0xFFFF  }
0xbf: {  	[dreg:$0x0] =	wrdreg $0xFFFFFFFF;
	(pc) =	sbr.abs _section_cstart, $3  }
0xc0: {  	[dreg:$0x1] =	wrdreg $0xFFFFFFFF  }
0xc1: {  	_ =	task.clear_ibuf [dreg:s6], $0x2FFFF;
	_ =	strace $0x9FFFFFFF  }
0xc2: {  	(tm) =	ssettm $0x7FFFFFFF  }
0xc3: {  	_ =	shalt  }
tec
execute0_lowered:
.L_overlay_start_1:
0x0: {  	(tag) =	ssettag $0x1  }
0x1: {  	s0 =	srdreg.scid;
	s1 =	rddreg [dreg:$0x0]  }
0x2: {  	s10 =	stileid.u32;
	s2 =	rddreg [dreg:$0x1]  }
0x3: {  	s4 =	simm.s32 $0x0;
	s14 =	simm.s32 $0x4E40;
	s15 =	simm.s32 $0x9  }
0x4: {  	s17 =	simm.s32 $0x60;
	s18 =	simm.s32 $0x9D00;
	s20 =	simm.s32 $0xA900  }
0x5: {  	s29 =	simm.s32 $0xD900;
	s16 =	simm.s32 $0x1;
	s19 =	simm.s32 $0x2  }
0x6: {  	s21 =	simm.s32 $0x4;
	s22 =	simm.s32 $0x6;
	s0 =	sand.u32 $0x1, s0  }
0x7: {  	s3 =	sshll.u32 s10, $0x1;
	[smem:$0x7FF] =	sst s4;
	s5 =	smul.u32 $0x9C00, s10  }
0x8: {  	s4 =	sadd.s32 $0x2800, s1;
	s9 =	sadd.s32 $0x33E00, s1;
	s28 =	sadd.s32 $0x49200, s2  }
0x9: {  	p0 =	seq.s32 s10, $0xF;
	s3 =	sor.u32 s0, s3;
	_ =	strace $0x8000004D  }
0xa: {  	s6 =	ssub.s32 $0x2, s0;
	s0 =	smul.u32 $0x9C400, s0;
	[dreg:$0x7] =	wrdreg s28  }
0xb: {  	s3 =	smul.u32 $0x4EC, s3;
	s7 =	sshrl.u32 s5, $0x4;
	s8 =	sshrl.u32 s6, $0x1  }
0xc: {  	s24 =	sshrl.u32 s5, $0x1;
	s7 =	sadd.s32 s7, s1;
	s6 =	ssub.s32 s6, s8  }
0xd: {  	s25 =	sadd.s32 s24, s2;
	s30 =	sadd.s32 s5, s0;
	s0 =	sshrl.u32 s0, $0x4  }
0xe: {  	s24 =	simm.s32 $0xC100;
	s3 =	sadd.s32 s3, s1;
	[dreg:$0x5] =	wrdreg s25  }
0xf: {  	s26 =	sadd.s32 $0x2A000, s7;
	s1 =	sadd.s32 $0x33240, s1;
	s31 =	sshrl.u32 s30, $0x4  }
.Ltmp0:
0x10: {  	s0 =	sadd.s32 s9, s0;
	[dreg:$0x6] =	wrdreg s26;
	(pc) =	sbr.rel .LBB2_1-.Ltmp0, $4  }
0x11: {  	s13 =	smax.u32 s6, $0x1;
	s23 =	sadd.s32 $0x20200, s3;
	[dreg:$0x8] =	wrdreg s1  }
0x12: {  	s3 =	sadd.s32 $0x16400, s3;
	s1 =	sadd.s32 s9, s31;
	[dreg:$0x3] =	wrdreg s23  }
0x13: {  	s12 =	sadd.s32 $0x9240, s0;
	s0 =	simm.s32 $0xF100;
	[dreg:$0x4] =	wrdreg s3  }
0x14: {  	s26 =	simm.s32 $0x0;
	[dreg:$0x9] =	wrdreg s1;
	s23 =	simm.s32 $0x8  }
.LBB2_4:
0x15: {  	_ =	swait.ge [sflag:s16], $0xC00  }
0x16: {  	[sflag:s16] =	ssyncset.done $0x0  }
0x17: {  	s1 =	simm.s32 $0x9CA0;
	[sflag:s16] =	ssyncadd.s32 $0xFFFFF400  }
0x18: {  	[spmem:s2] =	stream.indirect.scatter.add.bf16 [tilespmem:s18], [sflag:$0x9], $0x20, s1, s17, $0xb8;
	[tilespmem:$0xFD00] =	vst v63  }
0x19: {  	_ =	swait.ge [sflag:s15], $0xC00  }
0x1a: {  	[sflag:s15] =	ssyncset.done $0x0  }
0x1b: {  	[sflag:s15] =	ssyncadd.s32 $0xFFFFF400  }
0x1c: {  	s1 =	simm.s32 @p0 $0x1FC9;
	[bflag:$0x0] =	sbarrier.arrive $0xFFFF  }
0x1d: {  	[hbm:s12], [sflag:s1] =	dma.local @p0 [spmem:s28], $0xA00  }
0x1e: {  	s1 =	simm.s32 @p0 $0x9  }
0x1f: {  	_ =	swait.ge @p0 [sflag:s1], $0xA00  }
0x20: {  	s26 =	sadd.s32 $0x1, s26;
	[sflag:s1] =	ssyncset.done @p0 $0x0  }
0x21: {  	p1 =	sne.s32 s26, s13;
	[sflag:s1] =	ssyncadd.s32 @p0 $0xFFFFF600;
	s1 =	rddreg [dreg:$0x9]  }
0x22: {  	[hbm:s1], [sflag:s30] =	dma.local @!p0 [spmem:s31], $0x9C0  }
.Ltmp1:
0x23: {  	_ = 	snop;
	(pc) =	sbr.rel @!p1 .LBB2_5-.Ltmp1, $4  }
0x24: {  	s1 =	simm.s32 @!p0 $0x9  }
0x25: {  	_ =	swait.ge @!p0 [sflag:s1], $0x9C0  }
0x26: {  	[sflag:s1] =	ssyncset.done @!p0 $0x0  }
0x27: {  	[sflag:s1] =	ssyncadd.s32 @!p0 $0xFFFFF640  }
.LBB2_1:
0x28: {  	s1 =	simm.s32 $0x0;
	s3 =	rddreg [dreg:$0x3]  }
0x29: {  	[tilespmem:s14], [sflag:$0x9] =	stream.linear.gather [hbm4b:s3+s1], $0x2760, $0x38;
	[tilespmem:$0xFD00] =	vst v63  }
0x2a: {  	_ =	swait.ge [sflag:s15], $0x2760  }
0x2b: {  	[sflag:s15] =	ssyncset.done $0x0  }
0x2c: {  	s5 =	simm.s32 $0x75A0;
	s11 =	rddreg [dreg:$0x4];
	[sflag:s15] =	ssyncadd.s32 $0xFFFFD8A0  }
0x2d: {  	[tilespmem:s5], [sflag:$0x9] =	stream.linear.gather [hbm4b:s11+s1], $0x2760, $0x38;
	[tilespmem:$0xFD00] =	vst v63  }
0x2e: {  	_ =	swait.ge [sflag:s15], $0x2760  }
0x2f: {  	[sflag:s15] =	ssyncset.done $0x0  }
0x30: {  	[sflag:s15] =	ssyncadd.s32 $0xFFFFD8A0  }
0x31: {  	[tilespmem:s18], [sflag:$0x1] =	stream.indirect.gather [hbm4b:s4+s17], $0x20, s14, s17, $0xb8;
	[tilespmem:$0xFD00] =	vst v63  }
0x32: {  	s25 =	simm.s32 $0x4EA0  }
0x33: {  	[tilespmem:s20], [sflag:$0x2] =	stream.indirect.gather [hbm4b:s4+s17], $0x20, s25, s17, $0xb8;
	[tilespmem:$0xFD00] =	vst v63  }
0x34: {  	s3 =	simm.s32 $0x4F00;
	s5 =	simm.s32 $0xB500  }
0x35: {  	[tilespmem:s5], [sflag:$0x3] =	stream.indirect.gather [hbm4b:s4+s17], $0x20, s3, s17, $0xb8;
	[tilespmem:$0xFD00] =	vst v63  }
0x36: {  	s6 =	simm.s32 $0x4F60  }
0x37: {  	[tilespmem:s24], [sflag:$0x4] =	stream.indirect.gather [hbm4b:s4+s17], $0x20, s6, s17, $0xb8;
	[tilespmem:$0xFD00] =	vst v63  }
0x38: {  	s7 =	simm.s32 $0x4FC0;
	s8 =	simm.s32 $0xCD00  }
0x39: {  	[tilespmem:s8], [sflag:$0x5] =	stream.indirect.gather [hbm4b:s4+s17], $0x20, s7, s17, $0xb8;
	[tilespmem:$0xFD00] =	vst v63  }
0x3a: {  	s9 =	simm.s32 $0x5020;
	s1 =	rddreg [dreg:$0x7]  }
0x3b: {  	[tilespmem:s29], [sflag:$0x6] =	stream.indirect.gather [hbm4b:s4+s17], $0x20, s9, s17, $0xb8;
	[tilespmem:$0xFD00] =	vst v63  }
0x3c: {  	s10 =	simm.s32 $0x5080;
	s11 =	simm.s32 $0xE500;
	s28 =	sshrl.u32 @p0 s1, $0x3  }
0x3d: {  	[tilespmem:s11], [sflag:$0x7] =	stream.indirect.gather [hbm4b:s4+s17], $0x20, s10, s17, $0xb8;
	[tilespmem:$0xFD00] =	vst v63  }
0x3e: {  	s1 =	simm.s32 @p0 $0x1FC9;
	s25 =	simm.s32 $0x50E0;
	s3 =	rddreg [dreg:$0x8]  }
0x3f: {  	[tilespmem:s0], [sflag:$0x8] =	stream.indirect.gather [hbm4b:s4+s17], $0x20, s25, s17, $0xb8;
	[tilespmem:$0xFD00] =	vst v63  }
0x40: {  	[spmem:s28], [sflag:s1] =	dma.local @p0 [hbm:s3], $0xA00  }
0x41: {  	s1 =	simm.s32 @p0 $0x9  }
0x42: {  	_ =	swait.ge @p0 [sflag:s1], $0xA00  }
0x43: {  	s3 =	stileid.u32;
	[sflag:s1] =	ssyncset.done @p0 $0x0  }
0x44: {  	s3 =	sshll.u32 @!p0 s3, $0x6;
	[sflag:s1] =	ssyncadd.s32 @p0 $0xFFFFF600;
	s1 =	rddreg [dreg:$0x5]  }
0x45: {  	s30 =	sor.u32 @!p0 $0x1C09, s3;
	s31 =	sshrl.u32 @!p0 s1, $0x3;
	s1 =	rddreg [dreg:$0x6]  }
0x46: {  	[spmem:s31], [sflag:s30] =	dma.local @!p0 [hbm:s1], $0x9C0  }
0x47: {  	s1 =	simm.s32 @!p0 $0x9  }
0x48: {  	_ =	swait.ge @!p0 [sflag:s1], $0x9C0  }
0x49: {  	[sflag:s1] =	ssyncset.done @!p0 $0x0  }
0x4a: {  	[sflag:s1] =	ssyncadd.s32 @!p0 $0xFFFFF640  }
0x4b: {  	s1 =	simm.s32 $0x0;
	[bflag:$0x0] =	sbarrier.arrive $0xFFFF  }
.LBB2_2:
0x4c: {  	_ =	swait.ge [sflag:s16], $0xC00  }
0x4d: {  	s25 =	sshra.s32 s1, $0x2;
	[sflag:s16] =	ssyncset.done $0x0  }
0x4e: {  	s3 =	sadd.s32 $0x75A0, s25;
	[sflag:s16] =	ssyncadd.s32 $0xFFFFF400  }
0x4f: {  	[spmem:s2] =	stream.indirect.scatter.add.bf16 [tilespmem:s18], [sflag:$0x9], $0x20, s3, s17, $0xb8;
	[tilespmem:$0xFD00] =	vst v63  }
0x50: {  	_ =	swait.ge [sflag:s15], $0xC00  }
0x51: {  	[sflag:s15] =	ssyncset.done $0x0  }
0x52: {  	s9 =	sadd.s32 $0x5140, s25;
	[sflag:s15] =	ssyncadd.s32 $0xFFFFF400  }
0x53: {  	[tilespmem:s18], [sflag:$0x1] =	stream.indirect.gather [hbm4b:s4+s17], $0x20, s9, s17, $0xb8;
	[tilespmem:$0xFD00] =	vst v63  }
0x54: {  	_ =	swait.ge [sflag:s19], $0xC00  }
0x55: {  	[sflag:s19] =	ssyncset.done $0x0  }
0x56: {  	s10 =	sadd.s32 $0x7600, s25;
	[sflag:s19] =	ssyncadd.s32 $0xFFFFF400  }
0x57: {  	[spmem:s2] =	stream.indirect.scatter.add.bf16 [tilespmem:s20], [sflag:$0x9], $0x20, s10, s17, $0xb8;
	[tilespmem:$0xFD00] =	vst v63  }
0x58: {  	_ =	swait.ge [sflag:s15], $0xC00  }
0x59: {  	p1 =	seq.s32 s1, $0x9000;
	[sflag:s15] =	ssyncset.done $0x0  }
0x5a: {  	s3 =	simm.s32 @p1 $0x3;
	[sflag:s15] =	ssyncadd.s32 $0xFFFFF400  }
0x5b: {  	s6 =	sshra.s32 @p1 s1, $0x2;
	_ =	swait.ge @p1 [sflag:s3], $0xC00  }
0x5c: {  	s7 =	simm.s32 @p1 $0x60;
	s5 =	simm.s32 @p1 $0xB500;
	[sflag:s3] =	ssyncset.done @p1 $0x0  }
0x5d: {  	s8 =	simm.s32 @p1 $0x9;
	[sflag:s3] =	ssyncadd.s32 @p1 $0xFFFFF400;
	s3 =	sadd.s32 @p1 $0x7660, s6  }
0x5e: {  	[spmem:s2] =	stream.indirect.scatter.add.bf16 @p1 [tilespmem:s5], [sflag:$0x9], $0x20, s3, s7, $0xb8;
	[tilespmem:$0xFD00] =	vst v63  }
0x5f: {  	_ =	swait.ge @p1 [sflag:s8], $0xC00  }
0x60: {  	s10 =	simm.s32 @!p1 $0xA900;
	s3 =	sshra.s32 @!p1 s1, $0x2;
	[sflag:s8] =	ssyncset.done @p1 $0x0  }
0x61: {  	s5 =	simm.s32 @!p1 $0x60;
	s9 =	sadd.s32 @!p1 $0x51A0, s3;
	[sflag:s8] =	ssyncadd.s32 @p1 $0xFFFFF400  }
0x62: {  	[tilespmem:s10], [sflag:$0x2] =	stream.indirect.gather @!p1 [hbm4b:s4+s5], $0x20, s9, s5, $0xb8;
	[tilespmem:$0xFD00] =	vst v63  }
0x63: {  	s9 =	simm.s32 @!p1 $0x3  }
0x64: {  	_ =	swait.ge @!p1 [sflag:s9], $0xC00  }
0x65: {  	[sflag:s9] =	ssyncset.done @!p1 $0x0  }
0x66: {  	s10 =	simm.s32 @!p1 $0xB500;
	[sflag:s9] =	ssyncadd.s32 @!p1 $0xFFFFF400;
	s9 =	sadd.s32 @!p1 $0x7660, s3  }
0x67: {  	[spmem:s2] =	stream.indirect.scatter.add.bf16 @!p1 [tilespmem:s10], [sflag:$0x9], $0x20, s9, s5, $0xb8;
	[tilespmem:$0xFD00] =	vst v63  }
0x68: {  	s9 =	simm.s32 @!p1 $0x9  }
0x69: {  	_ =	swait.ge @!p1 [sflag:s9], $0xC00  }
0x6a: {  	[sflag:s9] =	ssyncset.done @!p1 $0x0  }
0x6b: {  	s11 =	sadd.s32 @!p1 $0x5200, s3;
	[sflag:s9] =	ssyncadd.s32 @!p1 $0xFFFFF400  }
0x6c: {  	[tilespmem:s10], [sflag:$0x3] =	stream.indirect.gather @!p1 [hbm4b:s4+s5], $0x20, s11, s5, $0xb8;
	[tilespmem:$0xFD00] =	vst v63  }
0x6d: {  	_ =	swait.ge [sflag:s21], $0xC00  }
0x6e: {  	[sflag:s21] =	ssyncset.done $0x0  }
0x6f: {  	s11 =	sadd.s32 $0x76C0, s25;
	[sflag:s21] =	ssyncadd.s32 $0xFFFFF400  }
0x70: {  	[spmem:s2] =	stream.indirect.scatter.add.bf16 [tilespmem:s24], [sflag:$0x9], $0x20, s11, s17, $0xb8;
	[tilespmem:$0xFD00] =	vst v63  }
0x71: {  	_ =	swait.ge [sflag:s15], $0xC00  }
0x72: {  	[sflag:s15] =	ssyncset.done $0x0  }
0x73: {  	s10 =	simm.s32 @p1 $0x5;
	[sflag:s15] =	ssyncadd.s32 $0xFFFFF400  }
0x74: {  	_ =	swait.ge @p1 [sflag:s10], $0xC00  }
0x75: {  	[sflag:s10] =	ssyncset.done @p1 $0x0  }
0x76: {  	s11 =	simm.s32 @p1 $0xCD00;
	[sflag:s10] =	ssyncadd.s32 @p1 $0xFFFFF400;
	s10 =	sadd.s32 @p1 $0x7720, s6  }
0x77: {  	[spmem:s2] =	stream.indirect.scatter.add.bf16 @p1 [tilespmem:s11], [sflag:$0x9], $0x20, s10, s7, $0xb8;
	[tilespmem:$0xFD00] =	vst v63  }
0x78: {  	_ =	swait.ge @p1 [sflag:s8], $0xC00  }
0x79: {  	[sflag:s8] =	ssyncset.done @p1 $0x0  }
0x7a: {  	s10 =	sadd.s32 @!p1 $0x5260, s3;
	s11 =	simm.s32 @!p1 $0xC100;
	[sflag:s8] =	ssyncadd.s32 @p1 $0xFFFFF400  }
0x7b: {  	[tilespmem:s11], [sflag:$0x4] =	stream.indirect.gather @!p1 [hbm4b:s4+s5], $0x20, s10, s5, $0xb8;
	[tilespmem:$0xFD00] =	vst v63  }
0x7c: {  	s10 =	simm.s32 @!p1 $0x5  }
0x7d: {  	_ =	swait.ge @!p1 [sflag:s10], $0xC00  }
0x7e: {  	[sflag:s10] =	ssyncset.done @!p1 $0x0  }
0x7f: {  	s11 =	simm.s32 @!p1 $0xCD00;
	[sflag:s10] =	ssyncadd.s32 @!p1 $0xFFFFF400;
	s10 =	sadd.s32 @!p1 $0x7720, s3  }
0x80: {  	[spmem:s2] =	stream.indirect.scatter.add.bf16 @!p1 [tilespmem:s11], [sflag:$0x9], $0x20, s10, s5, $0xb8;
	[tilespmem:$0xFD00] =	vst v63  }
0x81: {  	_ =	swait.ge @!p1 [sflag:s9], $0xC00  }
0x82: {  	[sflag:s9] =	ssyncset.done @!p1 $0x0  }
0x83: {  	s10 =	sadd.s32 @!p1 $0x52C0, s3;
	[sflag:s9] =	ssyncadd.s32 @!p1 $0xFFFFF400  }
0x84: {  	[tilespmem:s11], [sflag:$0x5] =	stream.indirect.gather @!p1 [hbm4b:s4+s5], $0x20, s10, s5, $0xb8;
	[tilespmem:$0xFD00] =	vst v63  }
0x85: {  	_ =	swait.ge [sflag:s22], $0xC00  }
0x86: {  	[sflag:s22] =	ssyncset.done $0x0  }
0x87: {  	s11 =	sadd.s32 $0x7780, s25;
	[sflag:s22] =	ssyncadd.s32 $0xFFFFF400  }
0x88: {  	[spmem:s2] =	stream.indirect.scatter.add.bf16 [tilespmem:s29], [sflag:$0x9], $0x20, s11, s17, $0xb8;
	[tilespmem:$0xFD00] =	vst v63  }
0x89: {  	_ =	swait.ge [sflag:s15], $0xC00  }
0x8a: {  	[sflag:s15] =	ssyncset.done $0x0  }
0x8b: {  	s10 =	simm.s32 @p1 $0x7;
	[sflag:s15] =	ssyncadd.s32 $0xFFFFF400  }
0x8c: {  	_ =	swait.ge @p1 [sflag:s10], $0xC00  }
0x8d: {  	[sflag:s10] =	ssyncset.done @p1 $0x0  }
0x8e: {  	s6 =	sadd.s32 @p1 $0x77E0, s6;
	[sflag:s10] =	ssyncadd.s32 @p1 $0xFFFFF400;
	s10 =	simm.s32 @p1 $0xE500  }
0x8f: {  	[spmem:s2] =	stream.indirect.scatter.add.bf16 @p1 [tilespmem:s10], [sflag:$0x9], $0x20, s6, s7, $0xb8;
	[tilespmem:$0xFD00] =	vst v63  }
0x90: {  	_ =	swait.ge @p1 [sflag:s8], $0xC00  }
0x91: {  	[sflag:s8] =	ssyncset.done @p1 $0x0  }
0x92: {  	s6 =	sadd.s32 @!p1 $0x5320, s3;
	s7 =	simm.s32 @!p1 $0xD900;
	[sflag:s8] =	ssyncadd.s32 @p1 $0xFFFFF400  }
0x93: {  	[tilespmem:s7], [sflag:$0x6] =	stream.indirect.gather @!p1 [hbm4b:s4+s5], $0x20, s6, s5, $0xb8;
	[tilespmem:$0xFD00] =	vst v63  }
0x94: {  	s6 =	simm.s32 @!p1 $0x7  }
0x95: {  	_ =	swait.ge @!p1 [sflag:s6], $0xC00  }
0x96: {  	[sflag:s6] =	ssyncset.done @!p1 $0x0  }
0x97: {  	s7 =	simm.s32 @!p1 $0xE500;
	[sflag:s6] =	ssyncadd.s32 @!p1 $0xFFFFF400;
	s6 =	sadd.s32 @!p1 $0x77E0, s3  }
0x98: {  	[spmem:s2] =	stream.indirect.scatter.add.bf16 @!p1 [tilespmem:s7], [sflag:$0x9], $0x20, s6, s5, $0xb8;
	[tilespmem:$0xFD00] =	vst v63  }
0x99: {  	_ =	swait.ge @!p1 [sflag:s9], $0xC00  }
0x9a: {  	[sflag:s9] =	ssyncset.done @!p1 $0x0  }
0x9b: {  	s3 =	sadd.s32 @!p1 $0x5380, s3;
	[sflag:s9] =	ssyncadd.s32 @!p1 $0xFFFFF400  }
0x9c: {  	[tilespmem:s7], [sflag:$0x7] =	stream.indirect.gather @!p1 [hbm4b:s4+s5], $0x20, s3, s5, $0xb8;
	[tilespmem:$0xFD00] =	vst v63  }
0x9d: {  	_ =	swait.ge [sflag:s23], $0xC00  }
0x9e: {  	[sflag:s23] =	ssyncset.done $0x0  }
.Ltmp2:
0x9f: {  	s11 =	sadd.s32 $0x7840, s25;
	[sflag:s23] =	ssyncadd.s32 $0xFFFFF400;
	(pc) =	sbr.rel @p1 .LBB2_4-.Ltmp2, $4  }
0xa0: {  	[spmem:s2] =	stream.indirect.scatter.add.bf16 [tilespmem:s0], [sflag:$0x9], $0x20, s11, s17, $0xb8;
	[tilespmem:$0xFD00] =	vst v63  }
0xa1: {  	_ =	swait.ge [sflag:s15], $0xC00  }
0xa2: {  	[sflag:s15] =	ssyncset.done $0x0  }
0xa3: {  	[sflag:s15] =	ssyncadd.s32 $0xFFFFF400  }
.Ltmp3:
0xa4: {  	(pc) =	sbr.rel .LBB2_2-.Ltmp3, $3  }
0xa5: {  	_ =	sdelay $0x1  }
0xa6: {  	s3 =	sadd.s32 $0x53E0, s25;
	s1 =	sadd.s32 $0xC00, s1  }
0xa7: {  	[tilespmem:s0], [sflag:$0x8] =	stream.indirect.gather [hbm4b:s4+s17], $0x20, s3, s17, $0xb8;
	[tilespmem:$0xFD00] =	vst v63  }
.LBB2_5:
0xa8: {  	_ =	sfence.sel $0x180000  }
0xa9: {  	[bflag:$0x0] =	sbarrier.arrive $0xFFFF  }
0xaa: {  	_ =	strace $0x9000004D  }
0xab: {  	s0 =	stileid.u32;
	[bflag:$0x2] =	sbarrier.arrive $0xFFFF  }
0xac: {  	p0 =	sne.s32 s0, $0x0;
	s0 =	rddreg [dreg:$0x2]  }
0xad: {  	s0 =	sadd.s32 @!p0 $0x100000, s0  }
0xae: {  	[sflag:s0] =	ssyncadd.tile.s32 @!p0 $0x1;
	_ =	shalt  }
.Lfunc_end2:
_tile_overlayer_lowered:
.L_overlay_start_2:
0xaf: {  	(tag) =	ssettag $0x2  }
0xb0: {  	s0 =	rddreg [dreg:$0x0];
	s2 =	stileid.u32  }
0xb1: {  	s1 =	rddreg [dreg:$0x1];
	p0 =	sne.s32 s2, $0x0  }
0xb2: {  	s3 =	rddreg [dreg:$0x2];
	[bflag:$0x3] =	sbarrier.arrive $0xFFFF;
	s2 =	simm.s32 @!p0 $0x1C09  }
0xb3: {  	[timem:s3], [sflag:s2] =	dma.local @!p0 [hbm:s0], s1  }
0xb4: {  	s0 =	simm.s32 @!p0 $0x9  }
0xb5: {  	_ =	swait.ge @!p0 [sflag:s0], s1  }
0xb6: {  	s1 =	ssub.s32 @!p0 $0x0, s1;
	[sflag:s0] =	ssyncset.done @!p0 $0x0  }
0xb7: {  	[sflag:s0] =	ssyncadd.s32 @!p0 s1  }
0xb8: {  	[bflag:$0x3] =	sbarrier.arrive $0xFFFF  }
0xb9: {  	_ =	shalt  }

// kernel: kernel.8.cloned.1.call-start
scs
__scs_entry_jumppad:
0x0: {  	(pc) =	sbr.rel $0x88, $3  }
0x1: {  	(tag) =	ssettag $0x0;
	lr =	simm.s32 $0x1  }
0x2: {  	[smem:$0x3F91] =	sst lr;
	_ =	strace $0xD0000000  }
0x3: {  	_ = 	snop  }
0x4: {  	_ = 	snop  }
0x5: {  	_ = 	snop  }
0x6: {  	_ = 	snop  }
0x7: {  	_ = 	snop  }
__scs_overlays_trampoline_lowered:
0x8: {  	[smem:$0x3FA0] =	sst s0  }
0x9: {  	[smem:$0x3FA1] =	sst s1  }
0xa: {  	[smem:$0x3FA2] =	sst s2  }
0xb: {  	[smem:$0x3FA3] =	sst s3  }
0xc: {  	[smem:$0x3FA4] =	sst s4  }
0xd: {  	[smem:$0x3FA5] =	sst s5  }
0xe: {  	[smem:$0x3FA6] =	sst s6  }
0xf: {  	[smem:$0x3FA7] =	sst s7  }
0x10: {  	[smem:$0x3FA8] =	sst s8  }
0x11: {  	[smem:$0x3FA9] =	sst s9;
	s0 =	simm.s32 @!p0 $0x0  }
0x12: {  	s1 =	sld [smem:$0x3F8F];
	s0 =	simm.s32 @p0 $0x1  }
0x13: {  	[smem:$0x3FAA] =	sst s0;
	s0 =	simm.s32 @!p1 $0x0  }
0x14: {  	s2 =	sld [smem:$0x3F8E];
	s0 =	simm.s32 @p1 $0x1  }
0x15: {  	[smem:$0x3FAB] =	sst s0;
	s0 =	simm.s32 @!p2 $0x0  }
0x16: {  	s3 =	sld [smem:$0x3FDB];
	s0 =	simm.s32 @p2 $0x1  }
0x17: {  	s4 =	simm.s32 $0x1BF5;
	[smem:$0x3FAD] =	sst s0  }
0x18: {  	s0 =	sld [smem:$0x3F90];
	_ =	swait.ge [sflag:s4], $0x0  }
0x19: {  	s7 =	sld [smem:$0x3F91]  }
0x1a: {  	s8 =	sadd.s32 $0xFFFFE003, lr  }
0x1b: {  	s9 =	sadd.s32 $0xFFFFFEF7, lr;
	s5 =	simm.s32 $0xFFFFFFFF;
	p2 =	slt.u32 s8, $0xFFFFF086  }
0x1c: {  	p1 =	slt.u32 s9, $0xF7A;
	s5 =	simm.s32 @!p2 $0x0  }
0x1d: {  	s5 =	simm.s32 @p1 $0x1;
	p0 =	seq.s32 s7, s2  }
0x1e: {  	s7 =	smul.u32 @!p0 $0xF7A, s2;
	p2 =	seq.s32 @!p0 s5, $0x0  }
0x1f: {  	s9 =	smul.u32 $0xF7A, s1;
	s8 =	simm.s32 @!p0 $0x1BF5;
	p2 =	por !p2, p0  }
0x20: {  	[sflag:s8] =	ssyncset.s32 @!p0 $0xFFFFF086;
	s6 =	sadd.s32 @!p0 s3, s7;
	s7 =	simm.s32 @!p0 $0x108  }
0x21: {  	s3 =	sadd.s32 s3, s9;
	s6 =	sadd.s32 @!p0 $0x88, s6;
	s7 =	simm.s32 @p2 $0x1082  }
0x22: {  	[simem:s7], [sflag:s8] =	dma.local @!p0 [hbm:s6], $0xF7A  }
0x23: {  	s9 =	sor.u32 $0xD0000000, s2;
	s6 =	simm.s32 $0x108;
	_ =	swait.ge @!p0 [sflag:s8], $0x0  }
0x24: {  	s3 =	sadd.s32 $0x88, s3;
	s6 =	simm.s32 @!p1 $0x1082;
	[sflag:s4] =	ssyncset.s32 $0xFFFFF086  }
0x25: {  	[simem:s6], [sflag:s4] =	dma.local [hbm:s3], $0xF7A  }
0x26: {  	[smem:$0x3F91] =	sst s1;
	(tag) =	ssettag s2;
	_ =	strace s9  }
0x27: {  	s1 =	sld [smem:$0x3FA1]  }
0x28: {  	s2 =	sld [smem:$0x3FA2]  }
0x29: {  	s4 =	sld [smem:$0x3FA4]  }
0x2a: {  	p0 =	seq.s32 s5, $0x0;
	s5 =	sld [smem:$0x3FA5]  }
0x2b: {  	s6 =	sld [smem:$0x3FA6]  }
0x2c: {  	s7 =	sld [smem:$0x3FA7]  }
0x2d: {  	s3 =	simm.s32 $0x108;
	s8 =	sld [smem:$0x3FA8]  }
0x2e: {  	s3 =	simm.s32 @!p0 $0x1082;
	s9 =	sld [smem:$0x3FA9]  }
0x2f: {  	lr =	sadd.s32 s0, s3;
	s0 =	sld [smem:$0x3FA0]  }
0x30: {  	s3 =	sld [smem:$0x3FA3]  }
0x31: {  	[smem:$0x3FAC] =	sst s10  }
0x32: {  	s10 =	sld [smem:$0x3FAA];
	_ =	sdelay $0x3  }
0x33: {  	p0 =	seq.s32 s10, $0x1;
	s10 =	sld [smem:$0x3FAC];
	_ =	sdelay $0x3  }
0x34: {  	[smem:$0x3FAC] =	sst s10  }
0x35: {  	s10 =	sld [smem:$0x3FAB];
	_ =	sdelay $0x3  }
0x36: {  	p1 =	seq.s32 s10, $0x1;
	s10 =	sld [smem:$0x3FAC];
	_ =	sdelay $0x3  }
0x37: {  	[smem:$0x3FAC] =	sst s10  }
0x38: {  	s10 =	sld [smem:$0x3FAD]  }
0x39: {  	_ = 	snop;
	(pc) =	sbr.ind lr, $3  }
0x3a: {  	_ = 	snop  }
0x3b: {  	_ = 	snop  }
0x3c: {  	p2 =	seq.s32 s10, $0x1;
	s10 =	sld [smem:$0x3FAC]  }
0x3d: {  	_ =	shalt  }
0x3e: {  	_ =	shalt  }
0x3f: {  	_ =	shalt  }
0x40: {  	_ =	shalt  }
0x41: {  	_ =	shalt  }
0x42: {  	_ =	shalt  }
0x43: {  	_ =	shalt  }
0x44: {  	_ =	shalt  }
0x45: {  	_ =	shalt  }
0x46: {  	_ =	shalt  }
0x47: {  	_ =	shalt  }
0x48: {  	_ =	shalt  }
0x49: {  	_ =	shalt  }
0x4a: {  	_ =	shalt  }
0x4b: {  	_ =	shalt  }
0x4c: {  	_ =	shalt  }
0x4d: {  	_ =	shalt  }
0x4e: {  	_ =	shalt  }
0x4f: {  	_ =	shalt  }
0x50: {  	_ =	shalt  }
0x51: {  	_ =	shalt  }
0x52: {  	_ =	shalt  }
0x53: {  	_ =	shalt  }
0x54: {  	_ =	shalt  }
0x55: {  	_ =	shalt  }
0x56: {  	_ =	shalt  }
0x57: {  	_ =	shalt  }
0x58: {  	_ =	shalt  }
0x59: {  	_ =	shalt  }
0x5a: {  	_ =	shalt  }
0x5b: {  	_ =	shalt  }
0x5c: {  	_ =	shalt  }
0x5d: {  	_ =	shalt  }
0x5e: {  	_ =	shalt  }
0x5f: {  	_ =	shalt  }
0x60: {  	_ =	shalt  }
0x61: {  	_ =	shalt  }
0x62: {  	_ =	shalt  }
0x63: {  	_ =	shalt  }
0x64: {  	_ =	shalt  }
0x65: {  	_ =	shalt  }
0x66: {  	_ =	shalt  }
0x67: {  	_ =	shalt  }
0x68: {  	_ =	shalt  }
0x69: {  	_ =	shalt  }
0x6a: {  	_ =	shalt  }
0x6b: {  	_ =	shalt  }
0x6c: {  	_ =	shalt  }
0x6d: {  	_ =	shalt  }
0x6e: {  	_ =	shalt  }
0x6f: {  	_ =	shalt  }
0x70: {  	_ =	shalt  }
0x71: {  	_ =	shalt  }
0x72: {  	_ =	shalt  }
0x73: {  	_ =	shalt  }
0x74: {  	_ =	shalt  }
0x75: {  	_ =	shalt  }
0x76: {  	_ =	shalt  }
0x77: {  	_ =	shalt  }
0x78: {  	_ =	shalt  }
0x79: {  	_ =	shalt  }
0x7a: {  	_ =	shalt  }
0x7b: {  	_ =	shalt  }
0x7c: {  	_ =	shalt  }
0x7d: {  	_ =	shalt  }
0x7e: {  	_ =	shalt  }
0x7f: {  	_ =	shalt  }
0x80: {  	_ =	shalt  }
0x81: {  	_ =	shalt  }
0x82: {  	_ =	shalt  }
0x83: {  	_ =	shalt  }
0x84: {  	_ =	shalt  }
0x85: {  	_ =	shalt  }
0x86: {  	_ =	shalt  }
0x87: {  	_ =	shalt  }
.Lfunc_end0:
.L_simem_size_0:
called_computation_lowered:
.L_overlay_start_0:
0x88: {  	s2 =	sld [smem:$0x3FD9]  }
0x89: {  	s3 =	sld [smem:$0x3FFE];
	_ =	sdelay $0x1  }
0x8a: {  	s1 =	srdreg.scid  }
0x8b: {  	s0 =	sand.u32 $0x1, s1  }
0x8c: {  	s16 =	sshll.u32 s0, $0xA;
	s2 =	sadd.s32 s3, s2  }
0x8d: {  	s2 =	sadd.s32 s2, s16  }
0x8e: {  	[smem:$0x3FB8] =	sst s2  }
0x8f: {  	_ = 	snop  }
0x90: {  	(tm) =	ssettm $0x1  }
0x91: {  	s17 =	sld [smem:$0x3FFB];
	_ =	sdelay $0x3  }
0x92: {  	_ =	strace s17  }
0x93: {  	s2 =	sld [smem:$0x3FFC];
	_ =	sdelay $0x3  }
0x94: {  	_ =	strace s2  }
0x95: {  	s2 =	sld [smem:$0x3FFD];
	_ =	sdelay $0x3  }
0x96: {  	_ =	strace s2  }
0x97: {  	_ =	strace $0x8FFFFFFF  }
0x98: {  	s18 =	sld [smem:$0x3FDB];
	_ =	sdelay $0x1  }
0x99: {  	s19 =	simm.s32 $_scs_section_size  }
0x9a: {  	s4 =	simm.s32 $_size__tile_overlayer_lowered;
	s5 =	simm.s32 $_tile_overlayer_lowered  }
0x9b: {  	s22 =	simm.s32 $0x1BFF;
	s21 =	sshll.u32 s5, $0x1;
	s2 =	sadd.s32 s19, s18  }
0x9c: {  	s6 =	simm.s32 $0x0;
	s20 =	sshll.u32 s4, $0x1;
	s4 =	sadd.s32 s21, s2  }
0x9d: {  	[timem:s6], [sflag:s22] =	dma.local [hbm:s4], s20  }
0x9e: {  	_ =	swait.ge [sflag:s22], s20  }
0x9f: {  	s3 =	ssub.s32 $0x0, s20;
	[sflag:s22] =	ssyncset.done $0x0  }
0xa0: {  	[sflag:s22] =	ssyncadd.s32 s3;
	_ =	sdelay $0x1  }
0xa1: {  	s23 =	simm.s32 $0x1B8B  }
0xa2: {  	_ =	swait.ge [sflag:s23], $0x1  }
0xa3: {  	[sflag:s23] =	ssyncset.done $0x0  }
0xa4: {  	s25 =	simm.s32 $0x1B8E;
	s24 =	sld [smem:$0x3FFE];
	[sflag:s23] =	ssyncadd.s32 $0xFFFFFFFF  }
0xa5: {  	s26 =	simm.s32 $execute0_lowered;
	[smem:$0x3FD2] =	sst s25  }
0xa6: {  	s4 =	sshll.u32 s26, $0x1;
	_ =	strace $0x80000046;
	[dreg:$0x1] =	wrdreg $0xFFFFFFFF  }
0xa7: {  	s28 =	simm.s32 $_size_execute0_lowered;
	s2 =	sadd.s32 s2, s4;
	[dreg:$0x0] =	wrdreg $0x0  }
0xa8: {  	s4 =	sshll.u32 s28, $0x1;
	[dreg:$0x2] =	wrdreg s2  }
0xa9: {  	[dreg:$0x3] =	wrdreg s4  }
0xaa: {  	[dreg:$0x4] =	wrdreg $0xC0  }
0xab: {  	_ =	task [dreg:s6], $0x5FFFF  }
0xac: {  	[dreg:$0x1] =	wrdreg $0xFFFFFFFF  }
0xad: {  	[dreg:$0x0] =	wrdreg $0x60  }
0xae: {  	[dreg:$0x2] =	wrdreg s24  }
0xaf: {  	[dreg:$0x3] =	wrdreg $0x9  }
0xb0: {  	_ =	task.clear_ibuf [dreg:s6], $0x4FFFF;
	_ =	strace $0x90000046  }
0xb1: {  	s29 =	simm.s32 $0x9;
	_ =	strace $0x80000048  }
0xb2: {  	_ =	swait.ge [sflag:s29], $0x1  }
0xb3: {  	[sflag:s29] =	ssyncadd.s32 $0xFFFFFFFF  }
0xb4: {  	_ =	strace $0x90000048  }
0xb5: {  	_ =	sfence  }
0xb6: {  	s30 =	sld [smem:$0x0];
	_ =	sdelay $0x2  }
0xb7: {  	s31 =	sshll.u32 s1, $0xD;
	s1 =	sshrl.u32 s1, $0x2  }
0xb8: {  	s3 =	sand.u32 $0x4000, s31;
	s1 =	sadd.s32 s1, s30  }
0xb9: {  	s0 =	sor.u32 s3, s0;
	s1 =	sshll.u32 s1, $0x11  }
0xba: {  	s0 =	sor.u32 s1, s0  }
0xbb: {  	s0 =	sadd.s32 $0x8F2B, s0  }
0xbc: {  	[sflag:s0] =	ssyncadd.remote.s32 $0x1  }
0xbd: {  	_ =	sfence.sel $0xFFFF  }
0xbe: {  	[dreg:$0x0] =	wrdreg $0xFFFFFFFF;
	(pc) =	sbr.abs _section_cstart, $3  }
0xbf: {  	[dreg:$0x1] =	wrdreg $0xFFFFFFFF  }
0xc0: {  	_ =	task.clear_ibuf [dreg:s6], $0x2FFFF;
	_ =	strace $0x9FFFFFFF  }
0xc1: {  	(tm) =	ssettm $0x7FFFFFFF  }
tec
execute0_lowered:
.L_overlay_start_1:
0x0: {  	(tag) =	ssettag $0x1  }
0x1: {  	s1 =	srdreg.scid;
	s0 =	stileid.u32  }
0x2: {  	s3 =	sand.u32 $0x1, s1;
	s30 =	sshll.u32 s0, $0x1  }
0x3: {  	s1 =	sor.u32 s3, s30  }
0x4: {  	s4 =	rddreg [dreg:$0x0];
	s2 =	simm.s32 $0x0;
	s5 =	smul.u32 $0x2710, s1  }
0x5: {  	s10 =	simm.s32 $0x2780;
	s11 =	simm.s32 $0x1;
	s12 =	simm.s32 $0x0  }
0x6: {  	[smem:$0x7FF] =	sst s2;
	s3 =	ssub.s32 $0x2, s3;
	s5 =	sshrl.u32 s5, $0x3  }
0x7: {  	s1 =	rddreg [dreg:$0x1];
	s31 =	sshrl.u32 s3, $0x1;
	s9 =	sadd.s32 s5, s4  }
0x8: {  	_ =	strace $0x80000047;
	s4 =	ssub.s32 s3, s31;
	s3 =	sadd.s32 $0xC600, s9  }
0x9: {  	s4 =	smax.u32 s4, $0x1;
	s5 =	sadd.s32 $0x2800, s9;
	s6 =	sadd.s32 $0x28FA, s9  }
0xa: {  	v0 =	vimm.f32 $0.0e+00;
	v1 =	vimm.f32 $1.000000000e+00;
	s7 =	sadd.s32 $0x29F4, s9;
	s8 =	sadd.s32 $0x2AEE, s9;
	s9 =	sadd.s32 $0x2BE8, s9  }
.LBB2_1:
0xb: {  	s13 =	simm.s32 $0x40;
	s14 =	simm.s32 $0x0  }
.LBB2_2:
0xc: {  	p0 =	sne.s32 s13, $0x9C00;
	[tilespmem:s14+$0x0] =	vst v0;
	s14 =	smov.u32 s13;
	s13 =	sadd.s32 $0x40, s13  }
.Ltmp0:
0xd: {  	(pc) =	sbr.rel @p0 .LBB2_2-.Ltmp0, $2  }
0xe: {  	_ =	sdelay $0x2  }
0xf: {  	s14 =	sshra.s32 s14, $0x2  }
0x10: {  	[tilespmem:s14+$0x0] =	vst v0;
	s13 =	simm.s32 $0x0  }
0x11: {  	[tilespmem:s10], [sflag:$0x1] =	stream.linear.gather [hbm4b:s5+s13], $0x7D0, $0x38;
	[tilespmem:$0x2F80] =	vst v63  }
0x12: {  	_ =	swait.ge [sflag:s11], $0x7D0  }
0x13: {  	[sflag:s11] =	ssyncset.done $0x0  }
0x14: {  	s14 =	simm.s32 $0x0;
	s13 =	simm.s32 $0x40;
	[sflag:s11] =	ssyncadd.s32 $0xFFFFF830  }
.LBB2_4:
0x15: {  	p0 =	sne.s32 s13, $0x1F00;
	v2 =	vld [tilespmem:s14+$0x2780];
	_ =	sdelay $0x3  }
.Ltmp1:
0x16: {  	(pc) =	sbr.rel @p0 .LBB2_4-.Ltmp1, $2  }
0x17: {  	_ =	sdelay $0x2  }
0x18: {  	s14 =	sshra.s32 s13, $0x2;
	s13 =	sadd.s32 $0x40, s13;
	[tilespmem:v2+s2+$0x0] =	vst.idx.add.f32.msk $0xffff, v1  }
0x19: {  	v2 =	vld [tilespmem:s14+$0x2780];
	_ =	sdelay $0x7  }
0x1a: {  	s13 =	simm.s32 $0x0;
	[tilespmem:v2+s2+$0x0] =	vst.idx.add.f32.msk $0xffff, v1  }
0x1b: {  	[tilespmem:s10], [sflag:$0x1] =	stream.linear.gather [hbm4b:s6+s13], $0x7D0, $0x38;
	[tilespmem:$0x2F80] =	vst v63  }
0x1c: {  	_ =	swait.ge [sflag:s11], $0x7D0  }
0x1d: {  	[sflag:s11] =	ssyncset.done $0x0  }
0x1e: {  	s14 =	simm.s32 $0x0;
	s13 =	simm.s32 $0x40;
	[sflag:s11] =	ssyncadd.s32 $0xFFFFF830  }
.LBB2_6:
0x1f: {  	p0 =	sne.s32 s13, $0x1F00;
	v2 =	vld [tilespmem:s14+$0x2780];
	_ =	sdelay $0x3  }
.Ltmp2:
0x20: {  	(pc) =	sbr.rel @p0 .LBB2_6-.Ltmp2, $2  }
0x21: {  	_ =	sdelay $0x2  }
0x22: {  	s14 =	sshra.s32 s13, $0x2;
	s13 =	sadd.s32 $0x40, s13;
	[tilespmem:v2+s2+$0x0] =	vst.idx.add.f32.msk $0xffff, v1  }
0x23: {  	v2 =	vld [tilespmem:s14+$0x2780];
	_ =	sdelay $0x7  }
0x24: {  	s13 =	simm.s32 $0x0;
	[tilespmem:v2+s2+$0x0] =	vst.idx.add.f32.msk $0xffff, v1  }
0x25: {  	[tilespmem:s10], [sflag:$0x1] =	stream.linear.gather [hbm4b:s7+s13], $0x7D0, $0x38;
	[tilespmem:$0x2F80] =	vst v63  }
0x26: {  	_ =	swait.ge [sflag:s11], $0x7D0  }
0x27: {  	[sflag:s11] =	ssyncset.done $0x0  }
0x28: {  	s14 =	simm.s32 $0x0;
	s13 =	simm.s32 $0x40;
	[sflag:s11] =	ssyncadd.s32 $0xFFFFF830  }
.LBB2_8:
0x29: {  	p0 =	sne.s32 s13, $0x1F00;
	v2 =	vld [tilespmem:s14+$0x2780];
	_ =	sdelay $0x3  }
.Ltmp3:
0x2a: {  	(pc) =	sbr.rel @p0 .LBB2_8-.Ltmp3, $2  }
0x2b: {  	_ =	sdelay $0x2  }
0x2c: {  	s14 =	sshra.s32 s13, $0x2;
	s13 =	sadd.s32 $0x40, s13;
	[tilespmem:v2+s2+$0x0] =	vst.idx.add.f32.msk $0xffff, v1  }
0x2d: {  	v2 =	vld [tilespmem:s14+$0x2780];
	_ =	sdelay $0x7  }
0x2e: {  	s13 =	simm.s32 $0x0;
	[tilespmem:v2+s2+$0x0] =	vst.idx.add.f32.msk $0xffff, v1  }
0x2f: {  	[tilespmem:s10], [sflag:$0x1] =	stream.linear.gather [hbm4b:s8+s13], $0x7D0, $0x38;
	[tilespmem:$0x2F80] =	vst v63  }
0x30: {  	_ =	swait.ge [sflag:s11], $0x7D0  }
0x31: {  	[sflag:s11] =	ssyncset.done $0x0  }
0x32: {  	s14 =	simm.s32 $0x0;
	s13 =	simm.s32 $0x40;
	[sflag:s11] =	ssyncadd.s32 $0xFFFFF830  }
.LBB2_10:
0x33: {  	p0 =	sne.s32 s13, $0x1F00;
	v2 =	vld [tilespmem:s14+$0x2780];
	_ =	sdelay $0x3  }
.Ltmp4:
0x34: {  	(pc) =	sbr.rel @p0 .LBB2_10-.Ltmp4, $2  }
0x35: {  	_ =	sdelay $0x2  }
0x36: {  	s14 =	sshra.s32 s13, $0x2;
	s13 =	sadd.s32 $0x40, s13;
	[tilespmem:v2+s2+$0x0] =	vst.idx.add.f32.msk $0xffff, v1  }
0x37: {  	v2 =	vld [tilespmem:s14+$0x2780];
	_ =	sdelay $0x7  }
0x38: {  	s13 =	simm.s32 $0x0;
	[tilespmem:v2+s2+$0x0] =	vst.idx.add.f32.msk $0xffff, v1  }
0x39: {  	[tilespmem:s10], [sflag:$0x1] =	stream.linear.gather [hbm4b:s9+s13], $0x7D0, $0x38;
	[tilespmem:$0x2F80] =	vst v63  }
0x3a: {  	_ =	swait.ge [sflag:s11], $0x7D0  }
0x3b: {  	[sflag:s11] =	ssyncset.done $0x0  }
0x3c: {  	s14 =	simm.s32 $0x0;
	s13 =	simm.s32 $0x40;
	[sflag:s11] =	ssyncadd.s32 $0xFFFFF830  }
.LBB2_12:
0x3d: {  	p0 =	sne.s32 s13, $0x1F00;
	v2 =	vld [tilespmem:s14+$0x2780];
	_ =	sdelay $0x3  }
.Ltmp5:
0x3e: {  	(pc) =	sbr.rel @p0 .LBB2_12-.Ltmp5, $2  }
0x3f: {  	_ =	sdelay $0x2  }
0x40: {  	s14 =	sshra.s32 s13, $0x2;
	s13 =	sadd.s32 $0x40, s13;
	[tilespmem:v2+s2+$0x0] =	vst.idx.add.f32.msk $0xffff, v1  }
0x41: {  	v2 =	vld [tilespmem:s14+$0x2780];
	_ =	sdelay $0x5  }
0x42: {  	s12 =	sadd.s32 $0x1, s12  }
0x43: {  	p0 =	sne.s32 s12, s4  }
.Ltmp6:
0x44: {  	[tilespmem:v2+s2+$0x0] =	vst.idx.add.f32.msk $0xffff, v1;
	(pc) =	sbr.rel @p0 .LBB2_1-.Ltmp6, $4  }
0x45: {  	[hbm4b:s3+s2] =	stream.linear.scatter [tilespmem:s2], [sflag:$0x1], $0x2710, $0x38;
	[tilespmem:$0x2F80] =	vst v63  }
0x46: {  	_ =	swait.ge [sflag:s11], $0x2710  }
0x47: {  	[sflag:s11] =	ssyncset.done $0x0  }
0x48: {  	[sflag:s11] =	ssyncadd.s32 $0xFFFFD8F0  }
0x49: {  	_ =	sfence.sel $0x180000  }
0x4a: {  	[bflag:$0x0] =	sbarrier.arrive $0xFFFF  }
0x4b: {  	p0 =	sne.s32 s0, $0x0;
	_ =	strace $0x90000047  }
0x4c: {  	s0 =	sadd.s32 @!p0 $0x100000, s1;
	[bflag:$0x2] =	sbarrier.arrive $0xFFFF  }
0x4d: {  	[sflag:s0] =	ssyncadd.tile.s32 @!p0 $0x1;
	_ =	shalt  }
.Lfunc_end2:
_tile_overlayer_lowered:
.L_overlay_start_2:
0x4e: {  	(tag) =	ssettag $0x2  }
0x4f: {  	s0 =	rddreg [dreg:$0x0];
	s2 =	stileid.u32  }
0x50: {  	s1 =	rddreg [dreg:$0x1];
	p0 =	sne.s32 s2, $0x0  }
0x51: {  	s3 =	rddreg [dreg:$0x2];
	[bflag:$0x3] =	sbarrier.arrive $0xFFFF;
	s2 =	simm.s32 @!p0 $0x1C01  }
0x52: {  	[timem:s3], [sflag:s2] =	dma.local @!p0 [hbm:s0], s1  }
0x53: {  	s0 =	simm.s32 @!p0 $0x1  }
0x54: {  	_ =	swait.ge @!p0 [sflag:s0], s1  }
0x55: {  	s1 =	ssub.s32 @!p0 $0x0, s1;
	[sflag:s0] =	ssyncset.done @!p0 $0x0  }
0x56: {  	[sflag:s0] =	ssyncadd.s32 @!p0 s1  }
0x57: {  	[bflag:$0x3] =	sbarrier.arrive $0xFFFF  }
0x58: {  	_ =	shalt  }

</sc_bundles>
